<compile_context>
chip_gen: v7x
topology: tpu7x:2x2x1
jax: 0.10.2.dev20260603
libtpu: 0.0.44.dev20260713+nightly
codegen_flags: <defaults>
</compile_context>

<pallas_src>
import functools

import jax
import jax.numpy as jnp
from jax import lax
from jax.experimental import pallas as pl
from jax.experimental.pallas import tpu as pltpu
from jax.experimental.pallas import tpu_sc as plsc

B = 16384
L = 200
VOCAB = 10
DIM = 3

NUM_CORES = 2
NUM_SUBCORES = 16
NUM_WORKERS = NUM_CORES * NUM_SUBCORES

ROWS_PER_WORKER = B // NUM_WORKERS
SUBCHUNK = 128
NUM_SUBCHUNKS = ROWS_PER_WORKER // SUBCHUNK
GROUPS_PER_SUBCHUNK = SUBCHUNK // 16
L_UNROLL = 8

_mesh = plsc.VectorSubcoreMesh(core_axis_name="c", subcore_axis_name="s")


@functools.partial(
    pl.kernel,
    out_type=jax.ShapeDtypeStruct((B, DIM), jnp.float32),
    mesh=_mesh,
    scratch_types=[
        pltpu.VMEM((SUBCHUNK, L), jnp.int32),
        pltpu.VMEM((SUBCHUNK, L), jnp.int32),
        pltpu.VMEM((32,), jnp.float32),
        pltpu.VMEM((32,), jnp.float32),
        pltpu.VMEM((16, 16), jnp.float32),
        pltpu.VMEM((16, 16), jnp.float32),
        pltpu.VMEM((ROWS_PER_WORKER, DIM), jnp.float32),
    ],
    compiler_params=pltpu.CompilerParams(
        use_tc_tiling_on_sc=False, needs_layout_passes=False),
)
def _merger_kernel(f1_hbm, f2_hbm, t1_hbm, t2_hbm, out_hbm,
                   f1_v, f2_v, t1_v, t2_v, cnt1, cnt2, out_v):
    wid = lax.axis_index("s") * NUM_CORES + lax.axis_index("c")
    row_base = wid * ROWS_PER_WORKER

    pltpu.sync_copy(t1_hbm, t1_v)
    pltpu.sync_copy(t2_hbm, t2_v)

    t1_lo, t1_hi = t1_v[pl.ds(0, 16)], t1_v[pl.ds(16, 16)]
    t2_lo, t2_hi = t2_v[pl.ds(0, 16)], t2_v[pl.ds(16, 16)]

    def _entry(lo, hi, v, d):
        k = v * DIM + d
        return lo[k] if k < 16 else hi[k - 16]

    t1_s = [[_entry(t1_lo, t1_hi, v, d) for d in range(DIM)] for v in range(VOCAB)]
    t2_s = [[_entry(t2_lo, t2_hi, v, d) for d in range(DIM)] for v in range(VOCAB)]

    iota16 = lax.iota(jnp.int32, 16)
    ones16 = jnp.ones((16,), jnp.float32)
    zeros16 = jnp.zeros((16,), jnp.float32)
    inv_l = jnp.float32(1.0 / L)

    for c in range(NUM_SUBCHUNKS):
        row0 = row_base + c * SUBCHUNK
        pltpu.sync_copy(f1_hbm.at[pl.ds(row0, SUBCHUNK)], f1_v)
        pltpu.sync_copy(f2_hbm.at[pl.ds(row0, SUBCHUNK)], f2_v)

        def group_body(g, _, c=c):
            rows_g = g * 16 + iota16

            for r in range(16):
                cnt1[r, :] = zeros16
                cnt2[r, :] = zeros16

            def l_body(lb, _):
                for j in range(L_UNROLL):
                    lvec = jnp.full((16,), lb * L_UNROLL + j, jnp.int32)
                    i1 = plsc.load_gather(f1_v, [rows_g, lvec])
                    i2 = plsc.load_gather(f2_v, [rows_g, lvec])
                    plsc.addupdate_scatter(cnt1, [iota16, i1], ones16)
                    plsc.addupdate_scatter(cnt2, [iota16, i2], ones16)
                return 0

            lax.fori_loop(0, L // L_UNROLL, l_body, 0)

            acc = [zeros16, zeros16, zeros16]
            for v in range(VOCAB):
                vvec = jnp.full((16,), v, jnp.int32)
                c1 = plsc.load_gather(cnt1, [iota16, vvec])
                c2 = plsc.load_gather(cnt2, [iota16, vvec])
                for d in range(DIM):
                    acc[d] = acc[d] + c1 * t1_s[v][d] + c2 * t2_s[v][d]

            out_rows = c * SUBCHUNK + g * 16 + iota16
            for d in range(DIM):
                plsc.store_scatter(
                    out_v, [out_rows, jnp.full((16,), d, jnp.int32)],
                    acc[d] * inv_l)
            return 0

        lax.fori_loop(0, GROUPS_PER_SUBCHUNK, group_body, 0)

    pltpu.sync_copy(out_v, out_hbm.at[pl.ds(row_base, ROWS_PER_WORKER)])


def kernel(feature_1, feature_2, table_1, table_2):
    t1_flat = jnp.pad(table_1.reshape(-1), (0, 32 - VOCAB * DIM))
    t2_flat = jnp.pad(table_2.reshape(-1), (0, 32 - VOCAB * DIM))
    return _merger_kernel(feature_1, feature_2, t1_flat, t2_flat)

# --- scband reference (transcript-rebuilt; emitter-appended) ---
"""Pipeline reference for scband-embedding-merger-11879879542286 (READ-ONLY COPY).

The authoritative reference and input builder live on the scoring server;
editing this copy changes nothing except your own understanding.
"""

import jax, jax.numpy as jnp
import numpy as np

B, L = 16384, 200
VOCAB, DIM = 10, 3


def setup_inputs(seed: int = 0) -> dict:
    key = jax.random.key(seed)
    k1, k2, k3, k4 = jax.random.split(key, 4)
    feature_1 = jax.random.randint(k1, (B, L), 0, VOCAB, dtype=jnp.int32)
    feature_2 = jax.random.randint(k2, (B, L), 0, VOCAB, dtype=jnp.int32)
    # Embedding tables, one per feature (keras Embedding(10, 3) default uniform init)
    table_1 = jax.random.uniform(k3, (VOCAB, DIM), dtype=jnp.float32, minval=-0.05, maxval=0.05)
    table_2 = jax.random.uniform(k4, (VOCAB, DIM), dtype=jnp.float32, minval=-0.05, maxval=0.05)
    return {
        "feature_1": feature_1,
        "feature_2": feature_2,
        "table_1": table_1,
        "table_2": table_2,
    }


def reference(feature_1, feature_2, table_1, table_2):
    # Per-feature embedding lookup: [B, L] -> [B, L, D]
    e1 = jnp.take(table_1, feature_1, axis=0)
    e2 = jnp.take(table_2, feature_2, axis=0)
    # Mean-pool over the sequence axis (tf.reduce_mean, axis=1): [B, D]
    m1 = jnp.mean(e1, axis=1)
    m2 = jnp.mean(e2, axis=1)
    # Add() merge across features
    return m1 + m2

if __name__ == "__main__":
    import jax
    _d = setup_inputs()
    print(jax.jit(kernel)(*tuple(_d.values())))

</pallas_src>

<mosaic_0001>
#map = affine_map<(d0, d1) -> (0, 0)>
#map1 = affine_map<(d0, d1) -> (0)>
module attributes {stable_mosaic.version = 14 : i64} {
  func.func @_merger_kernel(%arg0: i32, %arg1: i32, %arg2: memref<16384x200xi32, #tpu.memory_space<hbm>>, %arg3: memref<16384x200xi32, #tpu.memory_space<hbm>>, %arg4: memref<32xf32, #tpu.memory_space<hbm>>, %arg5: memref<32xf32, #tpu.memory_space<hbm>>, %arg6: memref<16384x3xf32, #tpu.memory_space<hbm>>, %arg7: memref<128x200xi32, #tpu.memory_space<vmem>>, %arg8: memref<128x200xi32, #tpu.memory_space<vmem>>, %arg9: memref<32xf32, #tpu.memory_space<vmem>>, %arg10: memref<32xf32, #tpu.memory_space<vmem>>, %arg11: memref<16x16xf32, #tpu.memory_space<vmem>>, %arg12: memref<16x16xf32, #tpu.memory_space<vmem>>, %arg13: memref<512x3xf32, #tpu.memory_space<vmem>>) attributes {dimension_semantics = [#tpu.dimension_semantics<core_parallel>, #tpu.dimension_semantics<subcore_parallel>], iteration_bounds = array<i64: 2, 16>, scalar_prefetch = 0 : i64, scratch_operands = 7 : i64, tpu.core_type = #tpu.core_type<sc_vector_subcore>, window_params = [{transform_indices = #map}, {transform_indices = #map}, {transform_indices = #map1}, {transform_indices = #map1}, {transform_indices = #map}]} {
    %mul3A = arith.constant 2 : i32
    %mul3A_0 = arith.muli %arg1, %mul3A : i32
    %add3A = arith.addi %mul3A_0, %arg0 : i32
    %mul3A_1 = arith.constant 512 : i32
    %mul3A_2 = arith.muli %add3A, %mul3A_1 : i32
    "tpu.region"() ({
      %run_scoped3A = tpu.sem_alloc : memref<!tpu.dma_semaphore, #tpu.memory_space<semaphore_mem>>
      tpu.enqueue_dma source(%arg4 : memref<32xf32, #tpu.memory_space<hbm>>) target(%arg9 : memref<32xf32, #tpu.memory_space<vmem>>) target_semaphore(%run_scoped3A : memref<!tpu.dma_semaphore, #tpu.memory_space<semaphore_mem>>)
      tpu.wait_dma2 semaphore(%run_scoped3A : memref<!tpu.dma_semaphore, #tpu.memory_space<semaphore_mem>>) src(%arg4 : memref<32xf32, #tpu.memory_space<hbm>>) dst(%arg9 : memref<32xf32, #tpu.memory_space<vmem>>)
      tpu.yield
    }) : () -> ()
    "tpu.region"() ({
      %run_scoped3A = tpu.sem_alloc : memref<!tpu.dma_semaphore, #tpu.memory_space<semaphore_mem>>
      tpu.enqueue_dma source(%arg5 : memref<32xf32, #tpu.memory_space<hbm>>) target(%arg10 : memref<32xf32, #tpu.memory_space<vmem>>) target_semaphore(%run_scoped3A : memref<!tpu.dma_semaphore, #tpu.memory_space<semaphore_mem>>)
      tpu.wait_dma2 semaphore(%run_scoped3A : memref<!tpu.dma_semaphore, #tpu.memory_space<semaphore_mem>>) src(%arg5 : memref<32xf32, #tpu.memory_space<hbm>>) dst(%arg10 : memref<32xf32, #tpu.memory_space<vmem>>)
      tpu.yield
    }) : () -> ()
    %get3A = arith.constant 0 : index
    %get3A_3 = tpu.vector_load %arg9[%get3A] {strides = array<i32>} : memref<32xf32, #tpu.memory_space<vmem>>, vector<16xf32>,
    %get3A_4 = arith.constant 16 : index
    %get3A_5 = tpu.vector_load %arg9[%get3A_4] {strides = array<i32>} : memref<32xf32, #tpu.memory_space<vmem>>, vector<16xf32>,
    %get3A_6 = arith.constant 0 : index
    %get3A_7 = tpu.vector_load %arg10[%get3A_6] {strides = array<i32>} : memref<32xf32, #tpu.memory_space<vmem>>, vector<16xf32>,
    %get3A_8 = arith.constant 16 : index
    %get3A_9 = tpu.vector_load %arg10[%get3A_8] {strides = array<i32>} : memref<32xf32, #tpu.memory_space<vmem>>, vector<16xf32>,
    %slice3A = vector.extract_strided_slice %get3A_3 {offsets = [0], sizes = [1], strides = [1]} : vector<16xf32> to vector<1xf32>
    %squeeze3A = vector.extract %slice3A[0] : f32 from vector<1xf32>
    %slice3A_10 = vector.extract_strided_slice %get3A_3 {offsets = [1], sizes = [1], strides = [1]} : vector<16xf32> to vector<1xf32>
    %squeeze3A_11 = vector.extract %slice3A_10[0] : f32 from vector<1xf32>
    %slice3A_12 = vector.extract_strided_slice %get3A_3 {offsets = [2], sizes = [1], strides = [1]} : vector<16xf32> to vector<1xf32>
    %squeeze3A_13 = vector.extract %slice3A_12[0] : f32 from vector<1xf32>
    %slice3A_14 = vector.extract_strided_slice %get3A_3 {offsets = [3], sizes = [1], strides = [1]} : vector<16xf32> to vector<1xf32>
    %squeeze3A_15 = vector.extract %slice3A_14[0] : f32 from vector<1xf32>
    %slice3A_16 = vector.extract_strided_slice %get3A_3 {offsets = [4], sizes = [1], strides = [1]} : vector<16xf32> to vector<1xf32>
    %squeeze3A_17 = vector.extract %slice3A_16[0] : f32 from vector<1xf32>
    %slice3A_18 = vector.extract_strided_slice %get3A_3 {offsets = [5], sizes = [1], strides = [1]} : vector<16xf32> to vector<1xf32>
    %squeeze3A_19 = vector.extract %slice3A_18[0] : f32 from vector<1xf32>
    %slice3A_20 = vector.extract_strided_slice %get3A_3 {offsets = [6], sizes = [1], strides = [1]} : vector<16xf32> to vector<1xf32>
    %squeeze3A_21 = vector.extract %slice3A_20[0] : f32 from vector<1xf32>
    %slice3A_22 = vector.extract_strided_slice %get3A_3 {offsets = [7], sizes = [1], strides = [1]} : vector<16xf32> to vector<1xf32>
    %squeeze3A_23 = vector.extract %slice3A_22[0] : f32 from vector<1xf32>
    %slice3A_24 = vector.extract_strided_slice %get3A_3 {offsets = [8], sizes = [1], strides = [1]} : vector<16xf32> to vector<1xf32>
    %squeeze3A_25 = vector.extract %slice3A_24[0] : f32 from vector<1xf32>
    %slice3A_26 = vector.extract_strided_slice %get3A_3 {offsets = [9], sizes = [1], strides = [1]} : vector<16xf32> to vector<1xf32>
    %squeeze3A_27 = vector.extract %slice3A_26[0] : f32 from vector<1xf32>
    %slice3A_28 = vector.extract_strided_slice %get3A_3 {offsets = [10], sizes = [1], strides = [1]} : vector<16xf32> to vector<1xf32>
    %squeeze3A_29 = vector.extract %slice3A_28[0] : f32 from vector<1xf32>
    %slice3A_30 = vector.extract_strided_slice %get3A_3 {offsets = [11], sizes = [1], strides = [1]} : vector<16xf32> to vector<1xf32>
    %squeeze3A_31 = vector.extract %slice3A_30[0] : f32 from vector<1xf32>
    %slice3A_32 = vector.extract_strided_slice %get3A_3 {offsets = [12], sizes = [1], strides = [1]} : vector<16xf32> to vector<1xf32>
    %squeeze3A_33 = vector.extract %slice3A_32[0] : f32 from vector<1xf32>
    %slice3A_34 = vector.extract_strided_slice %get3A_3 {offsets = [13], sizes = [1], strides = [1]} : vector<16xf32> to vector<1xf32>
    %squeeze3A_35 = vector.extract %slice3A_34[0] : f32 from vector<1xf32>
    %slice3A_36 = vector.extract_strided_slice %get3A_3 {offsets = [14], sizes = [1], strides = [1]} : vector<16xf32> to vector<1xf32>
    %squeeze3A_37 = vector.extract %slice3A_36[0] : f32 from vector<1xf32>
    %slice3A_38 = vector.extract_strided_slice %get3A_3 {offsets = [15], sizes = [1], strides = [1]} : vector<16xf32> to vector<1xf32>
    %squeeze3A_39 = vector.extract %slice3A_38[0] : f32 from vector<1xf32>
    %slice3A_40 = vector.extract_strided_slice %get3A_5 {offsets = [0], sizes = [1], strides = [1]} : vector<16xf32> to vector<1xf32>
    %squeeze3A_41 = vector.extract %slice3A_40[0] : f32 from vector<1xf32>
    %slice3A_42 = vector.extract_strided_slice %get3A_5 {offsets = [1], sizes = [1], strides = [1]} : vector<16xf32> to vector<1xf32>
    %squeeze3A_43 = vector.extract %slice3A_42[0] : f32 from vector<1xf32>
    %slice3A_44 = vector.extract_strided_slice %get3A_5 {offsets = [2], sizes = [1], strides = [1]} : vector<16xf32> to vector<1xf32>
    %squeeze3A_45 = vector.extract %slice3A_44[0] : f32 from vector<1xf32>
    %slice3A_46 = vector.extract_strided_slice %get3A_5 {offsets = [3], sizes = [1], strides = [1]} : vector<16xf32> to vector<1xf32>
    %squeeze3A_47 = vector.extract %slice3A_46[0] : f32 from vector<1xf32>
    %slice3A_48 = vector.extract_strided_slice %get3A_5 {offsets = [4], sizes = [1], strides = [1]} : vector<16xf32> to vector<1xf32>
    %squeeze3A_49 = vector.extract %slice3A_48[0] : f32 from vector<1xf32>
    %slice3A_50 = vector.extract_strided_slice %get3A_5 {offsets = [5], sizes = [1], strides = [1]} : vector<16xf32> to vector<1xf32>
    %squeeze3A_51 = vector.extract %slice3A_50[0] : f32 from vector<1xf32>
    %slice3A_52 = vector.extract_strided_slice %get3A_5 {offsets = [6], sizes = [1], strides = [1]} : vector<16xf32> to vector<1xf32>
    %squeeze3A_53 = vector.extract %slice3A_52[0] : f32 from vector<1xf32>
    %slice3A_54 = vector.extract_strided_slice %get3A_5 {offsets = [7], sizes = [1], strides = [1]} : vector<16xf32> to vector<1xf32>
    %squeeze3A_55 = vector.extract %slice3A_54[0] : f32 from vector<1xf32>
    %slice3A_56 = vector.extract_strided_slice %get3A_5 {offsets = [8], sizes = [1], strides = [1]} : vector<16xf32> to vector<1xf32>
    %squeeze3A_57 = vector.extract %slice3A_56[0] : f32 from vector<1xf32>
    %slice3A_58 = vector.extract_strided_slice %get3A_5 {offsets = [9], sizes = [1], strides = [1]} : vector<16xf32> to vector<1xf32>
    %squeeze3A_59 = vector.extract %slice3A_58[0] : f32 from vector<1xf32>
    %slice3A_60 = vector.extract_strided_slice %get3A_5 {offsets = [10], sizes = [1], strides = [1]} : vector<16xf32> to vector<1xf32>
    %squeeze3A_61 = vector.extract %slice3A_60[0] : f32 from vector<1xf32>
    %slice3A_62 = vector.extract_strided_slice %get3A_5 {offsets = [11], sizes = [1], strides = [1]} : vector<16xf32> to vector<1xf32>
    %squeeze3A_63 = vector.extract %slice3A_62[0] : f32 from vector<1xf32>
    %slice3A_64 = vector.extract_strided_slice %get3A_5 {offsets = [12], sizes = [1], strides = [1]} : vector<16xf32> to vector<1xf32>
    %squeeze3A_65 = vector.extract %slice3A_64[0] : f32 from vector<1xf32>
    %slice3A_66 = vector.extract_strided_slice %get3A_5 {offsets = [13], sizes = [1], strides = [1]} : vector<16xf32> to vector<1xf32>
    %squeeze3A_67 = vector.extract %slice3A_66[0] : f32 from vector<1xf32>
    %slice3A_68 = vector.extract_strided_slice %get3A_7 {offsets = [0], sizes = [1], strides = [1]} : vector<16xf32> to vector<1xf32>
    %squeeze3A_69 = vector.extract %slice3A_68[0] : f32 from vector<1xf32>
    %slice3A_70 = vector.extract_strided_slice %get3A_7 {offsets = [1], sizes = [1], strides = [1]} : vector<16xf32> to vector<1xf32>
    %squeeze3A_71 = vector.extract %slice3A_70[0] : f32 from vector<1xf32>
    %slice3A_72 = vector.extract_strided_slice %get3A_7 {offsets = [2], sizes = [1], strides = [1]} : vector<16xf32> to vector<1xf32>
    %squeeze3A_73 = vector.extract %slice3A_72[0] : f32 from vector<1xf32>
    %slice3A_74 = vector.extract_strided_slice %get3A_7 {offsets = [3], sizes = [1], strides = [1]} : vector<16xf32> to vector<1xf32>
    %squeeze3A_75 = vector.extract %slice3A_74[0] : f32 from vector<1xf32>
    %slice3A_76 = vector.extract_strided_slice %get3A_7 {offsets = [4], sizes = [1], strides = [1]} : vector<16xf32> to vector<1xf32>
    %squeeze3A_77 = vector.extract %slice3A_76[0] : f32 from vector<1xf32>
    %slice3A_78 = vector.extract_strided_slice %get3A_7 {offsets = [5], sizes = [1], strides = [1]} : vector<16xf32> to vector<1xf32>
    %squeeze3A_79 = vector.extract %slice3A_78[0] : f32 from vector<1xf32>
    %slice3A_80 = vector.extract_strided_slice %get3A_7 {offsets = [6], sizes = [1], strides = [1]} : vector<16xf32> to vector<1xf32>
    %squeeze3A_81 = vector.extract %slice3A_80[0] : f32 from vector<1xf32>
    %slice3A_82 = vector.extract_strided_slice %get3A_7 {offsets = [7], sizes = [1], strides = [1]} : vector<16xf32> to vector<1xf32>
    %squeeze3A_83 = vector.extract %slice3A_82[0] : f32 from vector<1xf32>
    %slice3A_84 = vector.extract_strided_slice %get3A_7 {offsets = [8], sizes = [1], strides = [1]} : vector<16xf32> to vector<1xf32>
    %squeeze3A_85 = vector.extract %slice3A_84[0] : f32 from vector<1xf32>
    %slice3A_86 = vector.extract_strided_slice %get3A_7 {offsets = [9], sizes = [1], strides = [1]} : vector<16xf32> to vector<1xf32>
    %squeeze3A_87 = vector.extract %slice3A_86[0] : f32 from vector<1xf32>
    %slice3A_88 = vector.extract_strided_slice %get3A_7 {offsets = [10], sizes = [1], strides = [1]} : vector<16xf32> to vector<1xf32>
    %squeeze3A_89 = vector.extract %slice3A_88[0] : f32 from vector<1xf32>
    %slice3A_90 = vector.extract_strided_slice %get3A_7 {offsets = [11], sizes = [1], strides = [1]} : vector<16xf32> to vector<1xf32>
    %squeeze3A_91 = vector.extract %slice3A_90[0] : f32 from vector<1xf32>
    %slice3A_92 = vector.extract_strided_slice %get3A_7 {offsets = [12], sizes = [1], strides = [1]} : vector<16xf32> to vector<1xf32>
    %squeeze3A_93 = vector.extract %slice3A_92[0] : f32 from vector<1xf32>
    %slice3A_94 = vector.extract_strided_slice %get3A_7 {offsets = [13], sizes = [1], strides = [1]} : vector<16xf32> to vector<1xf32>
    %squeeze3A_95 = vector.extract %slice3A_94[0] : f32 from vector<1xf32>
    %slice3A_96 = vector.extract_strided_slice %get3A_7 {offsets = [14], sizes = [1], strides = [1]} : vector<16xf32> to vector<1xf32>
    %squeeze3A_97 = vector.extract %slice3A_96[0] : f32 from vector<1xf32>
    %slice3A_98 = vector.extract_strided_slice %get3A_7 {offsets = [15], sizes = [1], strides = [1]} : vector<16xf32> to vector<1xf32>
    %squeeze3A_99 = vector.extract %slice3A_98[0] : f32 from vector<1xf32>
    %slice3A_100 = vector.extract_strided_slice %get3A_9 {offsets = [0], sizes = [1], strides = [1]} : vector<16xf32> to vector<1xf32>
    %squeeze3A_101 = vector.extract %slice3A_100[0] : f32 from vector<1xf32>
    %slice3A_102 = vector.extract_strided_slice %get3A_9 {offsets = [1], sizes = [1], strides = [1]} : vector<16xf32> to vector<1xf32>
    %squeeze3A_103 = vector.extract %slice3A_102[0] : f32 from vector<1xf32>
    %slice3A_104 = vector.extract_strided_slice %get3A_9 {offsets = [2], sizes = [1], strides = [1]} : vector<16xf32> to vector<1xf32>
    %squeeze3A_105 = vector.extract %slice3A_104[0] : f32 from vector<1xf32>
    %slice3A_106 = vector.extract_strided_slice %get3A_9 {offsets = [3], sizes = [1], strides = [1]} : vector<16xf32> to vector<1xf32>
    %squeeze3A_107 = vector.extract %slice3A_106[0] : f32 from vector<1xf32>
    %slice3A_108 = vector.extract_strided_slice %get3A_9 {offsets = [4], sizes = [1], strides = [1]} : vector<16xf32> to vector<1xf32>
    %squeeze3A_109 = vector.extract %slice3A_108[0] : f32 from vector<1xf32>
    %slice3A_110 = vector.extract_strided_slice %get3A_9 {offsets = [5], sizes = [1], strides = [1]} : vector<16xf32> to vector<1xf32>
    %squeeze3A_111 = vector.extract %slice3A_110[0] : f32 from vector<1xf32>
    %slice3A_112 = vector.extract_strided_slice %get3A_9 {offsets = [6], sizes = [1], strides = [1]} : vector<16xf32> to vector<1xf32>
    %squeeze3A_113 = vector.extract %slice3A_112[0] : f32 from vector<1xf32>
    %slice3A_114 = vector.extract_strided_slice %get3A_9 {offsets = [7], sizes = [1], strides = [1]} : vector<16xf32> to vector<1xf32>
    %squeeze3A_115 = vector.extract %slice3A_114[0] : f32 from vector<1xf32>
    %slice3A_116 = vector.extract_strided_slice %get3A_9 {offsets = [8], sizes = [1], strides = [1]} : vector<16xf32> to vector<1xf32>
    %squeeze3A_117 = vector.extract %slice3A_116[0] : f32 from vector<1xf32>
    %slice3A_118 = vector.extract_strided_slice %get3A_9 {offsets = [9], sizes = [1], strides = [1]} : vector<16xf32> to vector<1xf32>
    %squeeze3A_119 = vector.extract %slice3A_118[0] : f32 from vector<1xf32>
    %slice3A_120 = vector.extract_strided_slice %get3A_9 {offsets = [10], sizes = [1], strides = [1]} : vector<16xf32> to vector<1xf32>
    %squeeze3A_121 = vector.extract %slice3A_120[0] : f32 from vector<1xf32>
    %slice3A_122 = vector.extract_strided_slice %get3A_9 {offsets = [11], sizes = [1], strides = [1]} : vector<16xf32> to vector<1xf32>
    %squeeze3A_123 = vector.extract %slice3A_122[0] : f32 from vector<1xf32>
    %slice3A_124 = vector.extract_strided_slice %get3A_9 {offsets = [12], sizes = [1], strides = [1]} : vector<16xf32> to vector<1xf32>
    %squeeze3A_125 = vector.extract %slice3A_124[0] : f32 from vector<1xf32>
    %slice3A_126 = vector.extract_strided_slice %get3A_9 {offsets = [13], sizes = [1], strides = [1]} : vector<16xf32> to vector<1xf32>
    %squeeze3A_127 = vector.extract %slice3A_126[0] : f32 from vector<1xf32>
    %iota3A = tpu.iota {dimensions = array<i32: 0>} : vector<16xi32>
    %broadcast_in_dim3A = arith.constant 1.000000e+00 : f32
    %broadcast_in_dim3A_128 = vector.broadcast %broadcast_in_dim3A : f32 to vector<16xf32>
    %broadcast_in_dim3A_129 = arith.constant 0.000000e+00 : f32
    %broadcast_in_dim3A_130 = vector.broadcast %broadcast_in_dim3A_129 : f32 to vector<16xf32>
    %add3A_131 = arith.constant 0 : i32
    %add3A_132 = arith.addi %mul3A_2, %add3A_131 : i32
    "tpu.region"() ({
      %run_scoped3A = tpu.sem_alloc : memref<!tpu.dma_semaphore, #tpu.memory_space<semaphore_mem>>
      %dma_start3A = arith.constant 0 : i32
      %dma_start3A_170 = tpu.memref_slice %arg2[%add3A_132, %dma_start3A] : memref<16384x200xi32, #tpu.memory_space<hbm>> -> memref<128x200xi32, #tpu.memory_space<hbm>>
      %dma_start3A_171 = arith.constant 0 : i32
      %dma_start3A_172 = tpu.memref_slice %arg2[%add3A_132, %dma_start3A_171] : memref<16384x200xi32, #tpu.memory_space<hbm>> -> memref<128x200xi32, #tpu.memory_space<hbm>>
      tpu.enqueue_dma source(%dma_start3A_172 : memref<128x200xi32, #tpu.memory_space<hbm>>) target(%arg7 : memref<128x200xi32, #tpu.memory_space<vmem>>) target_semaphore(%run_scoped3A : memref<!tpu.dma_semaphore, #tpu.memory_space<semaphore_mem>>)
      %dma_wait3A = arith.constant 0 : i32
      %dma_wait3A_173 = tpu.memref_slice %arg2[%add3A_132, %dma_wait3A] : memref<16384x200xi32, #tpu.memory_space<hbm>> -> memref<128x200xi32, #tpu.memory_space<hbm>>
      %dma_wait3A_174 = arith.constant 0 : i32
      %dma_wait3A_175 = tpu.memref_slice %arg2[%add3A_132, %dma_wait3A_174] : memref<16384x200xi32, #tpu.memory_space<hbm>> -> memref<128x200xi32, #tpu.memory_space<hbm>>
      tpu.wait_dma2 semaphore(%run_scoped3A : memref<!tpu.dma_semaphore, #tpu.memory_space<semaphore_mem>>) src(%dma_wait3A_175 : memref<128x200xi32, #tpu.memory_space<hbm>>) dst(%arg7 : memref<128x200xi32, #tpu.memory_space<vmem>>)
      tpu.yield
    }) : () -> ()
    "tpu.region"() ({
      %run_scoped3A = tpu.sem_alloc : memref<!tpu.dma_semaphore, #tpu.memory_space<semaphore_mem>>
      %dma_start3A = arith.constant 0 : i32
      %dma_start3A_170 = tpu.memref_slice %arg3[%add3A_132, %dma_start3A] : memref<16384x200xi32, #tpu.memory_space<hbm>> -> memref<128x200xi32, #tpu.memory_space<hbm>>
      %dma_start3A_171 = arith.constant 0 : i32
      %dma_start3A_172 = tpu.memref_slice %arg3[%add3A_132, %dma_start3A_171] : memref<16384x200xi32, #tpu.memory_space<hbm>> -> memref<128x200xi32, #tpu.memory_space<hbm>>
      tpu.enqueue_dma source(%dma_start3A_172 : memref<128x200xi32, #tpu.memory_space<hbm>>) target(%arg8 : memref<128x200xi32, #tpu.memory_space<vmem>>) target_semaphore(%run_scoped3A : memref<!tpu.dma_semaphore, #tpu.memory_space<semaphore_mem>>)
      %dma_wait3A = arith.constant 0 : i32
      %dma_wait3A_173 = tpu.memref_slice %arg3[%add3A_132, %dma_wait3A] : memref<16384x200xi32, #tpu.memory_space<hbm>> -> memref<128x200xi32, #tpu.memory_space<hbm>>
      %dma_wait3A_174 = arith.constant 0 : i32
      %dma_wait3A_175 = tpu.memref_slice %arg3[%add3A_132, %dma_wait3A_174] : memref<16384x200xi32, #tpu.memory_space<hbm>> -> memref<128x200xi32, #tpu.memory_space<hbm>>
      tpu.wait_dma2 semaphore(%run_scoped3A : memref<!tpu.dma_semaphore, #tpu.memory_space<semaphore_mem>>) src(%dma_wait3A_175 : memref<128x200xi32, #tpu.memory_space<hbm>>) dst(%arg8 : memref<128x200xi32, #tpu.memory_space<vmem>>)
      tpu.yield
    }) : () -> ()
    %scan3A = arith.constant 5.000000e-03 : f32
    %scan3A_133 = arith.constant 0 : i32
    %scan3A_134 = arith.constant 0 : i32
    %scan3A_135 = arith.constant 8 : i32
    %scan3A_136 = arith.addi %scan3A_134, %scan3A_135 : i32
    %scan3A_137 = arith.constant 1 : i32
    %scan3A_138 = scf.for %scan3A_170 = %scan3A_134 to %scan3A_136 step %scan3A_137 iter_args(%scan3A_171 = %scan3A_133) -> (i32)  : i32 {
      %mul3A_172 = arith.constant 16 : i32
      %mul3A_173 = arith.muli %scan3A_170, %mul3A_172 : i32
      %add3A_174 = vector.broadcast %mul3A_173 : i32 to vector<16xi32>
      %add3A_175 = arith.addi %add3A_174, %iota3A : vector<16xi32>
      %swap3A = arith.constant 0 : i32
      %swap3A_176 = arith.index_cast %swap3A : i32 to index
      %swap3A_177 = arith.constant 0 : index
      %swap3A_178 = tpu.vector_load %arg11[%swap3A_176, %swap3A_177] {strides = array<i32>} : memref<16x16xf32, #tpu.memory_space<vmem>>, vector<16xf32>,
      tpu.vector_store %arg11[%swap3A_176, %swap3A_177], %broadcast_in_dim3A_130 {strides = array<i32>} : memref<16x16xf32, #tpu.memory_space<vmem>>, vector<16xf32>,
      %swap3A_179 = arith.constant 0 : i32
      %swap3A_180 = arith.index_cast %swap3A_179 : i32 to index
      %swap3A_181 = arith.constant 0 : index
      %swap3A_182 = tpu.vector_load %arg12[%swap3A_180, %swap3A_181] {strides = array<i32>} : memref<16x16xf32, #tpu.memory_space<vmem>>, vector<16xf32>,
      tpu.vector_store %arg12[%swap3A_180, %swap3A_181], %broadcast_in_dim3A_130 {strides = array<i32>} : memref<16x16xf32, #tpu.memory_space<vmem>>, vector<16xf32>,
      %swap3A_183 = arith.constant 1 : i32
      %swap3A_184 = arith.index_cast %swap3A_183 : i32 to index
      %swap3A_185 = arith.constant 0 : index
      %swap3A_186 = tpu.vector_load %arg11[%swap3A_184, %swap3A_185] {strides = array<i32>} : memref<16x16xf32, #tpu.memory_space<vmem>>, vector<16xf32>,
      tpu.vector_store %arg11[%swap3A_184, %swap3A_185], %broadcast_in_dim3A_130 {strides = array<i32>} : memref<16x16xf32, #tpu.memory_space<vmem>>, vector<16xf32>,
      %swap3A_187 = arith.constant 1 : i32
      %swap3A_188 = arith.index_cast %swap3A_187 : i32 to index
      %swap3A_189 = arith.constant 0 : index
      %swap3A_190 = tpu.vector_load %arg12[%swap3A_188, %swap3A_189] {strides = array<i32>} : memref<16x16xf32, #tpu.memory_space<vmem>>, vector<16xf32>,
      tpu.vector_store %arg12[%swap3A_188, %swap3A_189], %broadcast_in_dim3A_130 {strides = array<i32>} : memref<16x16xf32, #tpu.memory_space<vmem>>, vector<16xf32>,
      %swap3A_191 = arith.constant 2 : i32
      %swap3A_192 = arith.index_cast %swap3A_191 : i32 to index
      %swap3A_193 = arith.constant 0 : index
      %swap3A_194 = tpu.vector_load %arg11[%swap3A_192, %swap3A_193] {strides = array<i32>} : memref<16x16xf32, #tpu.memory_space<vmem>>, vector<16xf32>,
      tpu.vector_store %arg11[%swap3A_192, %swap3A_193], %broadcast_in_dim3A_130 {strides = array<i32>} : memref<16x16xf32, #tpu.memory_space<vmem>>, vector<16xf32>,
      %swap3A_195 = arith.constant 2 : i32
      %swap3A_196 = arith.index_cast %swap3A_195 : i32 to index
      %swap3A_197 = arith.constant 0 : index
      %swap3A_198 = tpu.vector_load %arg12[%swap3A_196, %swap3A_197] {strides = array<i32>} : memref<16x16xf32, #tpu.memory_space<vmem>>, vector<16xf32>,
      tpu.vector_store %arg12[%swap3A_196, %swap3A_197], %broadcast_in_dim3A_130 {strides = array<i32>} : memref<16x16xf32, #tpu.memory_space<vmem>>, vector<16xf32>,
      %swap3A_199 = arith.constant 3 : i32
      %swap3A_200 = arith.index_cast %swap3A_199 : i32 to index
      %swap3A_201 = arith.constant 0 : index
      %swap3A_202 = tpu.vector_load %arg11[%swap3A_200, %swap3A_201] {strides = array<i32>} : memref<16x16xf32, #tpu.memory_space<vmem>>, vector<16xf32>,
      tpu.vector_store %arg11[%swap3A_200, %swap3A_201], %broadcast_in_dim3A_130 {strides = array<i32>} : memref<16x16xf32, #tpu.memory_space<vmem>>, vector<16xf32>,
      %swap3A_203 = arith.constant 3 : i32
      %swap3A_204 = arith.index_cast %swap3A_203 : i32 to index
      %swap3A_205 = arith.constant 0 : index
      %swap3A_206 = tpu.vector_load %arg12[%swap3A_204, %swap3A_205] {strides = array<i32>} : memref<16x16xf32, #tpu.memory_space<vmem>>, vector<16xf32>,
      tpu.vector_store %arg12[%swap3A_204, %swap3A_205], %broadcast_in_dim3A_130 {strides = array<i32>} : memref<16x16xf32, #tpu.memory_space<vmem>>, vector<16xf32>,
      %swap3A_207 = arith.constant 4 : i32
      %swap3A_208 = arith.index_cast %swap3A_207 : i32 to index
      %swap3A_209 = arith.constant 0 : index
      %swap3A_210 = tpu.vector_load %arg11[%swap3A_208, %swap3A_209] {strides = array<i32>} : memref<16x16xf32, #tpu.memory_space<vmem>>, vector<16xf32>,
      tpu.vector_store %arg11[%swap3A_208, %swap3A_209], %broadcast_in_dim3A_130 {strides = array<i32>} : memref<16x16xf32, #tpu.memory_space<vmem>>, vector<16xf32>,
      %swap3A_211 = arith.constant 4 : i32
      %swap3A_212 = arith.index_cast %swap3A_211 : i32 to index
      %swap3A_213 = arith.constant 0 : index
      %swap3A_214 = tpu.vector_load %arg12[%swap3A_212, %swap3A_213] {strides = array<i32>} : memref<16x16xf32, #tpu.memory_space<vmem>>, vector<16xf32>,
      tpu.vector_store %arg12[%swap3A_212, %swap3A_213], %broadcast_in_dim3A_130 {strides = array<i32>} : memref<16x16xf32, #tpu.memory_space<vmem>>, vector<16xf32>,
      %swap3A_215 = arith.constant 5 : i32
      %swap3A_216 = arith.index_cast %swap3A_215 : i32 to index
      %swap3A_217 = arith.constant 0 : index
      %swap3A_218 = tpu.vector_load %arg11[%swap3A_216, %swap3A_217] {strides = array<i32>} : memref<16x16xf32, #tpu.memory_space<vmem>>, vector<16xf32>,
      tpu.vector_store %arg11[%swap3A_216, %swap3A_217], %broadcast_in_dim3A_130 {strides = array<i32>} : memref<16x16xf32, #tpu.memory_space<vmem>>, vector<16xf32>,
      %swap3A_219 = arith.constant 5 : i32
      %swap3A_220 = arith.index_cast %swap3A_219 : i32 to index
      %swap3A_221 = arith.constant 0 : index
      %swap3A_222 = tpu.vector_load %arg12[%swap3A_220, %swap3A_221] {strides = array<i32>} : memref<16x16xf32, #tpu.memory_space<vmem>>, vector<16xf32>,
      tpu.vector_store %arg12[%swap3A_220, %swap3A_221], %broadcast_in_dim3A_130 {strides = array<i32>} : memref<16x16xf32, #tpu.memory_space<vmem>>, vector<16xf32>,
      %swap3A_223 = arith.constant 6 : i32
      %swap3A_224 = arith.index_cast %swap3A_223 : i32 to index
      %swap3A_225 = arith.constant 0 : index
      %swap3A_226 = tpu.vector_load %arg11[%swap3A_224, %swap3A_225] {strides = array<i32>} : memref<16x16xf32, #tpu.memory_space<vmem>>, vector<16xf32>,
      tpu.vector_store %arg11[%swap3A_224, %swap3A_225], %broadcast_in_dim3A_130 {strides = array<i32>} : memref<16x16xf32, #tpu.memory_space<vmem>>, vector<16xf32>,
      %swap3A_227 = arith.constant 6 : i32
      %swap3A_228 = arith.index_cast %swap3A_227 : i32 to index
      %swap3A_229 = arith.constant 0 : index
      %swap3A_230 = tpu.vector_load %arg12[%swap3A_228, %swap3A_229] {strides = array<i32>} : memref<16x16xf32, #tpu.memory_space<vmem>>, vector<16xf32>,
      tpu.vector_store %arg12[%swap3A_228, %swap3A_229], %broadcast_in_dim3A_130 {strides = array<i32>} : memref<16x16xf32, #tpu.memory_space<vmem>>, vector<16xf32>,
      %swap3A_231 = arith.constant 7 : i32
      %swap3A_232 = arith.index_cast %swap3A_231 : i32 to index
      %swap3A_233 = arith.constant 0 : index
      %swap3A_234 = tpu.vector_load %arg11[%swap3A_232, %swap3A_233] {strides = array<i32>} : memref<16x16xf32, #tpu.memory_space<vmem>>, vector<16xf32>,
      tpu.vector_store %arg11[%swap3A_232, %swap3A_233], %broadcast_in_dim3A_130 {strides = array<i32>} : memref<16x16xf32, #tpu.memory_space<vmem>>, vector<16xf32>,
      %swap3A_235 = arith.constant 7 : i32
      %swap3A_236 = arith.index_cast %swap3A_235 : i32 to index
      %swap3A_237 = arith.constant 0 : index
      %swap3A_238 = tpu.vector_load %arg12[%swap3A_236, %swap3A_237] {strides = array<i32>} : memref<16x16xf32, #tpu.memory_space<vmem>>, vector<16xf32>,
      tpu.vector_store %arg12[%swap3A_236, %swap3A_237], %broadcast_in_dim3A_130 {strides = array<i32>} : memref<16x16xf32, #tpu.memory_space<vmem>>, vector<16xf32>,
      %swap3A_239 = arith.constant 8 : i32
      %swap3A_240 = arith.index_cast %swap3A_239 : i32 to index
      %swap3A_241 = arith.constant 0 : index
      %swap3A_242 = tpu.vector_load %arg11[%swap3A_240, %swap3A_241] {strides = array<i32>} : memref<16x16xf32, #tpu.memory_space<vmem>>, vector<16xf32>,
      tpu.vector_store %arg11[%swap3A_240, %swap3A_241], %broadcast_in_dim3A_130 {strides = array<i32>} : memref<16x16xf32, #tpu.memory_space<vmem>>, vector<16xf32>,
      %swap3A_243 = arith.constant 8 : i32
      %swap3A_244 = arith.index_cast %swap3A_243 : i32 to index
      %swap3A_245 = arith.constant 0 : index
      %swap3A_246 = tpu.vector_load %arg12[%swap3A_244, %swap3A_245] {strides = array<i32>} : memref<16x16xf32, #tpu.memory_space<vmem>>, vector<16xf32>,
      tpu.vector_store %arg12[%swap3A_244, %swap3A_245], %broadcast_in_dim3A_130 {strides = array<i32>} : memref<16x16xf32, #tpu.memory_space<vmem>>, vector<16xf32>,
      %swap3A_247 = arith.constant 9 : i32
      %swap3A_248 = arith.index_cast %swap3A_247 : i32 to index
      %swap3A_249 = arith.constant 0 : index
      %swap3A_250 = tpu.vector_load %arg11[%swap3A_248, %swap3A_249] {strides = array<i32>} : memref<16x16xf32, #tpu.memory_space<vmem>>, vector<16xf32>,
      tpu.vector_store %arg11[%swap3A_248, %swap3A_249], %broadcast_in_dim3A_130 {strides = array<i32>} : memref<16x16xf32, #tpu.memory_space<vmem>>, vector<16xf32>,
      %swap3A_251 = arith.constant 9 : i32
      %swap3A_252 = arith.index_cast %swap3A_251 : i32 to index
      %swap3A_253 = arith.constant 0 : index
      %swap3A_254 = tpu.vector_load %arg12[%swap3A_252, %swap3A_253] {strides = array<i32>} : memref<16x16xf32, #tpu.memory_space<vmem>>, vector<16xf32>,
      tpu.vector_store %arg12[%swap3A_252, %swap3A_253], %broadcast_in_dim3A_130 {strides = array<i32>} : memref<16x16xf32, #tpu.memory_space<vmem>>, vector<16xf32>,
      %swap3A_255 = arith.constant 10 : i32
      %swap3A_256 = arith.index_cast %swap3A_255 : i32 to index
      %swap3A_257 = arith.constant 0 : index
      %swap3A_258 = tpu.vector_load %arg11[%swap3A_256, %swap3A_257] {strides = array<i32>} : memref<16x16xf32, #tpu.memory_space<vmem>>, vector<16xf32>,
      tpu.vector_store %arg11[%swap3A_256, %swap3A_257], %broadcast_in_dim3A_130 {strides = array<i32>} : memref<16x16xf32, #tpu.memory_space<vmem>>, vector<16xf32>,
      %swap3A_259 = arith.constant 10 : i32
      %swap3A_260 = arith.index_cast %swap3A_259 : i32 to index
      %swap3A_261 = arith.constant 0 : index
      %swap3A_262 = tpu.vector_load %arg12[%swap3A_260, %swap3A_261] {strides = array<i32>} : memref<16x16xf32, #tpu.memory_space<vmem>>, vector<16xf32>,
      tpu.vector_store %arg12[%swap3A_260, %swap3A_261], %broadcast_in_dim3A_130 {strides = array<i32>} : memref<16x16xf32, #tpu.memory_space<vmem>>, vector<16xf32>,
      %swap3A_263 = arith.constant 11 : i32
      %swap3A_264 = arith.index_cast %swap3A_263 : i32 to index
      %swap3A_265 = arith.constant 0 : index
      %swap3A_266 = tpu.vector_load %arg11[%swap3A_264, %swap3A_265] {strides = array<i32>} : memref<16x16xf32, #tpu.memory_space<vmem>>, vector<16xf32>,
      tpu.vector_store %arg11[%swap3A_264, %swap3A_265], %broadcast_in_dim3A_130 {strides = array<i32>} : memref<16x16xf32, #tpu.memory_space<vmem>>, vector<16xf32>,
      %swap3A_267 = arith.constant 11 : i32
      %swap3A_268 = arith.index_cast %swap3A_267 : i32 to index
      %swap3A_269 = arith.constant 0 : index
      %swap3A_270 = tpu.vector_load %arg12[%swap3A_268, %swap3A_269] {strides = array<i32>} : memref<16x16xf32, #tpu.memory_space<vmem>>, vector<16xf32>,
      tpu.vector_store %arg12[%swap3A_268, %swap3A_269], %broadcast_in_dim3A_130 {strides = array<i32>} : memref<16x16xf32, #tpu.memory_space<vmem>>, vector<16xf32>,
      %swap3A_271 = arith.constant 12 : i32
      %swap3A_272 = arith.index_cast %swap3A_271 : i32 to index
      %swap3A_273 = arith.constant 0 : index
      %swap3A_274 = tpu.vector_load %arg11[%swap3A_272, %swap3A_273] {strides = array<i32>} : memref<16x16xf32, #tpu.memory_space<vmem>>, vector<16xf32>,
      tpu.vector_store %arg11[%swap3A_272, %swap3A_273], %broadcast_in_dim3A_130 {strides = array<i32>} : memref<16x16xf32, #tpu.memory_space<vmem>>, vector<16xf32>,
      %swap3A_275 = arith.constant 12 : i32
      %swap3A_276 = arith.index_cast %swap3A_275 : i32 to index
      %swap3A_277 = arith.constant 0 : index
      %swap3A_278 = tpu.vector_load %arg12[%swap3A_276, %swap3A_277] {strides = array<i32>} : memref<16x16xf32, #tpu.memory_space<vmem>>, vector<16xf32>,
      tpu.vector_store %arg12[%swap3A_276, %swap3A_277], %broadcast_in_dim3A_130 {strides = array<i32>} : memref<16x16xf32, #tpu.memory_space<vmem>>, vector<16xf32>,
      %swap3A_279 = arith.constant 13 : i32
      %swap3A_280 = arith.index_cast %swap3A_279 : i32 to index
      %swap3A_281 = arith.constant 0 : index
      %swap3A_282 = tpu.vector_load %arg11[%swap3A_280, %swap3A_281] {strides = array<i32>} : memref<16x16xf32, #tpu.memory_space<vmem>>, vector<16xf32>,
      tpu.vector_store %arg11[%swap3A_280, %swap3A_281], %broadcast_in_dim3A_130 {strides = array<i32>} : memref<16x16xf32, #tpu.memory_space<vmem>>, vector<16xf32>,
      %swap3A_283 = arith.constant 13 : i32
      %swap3A_284 = arith.index_cast %swap3A_283 : i32 to index
      %swap3A_285 = arith.constant 0 : index
      %swap3A_286 = tpu.vector_load %arg12[%swap3A_284, %swap3A_285] {strides = array<i32>} : memref<16x16xf32, #tpu.memory_space<vmem>>, vector<16xf32>,
      tpu.vector_store %arg12[%swap3A_284, %swap3A_285], %broadcast_in_dim3A_130 {strides = array<i32>} : memref<16x16xf32, #tpu.memory_space<vmem>>, vector<16xf32>,
      %swap3A_287 = arith.constant 14 : i32
      %swap3A_288 = arith.index_cast %swap3A_287 : i32 to index
      %swap3A_289 = arith.constant 0 : index
      %swap3A_290 = tpu.vector_load %arg11[%swap3A_288, %swap3A_289] {strides = array<i32>} : memref<16x16xf32, #tpu.memory_space<vmem>>, vector<16xf32>,
      tpu.vector_store %arg11[%swap3A_288, %swap3A_289], %broadcast_in_dim3A_130 {strides = array<i32>} : memref<16x16xf32, #tpu.memory_space<vmem>>, vector<16xf32>,
      %swap3A_291 = arith.constant 14 : i32
      %swap3A_292 = arith.index_cast %swap3A_291 : i32 to index
      %swap3A_293 = arith.constant 0 : index
      %swap3A_294 = tpu.vector_load %arg12[%swap3A_292, %swap3A_293] {strides = array<i32>} : memref<16x16xf32, #tpu.memory_space<vmem>>, vector<16xf32>,
      tpu.vector_store %arg12[%swap3A_292, %swap3A_293], %broadcast_in_dim3A_130 {strides = array<i32>} : memref<16x16xf32, #tpu.memory_space<vmem>>, vector<16xf32>,
      %swap3A_295 = arith.constant 15 : i32
      %swap3A_296 = arith.index_cast %swap3A_295 : i32 to index
      %swap3A_297 = arith.constant 0 : index
      %swap3A_298 = tpu.vector_load %arg11[%swap3A_296, %swap3A_297] {strides = array<i32>} : memref<16x16xf32, #tpu.memory_space<vmem>>, vector<16xf32>,
      tpu.vector_store %arg11[%swap3A_296, %swap3A_297], %broadcast_in_dim3A_130 {strides = array<i32>} : memref<16x16xf32, #tpu.memory_space<vmem>>, vector<16xf32>,
      %swap3A_299 = arith.constant 15 : i32
      %swap3A_300 = arith.index_cast %swap3A_299 : i32 to index
      %swap3A_301 = arith.constant 0 : index
      %swap3A_302 = tpu.vector_load %arg12[%swap3A_300, %swap3A_301] {strides = array<i32>} : memref<16x16xf32, #tpu.memory_space<vmem>>, vector<16xf32>,
      tpu.vector_store %arg12[%swap3A_300, %swap3A_301], %broadcast_in_dim3A_130 {strides = array<i32>} : memref<16x16xf32, #tpu.memory_space<vmem>>, vector<16xf32>,
      %scan3A_303 = arith.constant 0 : i32
      %scan3A_304 = arith.constant 0 : i32
      %scan3A_305 = arith.constant 25 : i32
      %scan3A_306 = arith.addi %scan3A_304, %scan3A_305 : i32
      %scan3A_307 = arith.constant 1 : i32
      %scan3A_308 = scf.for %scan3A_548 = %scan3A_304 to %scan3A_306 step %scan3A_307 iter_args(%scan3A_549 = %scan3A_303) -> (i32)  : i32 {
        %mul3A_550 = arith.constant 8 : i32
        %mul3A_551 = arith.muli %scan3A_548, %mul3A_550 : i32
        %add3A_552 = arith.constant 0 : i32
        %add3A_553 = arith.addi %mul3A_551, %add3A_552 : i32
        %broadcast_in_dim3A_554 = vector.broadcast %add3A_553 : i32 to vector<16xi32>
        %gather3A_555 = tpu.vector_load_idx %arg7[%add3A_175, %broadcast_in_dim3A_554] : memref<128x200xi32, #tpu.memory_space<vmem>>[vector<16xi32>, vector<16xi32>], vector<16xi32>,
        %gather3A_556 = tpu.vector_load_idx %arg8[%add3A_175, %broadcast_in_dim3A_554] : memref<128x200xi32, #tpu.memory_space<vmem>>[vector<16xi32>, vector<16xi32>], vector<16xi32>,
        tpu.vector_store_idx %arg11[%iota3A, %gather3A_555], %broadcast_in_dim3A_128 {add = true} : memref<16x16xf32, #tpu.memory_space<vmem>>[vector<16xi32>, vector<16xi32>], vector<16xf32>,
        tpu.vector_store_idx %arg12[%iota3A, %gather3A_556], %broadcast_in_dim3A_128 {add = true} : memref<16x16xf32, #tpu.memory_space<vmem>>[vector<16xi32>, vector<16xi32>], vector<16xf32>,
        %mul3A_557 = arith.constant 8 : i32
        %mul3A_558 = arith.muli %scan3A_548, %mul3A_557 : i32
        %add3A_559 = arith.constant 1 : i32
        %add3A_560 = arith.addi %mul3A_558, %add3A_559 : i32
        %broadcast_in_dim3A_561 = vector.broadcast %add3A_560 : i32 to vector<16xi32>
        %gather3A_562 = tpu.vector_load_idx %arg7[%add3A_175, %broadcast_in_dim3A_561] : memref<128x200xi32, #tpu.memory_space<vmem>>[vector<16xi32>, vector<16xi32>], vector<16xi32>,
        %gather3A_563 = tpu.vector_load_idx %arg8[%add3A_175, %broadcast_in_dim3A_561] : memref<128x200xi32, #tpu.memory_space<vmem>>[vector<16xi32>, vector<16xi32>], vector<16xi32>,
        tpu.vector_store_idx %arg11[%iota3A, %gather3A_562], %broadcast_in_dim3A_128 {add = true} : memref<16x16xf32, #tpu.memory_space<vmem>>[vector<16xi32>, vector<16xi32>], vector<16xf32>,
        tpu.vector_store_idx %arg12[%iota3A, %gather3A_563], %broadcast_in_dim3A_128 {add = true} : memref<16x16xf32, #tpu.memory_space<vmem>>[vector<16xi32>, vector<16xi32>], vector<16xf32>,
        %mul3A_564 = arith.constant 8 : i32
        %mul3A_565 = arith.muli %scan3A_548, %mul3A_564 : i32
        %add3A_566 = arith.constant 2 : i32
        %add3A_567 = arith.addi %mul3A_565, %add3A_566 : i32
        %broadcast_in_dim3A_568 = vector.broadcast %add3A_567 : i32 to vector<16xi32>
        %gather3A_569 = tpu.vector_load_idx %arg7[%add3A_175, %broadcast_in_dim3A_568] : memref<128x200xi32, #tpu.memory_space<vmem>>[vector<16xi32>, vector<16xi32>], vector<16xi32>,
        %gather3A_570 = tpu.vector_load_idx %arg8[%add3A_175, %broadcast_in_dim3A_568] : memref<128x200xi32, #tpu.memory_space<vmem>>[vector<16xi32>, vector<16xi32>], vector<16xi32>,
        tpu.vector_store_idx %arg11[%iota3A, %gather3A_569], %broadcast_in_dim3A_128 {add = true} : memref<16x16xf32, #tpu.memory_space<vmem>>[vector<16xi32>, vector<16xi32>], vector<16xf32>,
        tpu.vector_store_idx %arg12[%iota3A, %gather3A_570], %broadcast_in_dim3A_128 {add = true} : memref<16x16xf32, #tpu.memory_space<vmem>>[vector<16xi32>, vector<16xi32>], vector<16xf32>,
        %mul3A_571 = arith.constant 8 : i32
        %mul3A_572 = arith.muli %scan3A_548, %mul3A_571 : i32
        %add3A_573 = arith.constant 3 : i32
        %add3A_574 = arith.addi %mul3A_572, %add3A_573 : i32
        %broadcast_in_dim3A_575 = vector.broadcast %add3A_574 : i32 to vector<16xi32>
        %gather3A_576 = tpu.vector_load_idx %arg7[%add3A_175, %broadcast_in_dim3A_575] : memref<128x200xi32, #tpu.memory_space<vmem>>[vector<16xi32>, vector<16xi32>], vector<16xi32>,
        %gather3A_577 = tpu.vector_load_idx %arg8[%add3A_175, %broadcast_in_dim3A_575] : memref<128x200xi32, #tpu.memory_space<vmem>>[vector<16xi32>, vector<16xi32>], vector<16xi32>,
        tpu.vector_store_idx %arg11[%iota3A, %gather3A_576], %broadcast_in_dim3A_128 {add = true} : memref<16x16xf32, #tpu.memory_space<vmem>>[vector<16xi32>, vector<16xi32>], vector<16xf32>,
        tpu.vector_store_idx %arg12[%iota3A, %gather3A_577], %broadcast_in_dim3A_128 {add = true} : memref<16x16xf32, #tpu.memory_space<vmem>>[vector<16xi32>, vector<16xi32>], vector<16xf32>,
        %mul3A_578 = arith.constant 8 : i32
        %mul3A_579 = arith.muli %scan3A_548, %mul3A_578 : i32
        %add3A_580 = arith.constant 4 : i32
        %add3A_581 = arith.addi %mul3A_579, %add3A_580 : i32
        %broadcast_in_dim3A_582 = vector.broadcast %add3A_581 : i32 to vector<16xi32>
        %gather3A_583 = tpu.vector_load_idx %arg7[%add3A_175, %broadcast_in_dim3A_582] : memref<128x200xi32, #tpu.memory_space<vmem>>[vector<16xi32>, vector<16xi32>], vector<16xi32>,
        %gather3A_584 = tpu.vector_load_idx %arg8[%add3A_175, %broadcast_in_dim3A_582] : memref<128x200xi32, #tpu.memory_space<vmem>>[vector<16xi32>, vector<16xi32>], vector<16xi32>,
        tpu.vector_store_idx %arg11[%iota3A, %gather3A_583], %broadcast_in_dim3A_128 {add = true} : memref<16x16xf32, #tpu.memory_space<vmem>>[vector<16xi32>, vector<16xi32>], vector<16xf32>,
        tpu.vector_store_idx %arg12[%iota3A, %gather3A_584], %broadcast_in_dim3A_128 {add = true} : memref<16x16xf32, #tpu.memory_space<vmem>>[vector<16xi32>, vector<16xi32>], vector<16xf32>,
        %mul3A_585 = arith.constant 8 : i32
        %mul3A_586 = arith.muli %scan3A_548, %mul3A_585 : i32
        %add3A_587 = arith.constant 5 : i32
        %add3A_588 = arith.addi %mul3A_586, %add3A_587 : i32
        %broadcast_in_dim3A_589 = vector.broadcast %add3A_588 : i32 to vector<16xi32>
        %gather3A_590 = tpu.vector_load_idx %arg7[%add3A_175, %broadcast_in_dim3A_589] : memref<128x200xi32, #tpu.memory_space<vmem>>[vector<16xi32>, vector<16xi32>], vector<16xi32>,
        %gather3A_591 = tpu.vector_load_idx %arg8[%add3A_175, %broadcast_in_dim3A_589] : memref<128x200xi32, #tpu.memory_space<vmem>>[vector<16xi32>, vector<16xi32>], vector<16xi32>,
        tpu.vector_store_idx %arg11[%iota3A, %gather3A_590], %broadcast_in_dim3A_128 {add = true} : memref<16x16xf32, #tpu.memory_space<vmem>>[vector<16xi32>, vector<16xi32>], vector<16xf32>,
        tpu.vector_store_idx %arg12[%iota3A, %gather3A_591], %broadcast_in_dim3A_128 {add = true} : memref<16x16xf32, #tpu.memory_space<vmem>>[vector<16xi32>, vector<16xi32>], vector<16xf32>,
        %mul3A_592 = arith.constant 8 : i32
        %mul3A_593 = arith.muli %scan3A_548, %mul3A_592 : i32
        %add3A_594 = arith.constant 6 : i32
        %add3A_595 = arith.addi %mul3A_593, %add3A_594 : i32
        %broadcast_in_dim3A_596 = vector.broadcast %add3A_595 : i32 to vector<16xi32>
        %gather3A_597 = tpu.vector_load_idx %arg7[%add3A_175, %broadcast_in_dim3A_596] : memref<128x200xi32, #tpu.memory_space<vmem>>[vector<16xi32>, vector<16xi32>], vector<16xi32>,
        %gather3A_598 = tpu.vector_load_idx %arg8[%add3A_175, %broadcast_in_dim3A_596] : memref<128x200xi32, #tpu.memory_space<vmem>>[vector<16xi32>, vector<16xi32>], vector<16xi32>,
        tpu.vector_store_idx %arg11[%iota3A, %gather3A_597], %broadcast_in_dim3A_128 {add = true} : memref<16x16xf32, #tpu.memory_space<vmem>>[vector<16xi32>, vector<16xi32>], vector<16xf32>,
        tpu.vector_store_idx %arg12[%iota3A, %gather3A_598], %broadcast_in_dim3A_128 {add = true} : memref<16x16xf32, #tpu.memory_space<vmem>>[vector<16xi32>, vector<16xi32>], vector<16xf32>,
        %mul3A_599 = arith.constant 8 : i32
        %mul3A_600 = arith.muli %scan3A_548, %mul3A_599 : i32
        %add3A_601 = arith.constant 7 : i32
        %add3A_602 = arith.addi %mul3A_600, %add3A_601 : i32
        %broadcast_in_dim3A_603 = vector.broadcast %add3A_602 : i32 to vector<16xi32>
        %gather3A_604 = tpu.vector_load_idx %arg7[%add3A_175, %broadcast_in_dim3A_603] : memref<128x200xi32, #tpu.memory_space<vmem>>[vector<16xi32>, vector<16xi32>], vector<16xi32>,
        %gather3A_605 = tpu.vector_load_idx %arg8[%add3A_175, %broadcast_in_dim3A_603] : memref<128x200xi32, #tpu.memory_space<vmem>>[vector<16xi32>, vector<16xi32>], vector<16xi32>,
        tpu.vector_store_idx %arg11[%iota3A, %gather3A_604], %broadcast_in_dim3A_128 {add = true} : memref<16x16xf32, #tpu.memory_space<vmem>>[vector<16xi32>, vector<16xi32>], vector<16xf32>,
        tpu.vector_store_idx %arg12[%iota3A, %gather3A_605], %broadcast_in_dim3A_128 {add = true} : memref<16x16xf32, #tpu.memory_space<vmem>>[vector<16xi32>, vector<16xi32>], vector<16xf32>,
        %scan3A_606 = arith.constant 0 : i32
        scf.yield %scan3A_606 : i32
      }
      %scan3A_309 = arith.constant 25 : i32
      %broadcast_in_dim3A_310 = arith.constant 0 : i32
      %broadcast_in_dim3A_311 = vector.broadcast %broadcast_in_dim3A_310 : i32 to vector<16xi32>
      %gather3A = tpu.vector_load_idx %arg11[%iota3A, %broadcast_in_dim3A_311] : memref<16x16xf32, #tpu.memory_space<vmem>>[vector<16xi32>, vector<16xi32>], vector<16xf32>,
      %gather3A_312 = tpu.vector_load_idx %arg12[%iota3A, %broadcast_in_dim3A_311] : memref<16x16xf32, #tpu.memory_space<vmem>>[vector<16xi32>, vector<16xi32>], vector<16xf32>,
      %mul3A_313 = vector.broadcast %squeeze3A : f32 to vector<16xf32>
      %mul3A_314 = arith.mulf %gather3A, %mul3A_313 : vector<16xf32>
      %add3A_315 = arith.addf %broadcast_in_dim3A_130, %mul3A_314 : vector<16xf32>
      %mul3A_316 = vector.broadcast %squeeze3A_69 : f32 to vector<16xf32>
      %mul3A_317 = arith.mulf %gather3A_312, %mul3A_316 : vector<16xf32>
      %add3A_318 = arith.addf %add3A_315, %mul3A_317 : vector<16xf32>
      %mul3A_319 = vector.broadcast %squeeze3A_11 : f32 to vector<16xf32>
      %mul3A_320 = arith.mulf %gather3A, %mul3A_319 : vector<16xf32>
      %add3A_321 = arith.addf %broadcast_in_dim3A_130, %mul3A_320 : vector<16xf32>
      %mul3A_322 = vector.broadcast %squeeze3A_71 : f32 to vector<16xf32>
      %mul3A_323 = arith.mulf %gather3A_312, %mul3A_322 : vector<16xf32>
      %add3A_324 = arith.addf %add3A_321, %mul3A_323 : vector<16xf32>
      %mul3A_325 = vector.broadcast %squeeze3A_13 : f32 to vector<16xf32>
      %mul3A_326 = arith.mulf %gather3A, %mul3A_325 : vector<16xf32>
      %add3A_327 = arith.addf %broadcast_in_dim3A_130, %mul3A_326 : vector<16xf32>
      %mul3A_328 = vector.broadcast %squeeze3A_73 : f32 to vector<16xf32>
      %mul3A_329 = arith.mulf %gather3A_312, %mul3A_328 : vector<16xf32>
      %add3A_330 = arith.addf %add3A_327, %mul3A_329 : vector<16xf32>
      %broadcast_in_dim3A_331 = arith.constant 1 : i32
      %broadcast_in_dim3A_332 = vector.broadcast %broadcast_in_dim3A_331 : i32 to vector<16xi32>
      %gather3A_333 = tpu.vector_load_idx %arg11[%iota3A, %broadcast_in_dim3A_332] : memref<16x16xf32, #tpu.memory_space<vmem>>[vector<16xi32>, vector<16xi32>], vector<16xf32>,
      %gather3A_334 = tpu.vector_load_idx %arg12[%iota3A, %broadcast_in_dim3A_332] : memref<16x16xf32, #tpu.memory_space<vmem>>[vector<16xi32>, vector<16xi32>], vector<16xf32>,
      %mul3A_335 = vector.broadcast %squeeze3A_15 : f32 to vector<16xf32>
      %mul3A_336 = arith.mulf %gather3A_333, %mul3A_335 : vector<16xf32>
      %add3A_337 = arith.addf %add3A_318, %mul3A_336 : vector<16xf32>
      %mul3A_338 = vector.broadcast %squeeze3A_75 : f32 to vector<16xf32>
      %mul3A_339 = arith.mulf %gather3A_334, %mul3A_338 : vector<16xf32>
      %add3A_340 = arith.addf %add3A_337, %mul3A_339 : vector<16xf32>
      %mul3A_341 = vector.broadcast %squeeze3A_17 : f32 to vector<16xf32>
      %mul3A_342 = arith.mulf %gather3A_333, %mul3A_341 : vector<16xf32>
      %add3A_343 = arith.addf %add3A_324, %mul3A_342 : vector<16xf32>
      %mul3A_344 = vector.broadcast %squeeze3A_77 : f32 to vector<16xf32>
      %mul3A_345 = arith.mulf %gather3A_334, %mul3A_344 : vector<16xf32>
      %add3A_346 = arith.addf %add3A_343, %mul3A_345 : vector<16xf32>
      %mul3A_347 = vector.broadcast %squeeze3A_19 : f32 to vector<16xf32>
      %mul3A_348 = arith.mulf %gather3A_333, %mul3A_347 : vector<16xf32>
      %add3A_349 = arith.addf %add3A_330, %mul3A_348 : vector<16xf32>
      %mul3A_350 = vector.broadcast %squeeze3A_79 : f32 to vector<16xf32>
      %mul3A_351 = arith.mulf %gather3A_334, %mul3A_350 : vector<16xf32>
      %add3A_352 = arith.addf %add3A_349, %mul3A_351 : vector<16xf32>
      %broadcast_in_dim3A_353 = arith.constant 2 : i32
      %broadcast_in_dim3A_354 = vector.broadcast %broadcast_in_dim3A_353 : i32 to vector<16xi32>
      %gather3A_355 = tpu.vector_load_idx %arg11[%iota3A, %broadcast_in_dim3A_354] : memref<16x16xf32, #tpu.memory_space<vmem>>[vector<16xi32>, vector<16xi32>], vector<16xf32>,
      %gather3A_356 = tpu.vector_load_idx %arg12[%iota3A, %broadcast_in_dim3A_354] : memref<16x16xf32, #tpu.memory_space<vmem>>[vector<16xi32>, vector<16xi32>], vector<16xf32>,
      %mul3A_357 = vector.broadcast %squeeze3A_21 : f32 to vector<16xf32>
      %mul3A_358 = arith.mulf %gather3A_355, %mul3A_357 : vector<16xf32>
      %add3A_359 = arith.addf %add3A_340, %mul3A_358 : vector<16xf32>
      %mul3A_360 = vector.broadcast %squeeze3A_81 : f32 to vector<16xf32>
      %mul3A_361 = arith.mulf %gather3A_356, %mul3A_360 : vector<16xf32>
      %add3A_362 = arith.addf %add3A_359, %mul3A_361 : vector<16xf32>
      %mul3A_363 = vector.broadcast %squeeze3A_23 : f32 to vector<16xf32>
      %mul3A_364 = arith.mulf %gather3A_355, %mul3A_363 : vector<16xf32>
      %add3A_365 = arith.addf %add3A_346, %mul3A_364 : vector<16xf32>
      %mul3A_366 = vector.broadcast %squeeze3A_83 : f32 to vector<16xf32>
      %mul3A_367 = arith.mulf %gather3A_356, %mul3A_366 : vector<16xf32>
      %add3A_368 = arith.addf %add3A_365, %mul3A_367 : vector<16xf32>
      %mul3A_369 = vector.broadcast %squeeze3A_25 : f32 to vector<16xf32>
      %mul3A_370 = arith.mulf %gather3A_355, %mul3A_369 : vector<16xf32>
      %add3A_371 = arith.addf %add3A_352, %mul3A_370 : vector<16xf32>
      %mul3A_372 = vector.broadcast %squeeze3A_85 : f32 to vector<16xf32>
      %mul3A_373 = arith.mulf %gather3A_356, %mul3A_372 : vector<16xf32>
      %add3A_374 = arith.addf %add3A_371, %mul3A_373 : vector<16xf32>
      %broadcast_in_dim3A_375 = arith.constant 3 : i32
      %broadcast_in_dim3A_376 = vector.broadcast %broadcast_in_dim3A_375 : i32 to vector<16xi32>
      %gather3A_377 = tpu.vector_load_idx %arg11[%iota3A, %broadcast_in_dim3A_376] : memref<16x16xf32, #tpu.memory_space<vmem>>[vector<16xi32>, vector<16xi32>], vector<16xf32>,
      %gather3A_378 = tpu.vector_load_idx %arg12[%iota3A, %broadcast_in_dim3A_376] : memref<16x16xf32, #tpu.memory_space<vmem>>[vector<16xi32>, vector<16xi32>], vector<16xf32>,
      %mul3A_379 = vector.broadcast %squeeze3A_27 : f32 to vector<16xf32>
      %mul3A_380 = arith.mulf %gather3A_377, %mul3A_379 : vector<16xf32>
      %add3A_381 = arith.addf %add3A_362, %mul3A_380 : vector<16xf32>
      %mul3A_382 = vector.broadcast %squeeze3A_87 : f32 to vector<16xf32>
      %mul3A_383 = arith.mulf %gather3A_378, %mul3A_382 : vector<16xf32>
      %add3A_384 = arith.addf %add3A_381, %mul3A_383 : vector<16xf32>
      %mul3A_385 = vector.broadcast %squeeze3A_29 : f32 to vector<16xf32>
      %mul3A_386 = arith.mulf %gather3A_377, %mul3A_385 : vector<16xf32>
      %add3A_387 = arith.addf %add3A_368, %mul3A_386 : vector<16xf32>
      %mul3A_388 = vector.broadcast %squeeze3A_89 : f32 to vector<16xf32>
      %mul3A_389 = arith.mulf %gather3A_378, %mul3A_388 : vector<16xf32>
      %add3A_390 = arith.addf %add3A_387, %mul3A_389 : vector<16xf32>
      %mul3A_391 = vector.broadcast %squeeze3A_31 : f32 to vector<16xf32>
      %mul3A_392 = arith.mulf %gather3A_377, %mul3A_391 : vector<16xf32>
      %add3A_393 = arith.addf %add3A_374, %mul3A_392 : vector<16xf32>
      %mul3A_394 = vector.broadcast %squeeze3A_91 : f32 to vector<16xf32>
      %mul3A_395 = arith.mulf %gather3A_378, %mul3A_394 : vector<16xf32>
      %add3A_396 = arith.addf %add3A_393, %mul3A_395 : vector<16xf32>
      %broadcast_in_dim3A_397 = arith.constant 4 : i32
      %broadcast_in_dim3A_398 = vector.broadcast %broadcast_in_dim3A_397 : i32 to vector<16xi32>
      %gather3A_399 = tpu.vector_load_idx %arg11[%iota3A, %broadcast_in_dim3A_398] : memref<16x16xf32, #tpu.memory_space<vmem>>[vector<16xi32>, vector<16xi32>], vector<16xf32>,
      %gather3A_400 = tpu.vector_load_idx %arg12[%iota3A, %broadcast_in_dim3A_398] : memref<16x16xf32, #tpu.memory_space<vmem>>[vector<16xi32>, vector<16xi32>], vector<16xf32>,
      %mul3A_401 = vector.broadcast %squeeze3A_33 : f32 to vector<16xf32>
      %mul3A_402 = arith.mulf %gather3A_399, %mul3A_401 : vector<16xf32>
      %add3A_403 = arith.addf %add3A_384, %mul3A_402 : vector<16xf32>
      %mul3A_404 = vector.broadcast %squeeze3A_93 : f32 to vector<16xf32>
      %mul3A_405 = arith.mulf %gather3A_400, %mul3A_404 : vector<16xf32>
      %add3A_406 = arith.addf %add3A_403, %mul3A_405 : vector<16xf32>
      %mul3A_407 = vector.broadcast %squeeze3A_35 : f32 to vector<16xf32>
      %mul3A_408 = arith.mulf %gather3A_399, %mul3A_407 : vector<16xf32>
      %add3A_409 = arith.addf %add3A_390, %mul3A_408 : vector<16xf32>
      %mul3A_410 = vector.broadcast %squeeze3A_95 : f32 to vector<16xf32>
      %mul3A_411 = arith.mulf %gather3A_400, %mul3A_410 : vector<16xf32>
      %add3A_412 = arith.addf %add3A_409, %mul3A_411 : vector<16xf32>
      %mul3A_413 = vector.broadcast %squeeze3A_37 : f32 to vector<16xf32>
      %mul3A_414 = arith.mulf %gather3A_399, %mul3A_413 : vector<16xf32>
      %add3A_415 = arith.addf %add3A_396, %mul3A_414 : vector<16xf32>
      %mul3A_416 = vector.broadcast %squeeze3A_97 : f32 to vector<16xf32>
      %mul3A_417 = arith.mulf %gather3A_400, %mul3A_416 : vector<16xf32>
      %add3A_418 = arith.addf %add3A_415, %mul3A_417 : vector<16xf32>
      %broadcast_in_dim3A_419 = arith.constant 5 : i32
      %broadcast_in_dim3A_420 = vector.broadcast %broadcast_in_dim3A_419 : i32 to vector<16xi32>
      %gather3A_421 = tpu.vector_load_idx %arg11[%iota3A, %broadcast_in_dim3A_420] : memref<16x16xf32, #tpu.memory_space<vmem>>[vector<16xi32>, vector<16xi32>], vector<16xf32>,
      %gather3A_422 = tpu.vector_load_idx %arg12[%iota3A, %broadcast_in_dim3A_420] : memref<16x16xf32, #tpu.memory_space<vmem>>[vector<16xi32>, vector<16xi32>], vector<16xf32>,
      %mul3A_423 = vector.broadcast %squeeze3A_39 : f32 to vector<16xf32>
      %mul3A_424 = arith.mulf %gather3A_421, %mul3A_423 : vector<16xf32>
      %add3A_425 = arith.addf %add3A_406, %mul3A_424 : vector<16xf32>
      %mul3A_426 = vector.broadcast %squeeze3A_99 : f32 to vector<16xf32>
      %mul3A_427 = arith.mulf %gather3A_422, %mul3A_426 : vector<16xf32>
      %add3A_428 = arith.addf %add3A_425, %mul3A_427 : vector<16xf32>
      %mul3A_429 = vector.broadcast %squeeze3A_41 : f32 to vector<16xf32>
      %mul3A_430 = arith.mulf %gather3A_421, %mul3A_429 : vector<16xf32>
      %add3A_431 = arith.addf %add3A_412, %mul3A_430 : vector<16xf32>
      %mul3A_432 = vector.broadcast %squeeze3A_101 : f32 to vector<16xf32>
      %mul3A_433 = arith.mulf %gather3A_422, %mul3A_432 : vector<16xf32>
      %add3A_434 = arith.addf %add3A_431, %mul3A_433 : vector<16xf32>
      %mul3A_435 = vector.broadcast %squeeze3A_43 : f32 to vector<16xf32>
      %mul3A_436 = arith.mulf %gather3A_421, %mul3A_435 : vector<16xf32>
      %add3A_437 = arith.addf %add3A_418, %mul3A_436 : vector<16xf32>
      %mul3A_438 = vector.broadcast %squeeze3A_103 : f32 to vector<16xf32>
      %mul3A_439 = arith.mulf %gather3A_422, %mul3A_438 : vector<16xf32>
      %add3A_440 = arith.addf %add3A_437, %mul3A_439 : vector<16xf32>
      %broadcast_in_dim3A_441 = arith.constant 6 : i32
      %broadcast_in_dim3A_442 = vector.broadcast %broadcast_in_dim3A_441 : i32 to vector<16xi32>
      %gather3A_443 = tpu.vector_load_idx %arg11[%iota3A, %broadcast_in_dim3A_442] : memref<16x16xf32, #tpu.memory_space<vmem>>[vector<16xi32>, vector<16xi32>], vector<16xf32>,
      %gather3A_444 = tpu.vector_load_idx %arg12[%iota3A, %broadcast_in_dim3A_442] : memref<16x16xf32, #tpu.memory_space<vmem>>[vector<16xi32>, vector<16xi32>], vector<16xf32>,
      %mul3A_445 = vector.broadcast %squeeze3A_45 : f32 to vector<16xf32>
      %mul3A_446 = arith.mulf %gather3A_443, %mul3A_445 : vector<16xf32>
      %add3A_447 = arith.addf %add3A_428, %mul3A_446 : vector<16xf32>
      %mul3A_448 = vector.broadcast %squeeze3A_105 : f32 to vector<16xf32>
      %mul3A_449 = arith.mulf %gather3A_444, %mul3A_448 : vector<16xf32>
      %add3A_450 = arith.addf %add3A_447, %mul3A_449 : vector<16xf32>
      %mul3A_451 = vector.broadcast %squeeze3A_47 : f32 to vector<16xf32>
      %mul3A_452 = arith.mulf %gather3A_443, %mul3A_451 : vector<16xf32>
      %add3A_453 = arith.addf %add3A_434, %mul3A_452 : vector<16xf32>
      %mul3A_454 = vector.broadcast %squeeze3A_107 : f32 to vector<16xf32>
      %mul3A_455 = arith.mulf %gather3A_444, %mul3A_454 : vector<16xf32>
      %add3A_456 = arith.addf %add3A_453, %mul3A_455 : vector<16xf32>
      %mul3A_457 = vector.broadcast %squeeze3A_49 : f32 to vector<16xf32>
      %mul3A_458 = arith.mulf %gather3A_443, %mul3A_457 : vector<16xf32>
      %add3A_459 = arith.addf %add3A_440, %mul3A_458 : vector<16xf32>
      %mul3A_460 = vector.broadcast %squeeze3A_109 : f32 to vector<16xf32>
      %mul3A_461 = arith.mulf %gather3A_444, %mul3A_460 : vector<16xf32>
      %add3A_462 = arith.addf %add3A_459, %mul3A_461 : vector<16xf32>
      %broadcast_in_dim3A_463 = arith.constant 7 : i32
      %broadcast_in_dim3A_464 = vector.broadcast %broadcast_in_dim3A_463 : i32 to vector<16xi32>
      %gather3A_465 = tpu.vector_load_idx %arg11[%iota3A, %broadcast_in_dim3A_464] : memref<16x16xf32, #tpu.memory_space<vmem>>[vector<16xi32>, vector<16xi32>], vector<16xf32>,
      %gather3A_466 = tpu.vector_load_idx %arg12[%iota3A, %broadcast_in_dim3A_464] : memref<16x16xf32, #tpu.memory_space<vmem>>[vector<16xi32>, vector<16xi32>], vector<16xf32>,
      %mul3A_467 = vector.broadcast %squeeze3A_51 : f32 to vector<16xf32>
      %mul3A_468 = arith.mulf %gather3A_465, %mul3A_467 : vector<16xf32>
      %add3A_469 = arith.addf %add3A_450, %mul3A_468 : vector<16xf32>
      %mul3A_470 = vector.broadcast %squeeze3A_111 : f32 to vector<16xf32>
      %mul3A_471 = arith.mulf %gather3A_466, %mul3A_470 : vector<16xf32>
      %add3A_472 = arith.addf %add3A_469, %mul3A_471 : vector<16xf32>
      %mul3A_473 = vector.broadcast %squeeze3A_53 : f32 to vector<16xf32>
      %mul3A_474 = arith.mulf %gather3A_465, %mul3A_473 : vector<16xf32>
      %add3A_475 = arith.addf %add3A_456, %mul3A_474 : vector<16xf32>
      %mul3A_476 = vector.broadcast %squeeze3A_113 : f32 to vector<16xf32>
      %mul3A_477 = arith.mulf %gather3A_466, %mul3A_476 : vector<16xf32>
      %add3A_478 = arith.addf %add3A_475, %mul3A_477 : vector<16xf32>
      %mul3A_479 = vector.broadcast %squeeze3A_55 : f32 to vector<16xf32>
      %mul3A_480 = arith.mulf %gather3A_465, %mul3A_479 : vector<16xf32>
      %add3A_481 = arith.addf %add3A_462, %mul3A_480 : vector<16xf32>
      %mul3A_482 = vector.broadcast %squeeze3A_115 : f32 to vector<16xf32>
      %mul3A_483 = arith.mulf %gather3A_466, %mul3A_482 : vector<16xf32>
      %add3A_484 = arith.addf %add3A_481, %mul3A_483 : vector<16xf32>
      %broadcast_in_dim3A_485 = arith.constant 8 : i32
      %broadcast_in_dim3A_486 = vector.broadcast %broadcast_in_dim3A_485 : i32 to vector<16xi32>
      %gather3A_487 = tpu.vector_load_idx %arg11[%iota3A, %broadcast_in_dim3A_486] : memref<16x16xf32, #tpu.memory_space<vmem>>[vector<16xi32>, vector<16xi32>], vector<16xf32>,
      %gather3A_488 = tpu.vector_load_idx %arg12[%iota3A, %broadcast_in_dim3A_486] : memref<16x16xf32, #tpu.memory_space<vmem>>[vector<16xi32>, vector<16xi32>], vector<16xf32>,
      %mul3A_489 = vector.broadcast %squeeze3A_57 : f32 to vector<16xf32>
      %mul3A_490 = arith.mulf %gather3A_487, %mul3A_489 : vector<16xf32>
      %add3A_491 = arith.addf %add3A_472, %mul3A_490 : vector<16xf32>
      %mul3A_492 = vector.broadcast %squeeze3A_117 : f32 to vector<16xf32>
      %mul3A_493 = arith.mulf %gather3A_488, %mul3A_492 : vector<16xf32>
      %add3A_494 = arith.addf %add3A_491, %mul3A_493 : vector<16xf32>
      %mul3A_495 = vector.broadcast %squeeze3A_59 : f32 to vector<16xf32>
      %mul3A_496 = arith.mulf %gather3A_487, %mul3A_495 : vector<16xf32>
      %add3A_497 = arith.addf %add3A_478, %mul3A_496 : vector<16xf32>
      %mul3A_498 = vector.broadcast %squeeze3A_119 : f32 to vector<16xf32>
      %mul3A_499 = arith.mulf %gather3A_488, %mul3A_498 : vector<16xf32>
      %add3A_500 = arith.addf %add3A_497, %mul3A_499 : vector<16xf32>
      %mul3A_501 = vector.broadcast %squeeze3A_61 : f32 to vector<16xf32>
      %mul3A_502 = arith.mulf %gather3A_487, %mul3A_501 : vector<16xf32>
      %add3A_503 = arith.addf %add3A_484, %mul3A_502 : vector<16xf32>
      %mul3A_504 = vector.broadcast %squeeze3A_121 : f32 to vector<16xf32>
      %mul3A_505 = arith.mulf %gather3A_488, %mul3A_504 : vector<16xf32>
      %add3A_506 = arith.addf %add3A_503, %mul3A_505 : vector<16xf32>
      %broadcast_in_dim3A_507 = arith.constant 9 : i32
      %broadcast_in_dim3A_508 = vector.broadcast %broadcast_in_dim3A_507 : i32 to vector<16xi32>
      %gather3A_509 = tpu.vector_load_idx %arg11[%iota3A, %broadcast_in_dim3A_508] : memref<16x16xf32, #tpu.memory_space<vmem>>[vector<16xi32>, vector<16xi32>], vector<16xf32>,
      %gather3A_510 = tpu.vector_load_idx %arg12[%iota3A, %broadcast_in_dim3A_508] : memref<16x16xf32, #tpu.memory_space<vmem>>[vector<16xi32>, vector<16xi32>], vector<16xf32>,
      %mul3A_511 = vector.broadcast %squeeze3A_63 : f32 to vector<16xf32>
      %mul3A_512 = arith.mulf %gather3A_509, %mul3A_511 : vector<16xf32>
      %add3A_513 = arith.addf %add3A_494, %mul3A_512 : vector<16xf32>
      %mul3A_514 = vector.broadcast %squeeze3A_123 : f32 to vector<16xf32>
      %mul3A_515 = arith.mulf %gather3A_510, %mul3A_514 : vector<16xf32>
      %add3A_516 = arith.addf %add3A_513, %mul3A_515 : vector<16xf32>
      %mul3A_517 = vector.broadcast %squeeze3A_65 : f32 to vector<16xf32>
      %mul3A_518 = arith.mulf %gather3A_509, %mul3A_517 : vector<16xf32>
      %add3A_519 = arith.addf %add3A_500, %mul3A_518 : vector<16xf32>
      %mul3A_520 = vector.broadcast %squeeze3A_125 : f32 to vector<16xf32>
      %mul3A_521 = arith.mulf %gather3A_510, %mul3A_520 : vector<16xf32>
      %add3A_522 = arith.addf %add3A_519, %mul3A_521 : vector<16xf32>
      %mul3A_523 = vector.broadcast %squeeze3A_67 : f32 to vector<16xf32>
      %mul3A_524 = arith.mulf %gather3A_509, %mul3A_523 : vector<16xf32>
      %add3A_525 = arith.addf %add3A_506, %mul3A_524 : vector<16xf32>
      %mul3A_526 = vector.broadcast %squeeze3A_127 : f32 to vector<16xf32>
      %mul3A_527 = arith.mulf %gather3A_510, %mul3A_526 : vector<16xf32>
      %add3A_528 = arith.addf %add3A_525, %mul3A_527 : vector<16xf32>
      %mul3A_529 = arith.constant 16 : i32
      %mul3A_530 = arith.muli %scan3A_170, %mul3A_529 : i32
      %add3A_531 = arith.constant 0 : i32
      %add3A_532 = arith.addi %add3A_531, %mul3A_530 : i32
      %add3A_533 = vector.broadcast %add3A_532 : i32 to vector<16xi32>
      %add3A_534 = arith.addi %add3A_533, %iota3A : vector<16xi32>
      %broadcast_in_dim3A_535 = arith.constant 0 : i32
      %broadcast_in_dim3A_536 = vector.broadcast %broadcast_in_dim3A_535 : i32 to vector<16xi32>
      %mul3A_537 = vector.broadcast %scan3A : f32 to vector<16xf32>
      %mul3A_538 = arith.mulf %add3A_516, %mul3A_537 : vector<16xf32>
      tpu.vector_store_idx %arg13[%add3A_534, %broadcast_in_dim3A_536], %mul3A_538 : memref<512x3xf32, #tpu.memory_space<vmem>>[vector<16xi32>, vector<16xi32>], vector<16xf32>,
      %broadcast_in_dim3A_539 = arith.constant 1 : i32
      %broadcast_in_dim3A_540 = vector.broadcast %broadcast_in_dim3A_539 : i32 to vector<16xi32>
      %mul3A_541 = vector.broadcast %scan3A : f32 to vector<16xf32>
      %mul3A_542 = arith.mulf %add3A_522, %mul3A_541 : vector<16xf32>
      tpu.vector_store_idx %arg13[%add3A_534, %broadcast_in_dim3A_540], %mul3A_542 : memref<512x3xf32, #tpu.memory_space<vmem>>[vector<16xi32>, vector<16xi32>], vector<16xf32>,
      %broadcast_in_dim3A_543 = arith.constant 2 : i32
      %broadcast_in_dim3A_544 = vector.broadcast %broadcast_in_dim3A_543 : i32 to vector<16xi32>
      %mul3A_545 = vector.broadcast %scan3A : f32 to vector<16xf32>
      %mul3A_546 = arith.mulf %add3A_528, %mul3A_545 : vector<16xf32>
      tpu.vector_store_idx %arg13[%add3A_534, %broadcast_in_dim3A_544], %mul3A_546 : memref<512x3xf32, #tpu.memory_space<vmem>>[vector<16xi32>, vector<16xi32>], vector<16xf32>,
      %scan3A_547 = arith.constant 0 : i32
      scf.yield %scan3A_547 : i32
    }
    %scan3A_139 = arith.constant 8 : i32
    %add3A_140 = arith.constant 128 : i32
    %add3A_141 = arith.addi %mul3A_2, %add3A_140 : i32
    "tpu.region"() ({
      %run_scoped3A = tpu.sem_alloc : memref<!tpu.dma_semaphore, #tpu.memory_space<semaphore_mem>>
      %dma_start3A = arith.constant 0 : i32
      %dma_start3A_170 = tpu.memref_slice %arg2[%add3A_141, %dma_start3A] : memref<16384x200xi32, #tpu.memory_space<hbm>> -> memref<128x200xi32, #tpu.memory_space<hbm>>
      %dma_start3A_171 = arith.constant 0 : i32
      %dma_start3A_172 = tpu.memref_slice %arg2[%add3A_141, %dma_start3A_171] : memref<16384x200xi32, #tpu.memory_space<hbm>> -> memref<128x200xi32, #tpu.memory_space<hbm>>
      tpu.enqueue_dma source(%dma_start3A_172 : memref<128x200xi32, #tpu.memory_space<hbm>>) target(%arg7 : memref<128x200xi32, #tpu.memory_space<vmem>>) target_semaphore(%run_scoped3A : memref<!tpu.dma_semaphore, #tpu.memory_space<semaphore_mem>>)
      %dma_wait3A = arith.constant 0 : i32
      %dma_wait3A_173 = tpu.memref_slice %arg2[%add3A_141, %dma_wait3A] : memref<16384x200xi32, #tpu.memory_space<hbm>> -> memref<128x200xi32, #tpu.memory_space<hbm>>
      %dma_wait3A_174 = arith.constant 0 : i32
      %dma_wait3A_175 = tpu.memref_slice %arg2[%add3A_141, %dma_wait3A_174] : memref<16384x200xi32, #tpu.memory_space<hbm>> -> memref<128x200xi32, #tpu.memory_space<hbm>>
      tpu.wait_dma2 semaphore(%run_scoped3A : memref<!tpu.dma_semaphore, #tpu.memory_space<semaphore_mem>>) src(%dma_wait3A_175 : memref<128x200xi32, #tpu.memory_space<hbm>>) dst(%arg7 : memref<128x200xi32, #tpu.memory_space<vmem>>)
      tpu.yield
    }) : () -> ()
    "tpu.region"() ({
      %run_scoped3A = tpu.sem_alloc : memref<!tpu.dma_semaphore, #tpu.memory_space<semaphore_mem>>
      %dma_start3A = arith.constant 0 : i32
      %dma_start3A_170 = tpu.memref_slice %arg3[%add3A_141, %dma_start3A] : memref<16384x200xi32, #tpu.memory_space<hbm>> -> memref<128x200xi32, #tpu.memory_space<hbm>>
      %dma_start3A_171 = arith.constant 0 : i32
      %dma_start3A_172 = tpu.memref_slice %arg3[%add3A_141, %dma_start3A_171] : memref<16384x200xi32, #tpu.memory_space<hbm>> -> memref<128x200xi32, #tpu.memory_space<hbm>>
      tpu.enqueue_dma source(%dma_start3A_172 : memref<128x200xi32, #tpu.memory_space<hbm>>) target(%arg8 : memref<128x200xi32, #tpu.memory_space<vmem>>) target_semaphore(%run_scoped3A : memref<!tpu.dma_semaphore, #tpu.memory_space<semaphore_mem>>)
      %dma_wait3A = arith.constant 0 : i32
      %dma_wait3A_173 = tpu.memref_slice %arg3[%add3A_141, %dma_wait3A] : memref<16384x200xi32, #tpu.memory_space<hbm>> -> memref<128x200xi32, #tpu.memory_space<hbm>>
      %dma_wait3A_174 = arith.constant 0 : i32
      %dma_wait3A_175 = tpu.memref_slice %arg3[%add3A_141, %dma_wait3A_174] : memref<16384x200xi32, #tpu.memory_space<hbm>> -> memref<128x200xi32, #tpu.memory_space<hbm>>
      tpu.wait_dma2 semaphore(%run_scoped3A : memref<!tpu.dma_semaphore, #tpu.memory_space<semaphore_mem>>) src(%dma_wait3A_175 : memref<128x200xi32, #tpu.memory_space<hbm>>) dst(%arg8 : memref<128x200xi32, #tpu.memory_space<vmem>>)
      tpu.yield
    }) : () -> ()
    %scan3A_142 = arith.constant 5.000000e-03 : f32
    %scan3A_143 = arith.constant 0 : i32
    %scan3A_144 = arith.constant 0 : i32
    %scan3A_145 = arith.constant 8 : i32
    %scan3A_146 = arith.addi %scan3A_144, %scan3A_145 : i32
    %scan3A_147 = arith.constant 1 : i32
    %scan3A_148 = scf.for %scan3A_170 = %scan3A_144 to %scan3A_146 step %scan3A_147 iter_args(%scan3A_171 = %scan3A_143) -> (i32)  : i32 {
      %mul3A_172 = arith.constant 16 : i32
      %mul3A_173 = arith.muli %scan3A_170, %mul3A_172 : i32
      %add3A_174 = vector.broadcast %mul3A_173 : i32 to vector<16xi32>
      %add3A_175 = arith.addi %add3A_174, %iota3A : vector<16xi32>
      %swap3A = arith.constant 0 : i32
      %swap3A_176 = arith.index_cast %swap3A : i32 to index
      %swap3A_177 = arith.constant 0 : index
      %swap3A_178 = tpu.vector_load %arg11[%swap3A_176, %swap3A_177] {strides = array<i32>} : memref<16x16xf32, #tpu.memory_space<vmem>>, vector<16xf32>,
      tpu.vector_store %arg11[%swap3A_176, %swap3A_177], %broadcast_in_dim3A_130 {strides = array<i32>} : memref<16x16xf32, #tpu.memory_space<vmem>>, vector<16xf32>,
      %swap3A_179 = arith.constant 0 : i32
      %swap3A_180 = arith.index_cast %swap3A_179 : i32 to index
      %swap3A_181 = arith.constant 0 : index
      %swap3A_182 = tpu.vector_load %arg12[%swap3A_180, %swap3A_181] {strides = array<i32>} : memref<16x16xf32, #tpu.memory_space<vmem>>, vector<16xf32>,
      tpu.vector_store %arg12[%swap3A_180, %swap3A_181], %broadcast_in_dim3A_130 {strides = array<i32>} : memref<16x16xf32, #tpu.memory_space<vmem>>, vector<16xf32>,
      %swap3A_183 = arith.constant 1 : i32
      %swap3A_184 = arith.index_cast %swap3A_183 : i32 to index
      %swap3A_185 = arith.constant 0 : index
      %swap3A_186 = tpu.vector_load %arg11[%swap3A_184, %swap3A_185] {strides = array<i32>} : memref<16x16xf32, #tpu.memory_space<vmem>>, vector<16xf32>,
      tpu.vector_store %arg11[%swap3A_184, %swap3A_185], %broadcast_in_dim3A_130 {strides = array<i32>} : memref<16x16xf32, #tpu.memory_space<vmem>>, vector<16xf32>,
      %swap3A_187 = arith.constant 1 : i32
      %swap3A_188 = arith.index_cast %swap3A_187 : i32 to index
      %swap3A_189 = arith.constant 0 : index
      %swap3A_190 = tpu.vector_load %arg12[%swap3A_188, %swap3A_189] {strides = array<i32>} : memref<16x16xf32, #tpu.memory_space<vmem>>, vector<16xf32>,
      tpu.vector_store %arg12[%swap3A_188, %swap3A_189], %broadcast_in_dim3A_130 {strides = array<i32>} : memref<16x16xf32, #tpu.memory_space<vmem>>, vector<16xf32>,
      %swap3A_191 = arith.constant 2 : i32
      %swap3A_192 = arith.index_cast %swap3A_191 : i32 to index
      %swap3A_193 = arith.constant 0 : index
      %swap3A_194 = tpu.vector_load %arg11[%swap3A_192, %swap3A_193] {strides = array<i32>} : memref<16x16xf32, #tpu.memory_space<vmem>>, vector<16xf32>,
      tpu.vector_store %arg11[%swap3A_192, %swap3A_193], %broadcast_in_dim3A_130 {strides = array<i32>} : memref<16x16xf32, #tpu.memory_space<vmem>>, vector<16xf32>,
      %swap3A_195 = arith.constant 2 : i32
      %swap3A_196 = arith.index_cast %swap3A_195 : i32 to index
      %swap3A_197 = arith.constant 0 : index
      %swap3A_198 = tpu.vector_load %arg12[%swap3A_196, %swap3A_197] {strides = array<i32>} : memref<16x16xf32, #tpu.memory_space<vmem>>, vector<16xf32>,
      tpu.vector_store %arg12[%swap3A_196, %swap3A_197], %broadcast_in_dim3A_130 {strides = array<i32>} : memref<16x16xf32, #tpu.memory_space<vmem>>, vector<16xf32>,
      %swap3A_199 = arith.constant 3 : i32
      %swap3A_200 = arith.index_cast %swap3A_199 : i32 to index
      %swap3A_201 = arith.constant 0 : index
      %swap3A_202 = tpu.vector_load %arg11[%swap3A_200, %swap3A_201] {strides = array<i32>} : memref<16x16xf32, #tpu.memory_space<vmem>>, vector<16xf32>,
      tpu.vector_store %arg11[%swap3A_200, %swap3A_201], %broadcast_in_dim3A_130 {strides = array<i32>} : memref<16x16xf32, #tpu.memory_space<vmem>>, vector<16xf32>,
      %swap3A_203 = arith.constant 3 : i32
      %swap3A_204 = arith.index_cast %swap3A_203 : i32 to index
      %swap3A_205 = arith.constant 0 : index
      %swap3A_206 = tpu.vector_load %arg12[%swap3A_204, %swap3A_205] {strides = array<i32>} : memref<16x16xf32, #tpu.memory_space<vmem>>, vector<16xf32>,
      tpu.vector_store %arg12[%swap3A_204, %swap3A_205], %broadcast_in_dim3A_130 {strides = array<i32>} : memref<16x16xf32, #tpu.memory_space<vmem>>, vector<16xf32>,
      %swap3A_207 = arith.constant 4 : i32
      %swap3A_208 = arith.index_cast %swap3A_207 : i32 to index
      %swap3A_209 = arith.constant 0 : index
      %swap3A_210 = tpu.vector_load %arg11[%swap3A_208, %swap3A_209] {strides = array<i32>} : memref<16x16xf32, #tpu.memory_space<vmem>>, vector<16xf32>,
      tpu.vector_store %arg11[%swap3A_208, %swap3A_209], %broadcast_in_dim3A_130 {strides = array<i32>} : memref<16x16xf32, #tpu.memory_space<vmem>>, vector<16xf32>,
      %swap3A_211 = arith.constant 4 : i32
      %swap3A_212 = arith.index_cast %swap3A_211 : i32 to index
      %swap3A_213 = arith.constant 0 : index
      %swap3A_214 = tpu.vector_load %arg12[%swap3A_212, %swap3A_213] {strides = array<i32>} : memref<16x16xf32, #tpu.memory_space<vmem>>, vector<16xf32>,
      tpu.vector_store %arg12[%swap3A_212, %swap3A_213], %broadcast_in_dim3A_130 {strides = array<i32>} : memref<16x16xf32, #tpu.memory_space<vmem>>, vector<16xf32>,
      %swap3A_215 = arith.constant 5 : i32
      %swap3A_216 = arith.index_cast %swap3A_215 : i32 to index
      %swap3A_217 = arith.constant 0 : index
      %swap3A_218 = tpu.vector_load %arg11[%swap3A_216, %swap3A_217] {strides = array<i32>} : memref<16x16xf32, #tpu.memory_space<vmem>>, vector<16xf32>,
      tpu.vector_store %arg11[%swap3A_216, %swap3A_217], %broadcast_in_dim3A_130 {strides = array<i32>} : memref<16x16xf32, #tpu.memory_space<vmem>>, vector<16xf32>,
      %swap3A_219 = arith.constant 5 : i32
      %swap3A_220 = arith.index_cast %swap3A_219 : i32 to index
      %swap3A_221 = arith.constant 0 : index
      %swap3A_222 = tpu.vector_load %arg12[%swap3A_220, %swap3A_221] {strides = array<i32>} : memref<16x16xf32, #tpu.memory_space<vmem>>, vector<16xf32>,
      tpu.vector_store %arg12[%swap3A_220, %swap3A_221], %broadcast_in_dim3A_130 {strides = array<i32>} : memref<16x16xf32, #tpu.memory_space<vmem>>, vector<16xf32>,
      %swap3A_223 = arith.constant 6 : i32
      %swap3A_224 = arith.index_cast %swap3A_223 : i32 to index
      %swap3A_225 = arith.constant 0 : index
      %swap3A_226 = tpu.vector_load %arg11[%swap3A_224, %swap3A_225] {strides = array<i32>} : memref<16x16xf32, #tpu.memory_space<vmem>>, vector<16xf32>,
      tpu.vector_store %arg11[%swap3A_224, %swap3A_225], %broadcast_in_dim3A_130 {strides = array<i32>} : memref<16x16xf32, #tpu.memory_space<vmem>>, vector<16xf32>,
      %swap3A_227 = arith.constant 6 : i32
      %swap3A_228 = arith.index_cast %swap3A_227 : i32 to index
      %swap3A_229 = arith.constant 0 : index
      %swap3A_230 = tpu.vector_load %arg12[%swap3A_228, %swap3A_229] {strides = array<i32>} : memref<16x16xf32, #tpu.memory_space<vmem>>, vector<16xf32>,
      tpu.vector_store %arg12[%swap3A_228, %swap3A_229], %broadcast_in_dim3A_130 {strides = array<i32>} : memref<16x16xf32, #tpu.memory_space<vmem>>, vector<16xf32>,
      %swap3A_231 = arith.constant 7 : i32
      %swap3A_232 = arith.index_cast %swap3A_231 : i32 to index
      %swap3A_233 = arith.constant 0 : index
      %swap3A_234 = tpu.vector_load %arg11[%swap3A_232, %swap3A_233] {strides = array<i32>} : memref<16x16xf32, #tpu.memory_space<vmem>>, vector<16xf32>,
      tpu.vector_store %arg11[%swap3A_232, %swap3A_233], %broadcast_in_dim3A_130 {strides = array<i32>} : memref<16x16xf32, #tpu.memory_space<vmem>>, vector<16xf32>,
      %swap3A_235 = arith.constant 7 : i32
      %swap3A_236 = arith.index_cast %swap3A_235 : i32 to index
      %swap3A_237 = arith.constant 0 : index
      %swap3A_238 = tpu.vector_load %arg12[%swap3A_236, %swap3A_237] {strides = array<i32>} : memref<16x16xf32, #tpu.memory_space<vmem>>, vector<16xf32>,
      tpu.vector_store %arg12[%swap3A_236, %swap3A_237], %broadcast_in_dim3A_130 {strides = array<i32>} : memref<16x16xf32, #tpu.memory_space<vmem>>, vector<16xf32>,
      %swap3A_239 = arith.constant 8 : i32
      %swap3A_240 = arith.index_cast %swap3A_239 : i32 to index
      %swap3A_241 = arith.constant 0 : index
      %swap3A_242 = tpu.vector_load %arg11[%swap3A_240, %swap3A_241] {strides = array<i32>} : memref<16x16xf32, #tpu.memory_space<vmem>>, vector<16xf32>,
      tpu.vector_store %arg11[%swap3A_240, %swap3A_241], %broadcast_in_dim3A_130 {strides = array<i32>} : memref<16x16xf32, #tpu.memory_space<vmem>>, vector<16xf32>,
      %swap3A_243 = arith.constant 8 : i32
      %swap3A_244 = arith.index_cast %swap3A_243 : i32 to index
      %swap3A_245 = arith.constant 0 : index
      %swap3A_246 = tpu.vector_load %arg12[%swap3A_244, %swap3A_245] {strides = array<i32>} : memref<16x16xf32, #tpu.memory_space<vmem>>, vector<16xf32>,
      tpu.vector_store %arg12[%swap3A_244, %swap3A_245], %broadcast_in_dim3A_130 {strides = array<i32>} : memref<16x16xf32, #tpu.memory_space<vmem>>, vector<16xf32>,
      %swap3A_247 = arith.constant 9 : i32
      %swap3A_248 = arith.index_cast %swap3A_247 : i32 to index
      %swap3A_249 = arith.constant 0 : index
      %swap3A_250 = tpu.vector_load %arg11[%swap3A_248, %swap3A_249] {strides = array<i32>} : memref<16x16xf32, #tpu.memory_space<vmem>>, vector<16xf32>,
      tpu.vector_store %arg11[%swap3A_248, %swap3A_249], %broadcast_in_dim3A_130 {strides = array<i32>} : memref<16x16xf32, #tpu.memory_space<vmem>>, vector<16xf32>,
      %swap3A_251 = arith.constant 9 : i32
      %swap3A_252 = arith.index_cast %swap3A_251 : i32 to index
      %swap3A_253 = arith.constant 0 : index
      %swap3A_254 = tpu.vector_load %arg12[%swap3A_252, %swap3A_253] {strides = array<i32>} : memref<16x16xf32, #tpu.memory_space<vmem>>, vector<16xf32>,
      tpu.vector_store %arg12[%swap3A_252, %swap3A_253], %broadcast_in_dim3A_130 {strides = array<i32>} : memref<16x16xf32, #tpu.memory_space<vmem>>, vector<16xf32>,
      %swap3A_255 = arith.constant 10 : i32
      %swap3A_256 = arith.index_cast %swap3A_255 : i32 to index
      %swap3A_257 = arith.constant 0 : index
      %swap3A_258 = tpu.vector_load %arg11[%swap3A_256, %swap3A_257] {strides = array<i32>} : memref<16x16xf32, #tpu.memory_space<vmem>>, vector<16xf32>,
      tpu.vector_store %arg11[%swap3A_256, %swap3A_257], %broadcast_in_dim3A_130 {strides = array<i32>} : memref<16x16xf32, #tpu.memory_space<vmem>>, vector<16xf32>,
      %swap3A_259 = arith.constant 10 : i32
      %swap3A_260 = arith.index_cast %swap3A_259 : i32 to index
      %swap3A_261 = arith.constant 0 : index
      %swap3A_262 = tpu.vector_load %arg12[%swap3A_260, %swap3A_261] {strides = array<i32>} : memref<16x16xf32, #tpu.memory_space<vmem>>, vector<16xf32>,
      tpu.vector_store %arg12[%swap3A_260, %swap3A_261], %broadcast_in_dim3A_130 {strides = array<i32>} : memref<16x16xf32, #tpu.memory_space<vmem>>, vector<16xf32>,
      %swap3A_263 = arith.constant 11 : i32
      %swap3A_264 = arith.index_cast %swap3A_263 : i32 to index
      %swap3A_265 = arith.constant 0 : index
      %swap3A_266 = tpu.vector_load %arg11[%swap3A_264, %swap3A_265] {strides = array<i32>} : memref<16x16xf32, #tpu.memory_space<vmem>>, vector<16xf32>,
      tpu.vector_store %arg11[%swap3A_264, %swap3A_265], %broadcast_in_dim3A_130 {strides = array<i32>} : memref<16x16xf32, #tpu.memory_space<vmem>>, vector<16xf32>,
      %swap3A_267 = arith.constant 11 : i32
      %swap3A_268 = arith.index_cast %swap3A_267 : i32 to index
      %swap3A_269 = arith.constant 0 : index
      %swap3A_270 = tpu.vector_load %arg12[%swap3A_268, %swap3A_269] {strides = array<i32>} : memref<16x16xf32, #tpu.memory_space<vmem>>, vector<16xf32>,
      tpu.vector_store %arg12[%swap3A_268, %swap3A_269], %broadcast_in_dim3A_130 {strides = array<i32>} : memref<16x16xf32, #tpu.memory_space<vmem>>, vector<16xf32>,
      %swap3A_271 = arith.constant 12 : i32
      %swap3A_272 = arith.index_cast %swap3A_271 : i32 to index
      %swap3A_273 = arith.constant 0 : index
      %swap3A_274 = tpu.vector_load %arg11[%swap3A_272, %swap3A_273] {strides = array<i32>} : memref<16x16xf32, #tpu.memory_space<vmem>>, vector<16xf32>,
      tpu.vector_store %arg11[%swap3A_272, %swap3A_273], %broadcast_in_dim3A_130 {strides = array<i32>} : memref<16x16xf32, #tpu.memory_space<vmem>>, vector<16xf32>,
      %swap3A_275 = arith.constant 12 : i32
      %swap3A_276 = arith.index_cast %swap3A_275 : i32 to index
      %swap3A_277 = arith.constant 0 : index
      %swap3A_278 = tpu.vector_load %arg12[%swap3A_276, %swap3A_277] {strides = array<i32>} : memref<16x16xf32, #tpu.memory_space<vmem>>, vector<16xf32>,
      tpu.vector_store %arg12[%swap3A_276, %swap3A_277], %broadcast_in_dim3A_130 {strides = array<i32>} : memref<16x16xf32, #tpu.memory_space<vmem>>, vector<16xf32>,
      %swap3A_279 = arith.constant 13 : i32
      %swap3A_280 = arith.index_cast %swap3A_279 : i32 to index
      %swap3A_281 = arith.constant 0 : index
      %swap3A_282 = tpu.vector_load %arg11[%swap3A_280, %swap3A_281] {strides = array<i32>} : memref<16x16xf32, #tpu.memory_space<vmem>>, vector<16xf32>,
      tpu.vector_store %arg11[%swap3A_280, %swap3A_281], %broadcast_in_dim3A_130 {strides = array<i32>} : memref<16x16xf32, #tpu.memory_space<vmem>>, vector<16xf32>,
      %swap3A_283 = arith.constant 13 : i32
      %swap3A_284 = arith.index_cast %swap3A_283 : i32 to index
      %swap3A_285 = arith.constant 0 : index
      %swap3A_286 = tpu.vector_load %arg12[%swap3A_284, %swap3A_285] {strides = array<i32>} : memref<16x16xf32, #tpu.memory_space<vmem>>, vector<16xf32>,
      tpu.vector_store %arg12[%swap3A_284, %swap3A_285], %broadcast_in_dim3A_130 {strides = array<i32>} : memref<16x16xf32, #tpu.memory_space<vmem>>, vector<16xf32>,
      %swap3A_287 = arith.constant 14 : i32
      %swap3A_288 = arith.index_cast %swap3A_287 : i32 to index
      %swap3A_289 = arith.constant 0 : index
      %swap3A_290 = tpu.vector_load %arg11[%swap3A_288, %swap3A_289] {strides = array<i32>} : memref<16x16xf32, #tpu.memory_space<vmem>>, vector<16xf32>,
      tpu.vector_store %arg11[%swap3A_288, %swap3A_289], %broadcast_in_dim3A_130 {strides = array<i32>} : memref<16x16xf32, #tpu.memory_space<vmem>>, vector<16xf32>,
      %swap3A_291 = arith.constant 14 : i32
      %swap3A_292 = arith.index_cast %swap3A_291 : i32 to index
      %swap3A_293 = arith.constant 0 : index
      %swap3A_294 = tpu.vector_load %arg12[%swap3A_292, %swap3A_293] {strides = array<i32>} : memref<16x16xf32, #tpu.memory_space<vmem>>, vector<16xf32>,
      tpu.vector_store %arg12[%swap3A_292, %swap3A_293], %broadcast_in_dim3A_130 {strides = array<i32>} : memref<16x16xf32, #tpu.memory_space<vmem>>, vector<16xf32>,
      %swap3A_295 = arith.constant 15 : i32
      %swap3A_296 = arith.index_cast %swap3A_295 : i32 to index
      %swap3A_297 = arith.constant 0 : index
      %swap3A_298 = tpu.vector_load %arg11[%swap3A_296, %swap3A_297] {strides = array<i32>} : memref<16x16xf32, #tpu.memory_space<vmem>>, vector<16xf32>,
      tpu.vector_store %arg11[%swap3A_296, %swap3A_297], %broadcast_in_dim3A_130 {strides = array<i32>} : memref<16x16xf32, #tpu.memory_space<vmem>>, vector<16xf32>,
      %swap3A_299 = arith.constant 15 : i32
      %swap3A_300 = arith.index_cast %swap3A_299 : i32 to index
      %swap3A_301 = arith.constant 0 : index
      %swap3A_302 = tpu.vector_load %arg12[%swap3A_300, %swap3A_301] {strides = array<i32>} : memref<16x16xf32, #tpu.memory_space<vmem>>, vector<16xf32>,
      tpu.vector_store %arg12[%swap3A_300, %swap3A_301], %broadcast_in_dim3A_130 {strides = array<i32>} : memref<16x16xf32, #tpu.memory_space<vmem>>, vector<16xf32>,
      %scan3A_303 = arith.constant 0 : i32
      %scan3A_304 = arith.constant 0 : i32
      %scan3A_305 = arith.constant 25 : i32
      %scan3A_306 = arith.addi %scan3A_304, %scan3A_305 : i32
      %scan3A_307 = arith.constant 1 : i32
      %scan3A_308 = scf.for %scan3A_548 = %scan3A_304 to %scan3A_306 step %scan3A_307 iter_args(%scan3A_549 = %scan3A_303) -> (i32)  : i32 {
        %mul3A_550 = arith.constant 8 : i32
        %mul3A_551 = arith.muli %scan3A_548, %mul3A_550 : i32
        %add3A_552 = arith.constant 0 : i32
        %add3A_553 = arith.addi %mul3A_551, %add3A_552 : i32
        %broadcast_in_dim3A_554 = vector.broadcast %add3A_553 : i32 to vector<16xi32>
        %gather3A_555 = tpu.vector_load_idx %arg7[%add3A_175, %broadcast_in_dim3A_554] : memref<128x200xi32, #tpu.memory_space<vmem>>[vector<16xi32>, vector<16xi32>], vector<16xi32>,
        %gather3A_556 = tpu.vector_load_idx %arg8[%add3A_175, %broadcast_in_dim3A_554] : memref<128x200xi32, #tpu.memory_space<vmem>>[vector<16xi32>, vector<16xi32>], vector<16xi32>,
        tpu.vector_store_idx %arg11[%iota3A, %gather3A_555], %broadcast_in_dim3A_128 {add = true} : memref<16x16xf32, #tpu.memory_space<vmem>>[vector<16xi32>, vector<16xi32>], vector<16xf32>,
        tpu.vector_store_idx %arg12[%iota3A, %gather3A_556], %broadcast_in_dim3A_128 {add = true} : memref<16x16xf32, #tpu.memory_space<vmem>>[vector<16xi32>, vector<16xi32>], vector<16xf32>,
        %mul3A_557 = arith.constant 8 : i32
        %mul3A_558 = arith.muli %scan3A_548, %mul3A_557 : i32
        %add3A_559 = arith.constant 1 : i32
        %add3A_560 = arith.addi %mul3A_558, %add3A_559 : i32
        %broadcast_in_dim3A_561 = vector.broadcast %add3A_560 : i32 to vector<16xi32>
        %gather3A_562 = tpu.vector_load_idx %arg7[%add3A_175, %broadcast_in_dim3A_561] : memref<128x200xi32, #tpu.memory_space<vmem>>[vector<16xi32>, vector<16xi32>], vector<16xi32>,
        %gather3A_563 = tpu.vector_load_idx %arg8[%add3A_175, %broadcast_in_dim3A_561] : memref<128x200xi32, #tpu.memory_space<vmem>>[vector<16xi32>, vector<16xi32>], vector<16xi32>,
        tpu.vector_store_idx %arg11[%iota3A, %gather3A_562], %broadcast_in_dim3A_128 {add = true} : memref<16x16xf32, #tpu.memory_space<vmem>>[vector<16xi32>, vector<16xi32>], vector<16xf32>,
        tpu.vector_store_idx %arg12[%iota3A, %gather3A_563], %broadcast_in_dim3A_128 {add = true} : memref<16x16xf32, #tpu.memory_space<vmem>>[vector<16xi32>, vector<16xi32>], vector<16xf32>,
        %mul3A_564 = arith.constant 8 : i32
        %mul3A_565 = arith.muli %scan3A_548, %mul3A_564 : i32
        %add3A_566 = arith.constant 2 : i32
        %add3A_567 = arith.addi %mul3A_565, %add3A_566 : i32
        %broadcast_in_dim3A_568 = vector.broadcast %add3A_567 : i32 to vector<16xi32>
        %gather3A_569 = tpu.vector_load_idx %arg7[%add3A_175, %broadcast_in_dim3A_568] : memref<128x200xi32, #tpu.memory_space<vmem>>[vector<16xi32>, vector<16xi32>], vector<16xi32>,
        %gather3A_570 = tpu.vector_load_idx %arg8[%add3A_175, %broadcast_in_dim3A_568] : memref<128x200xi32, #tpu.memory_space<vmem>>[vector<16xi32>, vector<16xi32>], vector<16xi32>,
        tpu.vector_store_idx %arg11[%iota3A, %gather3A_569], %broadcast_in_dim3A_128 {add = true} : memref<16x16xf32, #tpu.memory_space<vmem>>[vector<16xi32>, vector<16xi32>], vector<16xf32>,
        tpu.vector_store_idx %arg12[%iota3A, %gather3A_570], %broadcast_in_dim3A_128 {add = true} : memref<16x16xf32, #tpu.memory_space<vmem>>[vector<16xi32>, vector<16xi32>], vector<16xf32>,
        %mul3A_571 = arith.constant 8 : i32
        %mul3A_572 = arith.muli %scan3A_548, %mul3A_571 : i32
        %add3A_573 = arith.constant 3 : i32
        %add3A_574 = arith.addi %mul3A_572, %add3A_573 : i32
        %broadcast_in_dim3A_575 = vector.broadcast %add3A_574 : i32 to vector<16xi32>
        %gather3A_576 = tpu.vector_load_idx %arg7[%add3A_175, %broadcast_in_dim3A_575] : memref<128x200xi32, #tpu.memory_space<vmem>>[vector<16xi32>, vector<16xi32>], vector<16xi32>,
        %gather3A_577 = tpu.vector_load_idx %arg8[%add3A_175, %broadcast_in_dim3A_575] : memref<128x200xi32, #tpu.memory_space<vmem>>[vector<16xi32>, vector<16xi32>], vector<16xi32>,
        tpu.vector_store_idx %arg11[%iota3A, %gather3A_576], %broadcast_in_dim3A_128 {add = true} : memref<16x16xf32, #tpu.memory_space<vmem>>[vector<16xi32>, vector<16xi32>], vector<16xf32>,
        tpu.vector_store_idx %arg12[%iota3A, %gather3A_577], %broadcast_in_dim3A_128 {add = true} : memref<16x16xf32, #tpu.memory_space<vmem>>[vector<16xi32>, vector<16xi32>], vector<16xf32>,
        %mul3A_578 = arith.constant 8 : i32
        %mul3A_579 = arith.muli %scan3A_548, %mul3A_578 : i32
        %add3A_580 = arith.constant 4 : i32
        %add3A_581 = arith.addi %mul3A_579, %add3A_580 : i32
        %broadcast_in_dim3A_582 = vector.broadcast %add3A_581 : i32 to vector<16xi32>
        %gather3A_583 = tpu.vector_load_idx %arg7[%add3A_175, %broadcast_in_dim3A_582] : memref<128x200xi32, #tpu.memory_space<vmem>>[vector<16xi32>, vector<16xi32>], vector<16xi32>,
        %gather3A_584 = tpu.vector_load_idx %arg8[%add3A_175, %broadcast_in_dim3A_582] : memref<128x200xi32, #tpu.memory_space<vmem>>[vector<16xi32>, vector<16xi32>], vector<16xi32>,
        tpu.vector_store_idx %arg11[%iota3A, %gather3A_583], %broadcast_in_dim3A_128 {add = true} : memref<16x16xf32, #tpu.memory_space<vmem>>[vector<16xi32>, vector<16xi32>], vector<16xf32>,
        tpu.vector_store_idx %arg12[%iota3A, %gather3A_584], %broadcast_in_dim3A_128 {add = true} : memref<16x16xf32, #tpu.memory_space<vmem>>[vector<16xi32>, vector<16xi32>], vector<16xf32>,
        %mul3A_585 = arith.constant 8 : i32
        %mul3A_586 = arith.muli %scan3A_548, %mul3A_585 : i32
        %add3A_587 = arith.constant 5 : i32
        %add3A_588 = arith.addi %mul3A_586, %add3A_587 : i32
        %broadcast_in_dim3A_589 = vector.broadcast %add3A_588 : i32 to vector<16xi32>
        %gather3A_590 = tpu.vector_load_idx %arg7[%add3A_175, %broadcast_in_dim3A_589] : memref<128x200xi32, #tpu.memory_space<vmem>>[vector<16xi32>, vector<16xi32>], vector<16xi32>,
        %gather3A_591 = tpu.vector_load_idx %arg8[%add3A_175, %broadcast_in_dim3A_589] : memref<128x200xi32, #tpu.memory_space<vmem>>[vector<16xi32>, vector<16xi32>], vector<16xi32>,
        tpu.vector_store_idx %arg11[%iota3A, %gather3A_590], %broadcast_in_dim3A_128 {add = true} : memref<16x16xf32, #tpu.memory_space<vmem>>[vector<16xi32>, vector<16xi32>], vector<16xf32>,
        tpu.vector_store_idx %arg12[%iota3A, %gather3A_591], %broadcast_in_dim3A_128 {add = true} : memref<16x16xf32, #tpu.memory_space<vmem>>[vector<16xi32>, vector<16xi32>], vector<16xf32>,
        %mul3A_592 = arith.constant 8 : i32
        %mul3A_593 = arith.muli %scan3A_548, %mul3A_592 : i32
        %add3A_594 = arith.constant 6 : i32
        %add3A_595 = arith.addi %mul3A_593, %add3A_594 : i32
        %broadcast_in_dim3A_596 = vector.broadcast %add3A_595 : i32 to vector<16xi32>
        %gather3A_597 = tpu.vector_load_idx %arg7[%add3A_175, %broadcast_in_dim3A_596] : memref<128x200xi32, #tpu.memory_space<vmem>>[vector<16xi32>, vector<16xi32>], vector<16xi32>,
        %gather3A_598 = tpu.vector_load_idx %arg8[%add3A_175, %broadcast_in_dim3A_596] : memref<128x200xi32, #tpu.memory_space<vmem>>[vector<16xi32>, vector<16xi32>], vector<16xi32>,
        tpu.vector_store_idx %arg11[%iota3A, %gather3A_597], %broadcast_in_dim3A_128 {add = true} : memref<16x16xf32, #tpu.memory_space<vmem>>[vector<16xi32>, vector<16xi32>], vector<16xf32>,
        tpu.vector_store_idx %arg12[%iota3A, %gather3A_598], %broadcast_in_dim3A_128 {add = true} : memref<16x16xf32, #tpu.memory_space<vmem>>[vector<16xi32>, vector<16xi32>], vector<16xf32>,
        %mul3A_599 = arith.constant 8 : i32
        %mul3A_600 = arith.muli %scan3A_548, %mul3A_599 : i32
        %add3A_601 = arith.constant 7 : i32
        %add3A_602 = arith.addi %mul3A_600, %add3A_601 : i32
        %broadcast_in_dim3A_603 = vector.broadcast %add3A_602 : i32 to vector<16xi32>
        %gather3A_604 = tpu.vector_load_idx %arg7[%add3A_175, %broadcast_in_dim3A_603] : memref<128x200xi32, #tpu.memory_space<vmem>>[vector<16xi32>, vector<16xi32>], vector<16xi32>,
        %gather3A_605 = tpu.vector_load_idx %arg8[%add3A_175, %broadcast_in_dim3A_603] : memref<128x200xi32, #tpu.memory_space<vmem>>[vector<16xi32>, vector<16xi32>], vector<16xi32>,
        tpu.vector_store_idx %arg11[%iota3A, %gather3A_604], %broadcast_in_dim3A_128 {add = true} : memref<16x16xf32, #tpu.memory_space<vmem>>[vector<16xi32>, vector<16xi32>], vector<16xf32>,
        tpu.vector_store_idx %arg12[%iota3A, %gather3A_605], %broadcast_in_dim3A_128 {add = true} : memref<16x16xf32, #tpu.memory_space<vmem>>[vector<16xi32>, vector<16xi32>], vector<16xf32>,
        %scan3A_606 = arith.constant 0 : i32
        scf.yield %scan3A_606 : i32
      }
      %scan3A_309 = arith.constant 25 : i32
      %broadcast_in_dim3A_310 = arith.constant 0 : i32
      %broadcast_in_dim3A_311 = vector.broadcast %broadcast_in_dim3A_310 : i32 to vector<16xi32>
      %gather3A = tpu.vector_load_idx %arg11[%iota3A, %broadcast_in_dim3A_311] : memref<16x16xf32, #tpu.memory_space<vmem>>[vector<16xi32>, vector<16xi32>], vector<16xf32>,
      %gather3A_312 = tpu.vector_load_idx %arg12[%iota3A, %broadcast_in_dim3A_311] : memref<16x16xf32, #tpu.memory_space<vmem>>[vector<16xi32>, vector<16xi32>], vector<16xf32>,
      %mul3A_313 = vector.broadcast %squeeze3A : f32 to vector<16xf32>
      %mul3A_314 = arith.mulf %gather3A, %mul3A_313 : vector<16xf32>
      %add3A_315 = arith.addf %broadcast_in_dim3A_130, %mul3A_314 : vector<16xf32>
      %mul3A_316 = vector.broadcast %squeeze3A_69 : f32 to vector<16xf32>
      %mul3A_317 = arith.mulf %gather3A_312, %mul3A_316 : vector<16xf32>
      %add3A_318 = arith.addf %add3A_315, %mul3A_317 : vector<16xf32>
      %mul3A_319 = vector.broadcast %squeeze3A_11 : f32 to vector<16xf32>
      %mul3A_320 = arith.mulf %gather3A, %mul3A_319 : vector<16xf32>
      %add3A_321 = arith.addf %broadcast_in_dim3A_130, %mul3A_320 : vector<16xf32>
      %mul3A_322 = vector.broadcast %squeeze3A_71 : f32 to vector<16xf32>
      %mul3A_323 = arith.mulf %gather3A_312, %mul3A_322 : vector<16xf32>
      %add3A_324 = arith.addf %add3A_321, %mul3A_323 : vector<16xf32>
      %mul3A_325 = vector.broadcast %squeeze3A_13 : f32 to vector<16xf32>
      %mul3A_326 = arith.mulf %gather3A, %mul3A_325 : vector<16xf32>
      %add3A_327 = arith.addf %broadcast_in_dim3A_130, %mul3A_326 : vector<16xf32>
      %mul3A_328 = vector.broadcast %squeeze3A_73 : f32 to vector<16xf32>
      %mul3A_329 = arith.mulf %gather3A_312, %mul3A_328 : vector<16xf32>
      %add3A_330 = arith.addf %add3A_327, %mul3A_329 : vector<16xf32>
      %broadcast_in_dim3A_331 = arith.constant 1 : i32
      %broadcast_in_dim3A_332 = vector.broadcast %broadcast_in_dim3A_331 : i32 to vector<16xi32>
      %gather3A_333 = tpu.vector_load_idx %arg11[%iota3A, %broadcast_in_dim3A_332] : memref<16x16xf32, #tpu.memory_space<vmem>>[vector<16xi32>, vector<16xi32>], vector<16xf32>,
      %gather3A_334 = tpu.vector_load_idx %arg12[%iota3A, %broadcast_in_dim3A_332] : memref<16x16xf32, #tpu.memory_space<vmem>>[vector<16xi32>, vector<16xi32>], vector<16xf32>,
      %mul3A_335 = vector.broadcast %squeeze3A_15 : f32 to vector<16xf32>
      %mul3A_336 = arith.mulf %gather3A_333, %mul3A_335 : vector<16xf32>
      %add3A_337 = arith.addf %add3A_318, %mul3A_336 : vector<16xf32>
      %mul3A_338 = vector.broadcast %squeeze3A_75 : f32 to vector<16xf32>
      %mul3A_339 = arith.mulf %gather3A_334, %mul3A_338 : vector<16xf32>
      %add3A_340 = arith.addf %add3A_337, %mul3A_339 : vector<16xf32>
      %mul3A_341 = vector.broadcast %squeeze3A_17 : f32 to vector<16xf32>
      %mul3A_342 = arith.mulf %gather3A_333, %mul3A_341 : vector<16xf32>
      %add3A_343 = arith.addf %add3A_324, %mul3A_342 : vector<16xf32>
      %mul3A_344 = vector.broadcast %squeeze3A_77 : f32 to vector<16xf32>
      %mul3A_345 = arith.mulf %gather3A_334, %mul3A_344 : vector<16xf32>
      %add3A_346 = arith.addf %add3A_343, %mul3A_345 : vector<16xf32>
      %mul3A_347 = vector.broadcast %squeeze3A_19 : f32 to vector<16xf32>
      %mul3A_348 = arith.mulf %gather3A_333, %mul3A_347 : vector<16xf32>
      %add3A_349 = arith.addf %add3A_330, %mul3A_348 : vector<16xf32>
      %mul3A_350 = vector.broadcast %squeeze3A_79 : f32 to vector<16xf32>
      %mul3A_351 = arith.mulf %gather3A_334, %mul3A_350 : vector<16xf32>
      %add3A_352 = arith.addf %add3A_349, %mul3A_351 : vector<16xf32>
      %broadcast_in_dim3A_353 = arith.constant 2 : i32
      %broadcast_in_dim3A_354 = vector.broadcast %broadcast_in_dim3A_353 : i32 to vector<16xi32>
      %gather3A_355 = tpu.vector_load_idx %arg11[%iota3A, %broadcast_in_dim3A_354] : memref<16x16xf32, #tpu.memory_space<vmem>>[vector<16xi32>, vector<16xi32>], vector<16xf32>,
      %gather3A_356 = tpu.vector_load_idx %arg12[%iota3A, %broadcast_in_dim3A_354] : memref<16x16xf32, #tpu.memory_space<vmem>>[vector<16xi32>, vector<16xi32>], vector<16xf32>,
      %mul3A_357 = vector.broadcast %squeeze3A_21 : f32 to vector<16xf32>
      %mul3A_358 = arith.mulf %gather3A_355, %mul3A_357 : vector<16xf32>
      %add3A_359 = arith.addf %add3A_340, %mul3A_358 : vector<16xf32>
      %mul3A_360 = vector.broadcast %squeeze3A_81 : f32 to vector<16xf32>
      %mul3A_361 = arith.mulf %gather3A_356, %mul3A_360 : vector<16xf32>
      %add3A_362 = arith.addf %add3A_359, %mul3A_361 : vector<16xf32>
      %mul3A_363 = vector.broadcast %squeeze3A_23 : f32 to vector<16xf32>
      %mul3A_364 = arith.mulf %gather3A_355, %mul3A_363 : vector<16xf32>
      %add3A_365 = arith.addf %add3A_346, %mul3A_364 : vector<16xf32>
      %mul3A_366 = vector.broadcast %squeeze3A_83 : f32 to vector<16xf32>
      %mul3A_367 = arith.mulf %gather3A_356, %mul3A_366 : vector<16xf32>
      %add3A_368 = arith.addf %add3A_365, %mul3A_367 : vector<16xf32>
      %mul3A_369 = vector.broadcast %squeeze3A_25 : f32 to vector<16xf32>
      %mul3A_370 = arith.mulf %gather3A_355, %mul3A_369 : vector<16xf32>
      %add3A_371 = arith.addf %add3A_352, %mul3A_370 : vector<16xf32>
      %mul3A_372 = vector.broadcast %squeeze3A_85 : f32 to vector<16xf32>
      %mul3A_373 = arith.mulf %gather3A_356, %mul3A_372 : vector<16xf32>
      %add3A_374 = arith.addf %add3A_371, %mul3A_373 : vector<16xf32>
      %broadcast_in_dim3A_375 = arith.constant 3 : i32
      %broadcast_in_dim3A_376 = vector.broadcast %broadcast_in_dim3A_375 : i32 to vector<16xi32>
      %gather3A_377 = tpu.vector_load_idx %arg11[%iota3A, %broadcast_in_dim3A_376] : memref<16x16xf32, #tpu.memory_space<vmem>>[vector<16xi32>, vector<16xi32>], vector<16xf32>,
      %gather3A_378 = tpu.vector_load_idx %arg12[%iota3A, %broadcast_in_dim3A_376] : memref<16x16xf32, #tpu.memory_space<vmem>>[vector<16xi32>, vector<16xi32>], vector<16xf32>,
      %mul3A_379 = vector.broadcast %squeeze3A_27 : f32 to vector<16xf32>
      %mul3A_380 = arith.mulf %gather3A_377, %mul3A_379 : vector<16xf32>
      %add3A_381 = arith.addf %add3A_362, %mul3A_380 : vector<16xf32>
      %mul3A_382 = vector.broadcast %squeeze3A_87 : f32 to vector<16xf32>
      %mul3A_383 = arith.mulf %gather3A_378, %mul3A_382 : vector<16xf32>
      %add3A_384 = arith.addf %add3A_381, %mul3A_383 : vector<16xf32>
      %mul3A_385 = vector.broadcast %squeeze3A_29 : f32 to vector<16xf32>
      %mul3A_386 = arith.mulf %gather3A_377, %mul3A_385 : vector<16xf32>
      %add3A_387 = arith.addf %add3A_368, %mul3A_386 : vector<16xf32>
      %mul3A_388 = vector.broadcast %squeeze3A_89 : f32 to vector<16xf32>
      %mul3A_389 = arith.mulf %gather3A_378, %mul3A_388 : vector<16xf32>
      %add3A_390 = arith.addf %add3A_387, %mul3A_389 : vector<16xf32>
      %mul3A_391 = vector.broadcast %squeeze3A_31 : f32 to vector<16xf32>
      %mul3A_392 = arith.mulf %gather3A_377, %mul3A_391 : vector<16xf32>
      %add3A_393 = arith.addf %add3A_374, %mul3A_392 : vector<16xf32>
      %mul3A_394 = vector.broadcast %squeeze3A_91 : f32 to vector<16xf32>
      %mul3A_395 = arith.mulf %gather3A_378, %mul3A_394 : vector<16xf32>
      %add3A_396 = arith.addf %add3A_393, %mul3A_395 : vector<16xf32>
      %broadcast_in_dim3A_397 = arith.constant 4 : i32
      %broadcast_in_dim3A_398 = vector.broadcast %broadcast_in_dim3A_397 : i32 to vector<16xi32>
      %gather3A_399 = tpu.vector_load_idx %arg11[%iota3A, %broadcast_in_dim3A_398] : memref<16x16xf32, #tpu.memory_space<vmem>>[vector<16xi32>, vector<16xi32>], vector<16xf32>,
      %gather3A_400 = tpu.vector_load_idx %arg12[%iota3A, %broadcast_in_dim3A_398] : memref<16x16xf32, #tpu.memory_space<vmem>>[vector<16xi32>, vector<16xi32>], vector<16xf32>,
      %mul3A_401 = vector.broadcast %squeeze3A_33 : f32 to vector<16xf32>
      %mul3A_402 = arith.mulf %gather3A_399, %mul3A_401 : vector<16xf32>
      %add3A_403 = arith.addf %add3A_384, %mul3A_402 : vector<16xf32>
      %mul3A_404 = vector.broadcast %squeeze3A_93 : f32 to vector<16xf32>
      %mul3A_405 = arith.mulf %gather3A_400, %mul3A_404 : vector<16xf32>
      %add3A_406 = arith.addf %add3A_403, %mul3A_405 : vector<16xf32>
      %mul3A_407 = vector.broadcast %squeeze3A_35 : f32 to vector<16xf32>
      %mul3A_408 = arith.mulf %gather3A_399, %mul3A_407 : vector<16xf32>
      %add3A_409 = arith.addf %add3A_390, %mul3A_408 : vector<16xf32>
      %mul3A_410 = vector.broadcast %squeeze3A_95 : f32 to vector<16xf32>
      %mul3A_411 = arith.mulf %gather3A_400, %mul3A_410 : vector<16xf32>
      %add3A_412 = arith.addf %add3A_409, %mul3A_411 : vector<16xf32>
      %mul3A_413 = vector.broadcast %squeeze3A_37 : f32 to vector<16xf32>
      %mul3A_414 = arith.mulf %gather3A_399, %mul3A_413 : vector<16xf32>
      %add3A_415 = arith.addf %add3A_396, %mul3A_414 : vector<16xf32>
      %mul3A_416 = vector.broadcast %squeeze3A_97 : f32 to vector<16xf32>
      %mul3A_417 = arith.mulf %gather3A_400, %mul3A_416 : vector<16xf32>
      %add3A_418 = arith.addf %add3A_415, %mul3A_417 : vector<16xf32>
      %broadcast_in_dim3A_419 = arith.constant 5 : i32
      %broadcast_in_dim3A_420 = vector.broadcast %broadcast_in_dim3A_419 : i32 to vector<16xi32>
      %gather3A_421 = tpu.vector_load_idx %arg11[%iota3A, %broadcast_in_dim3A_420] : memref<16x16xf32, #tpu.memory_space<vmem>>[vector<16xi32>, vector<16xi32>], vector<16xf32>,
      %gather3A_422 = tpu.vector_load_idx %arg12[%iota3A, %broadcast_in_dim3A_420] : memref<16x16xf32, #tpu.memory_space<vmem>>[vector<16xi32>, vector<16xi32>], vector<16xf32>,
      %mul3A_423 = vector.broadcast %squeeze3A_39 : f32 to vector<16xf32>
      %mul3A_424 = arith.mulf %gather3A_421, %mul3A_423 : vector<16xf32>
      %add3A_425 = arith.addf %add3A_406, %mul3A_424 : vector<16xf32>
      %mul3A_426 = vector.broadcast %squeeze3A_99 : f32 to vector<16xf32>
      %mul3A_427 = arith.mulf %gather3A_422, %mul3A_426 : vector<16xf32>
      %add3A_428 = arith.addf %add3A_425, %mul3A_427 : vector<16xf32>
      %mul3A_429 = vector.broadcast %squeeze3A_41 : f32 to vector<16xf32>
      %mul3A_430 = arith.mulf %gather3A_421, %mul3A_429 : vector<16xf32>
      %add3A_431 = arith.addf %add3A_412, %mul3A_430 : vector<16xf32>
      %mul3A_432 = vector.broadcast %squeeze3A_101 : f32 to vector<16xf32>
      %mul3A_433 = arith.mulf %gather3A_422, %mul3A_432 : vector<16xf32>
      %add3A_434 = arith.addf %add3A_431, %mul3A_433 : vector<16xf32>
      %mul3A_435 = vector.broadcast %squeeze3A_43 : f32 to vector<16xf32>
      %mul3A_436 = arith.mulf %gather3A_421, %mul3A_435 : vector<16xf32>
      %add3A_437 = arith.addf %add3A_418, %mul3A_436 : vector<16xf32>
      %mul3A_438 = vector.broadcast %squeeze3A_103 : f32 to vector<16xf32>
      %mul3A_439 = arith.mulf %gather3A_422, %mul3A_438 : vector<16xf32>
      %add3A_440 = arith.addf %add3A_437, %mul3A_439 : vector<16xf32>
      %broadcast_in_dim3A_441 = arith.constant 6 : i32
      %broadcast_in_dim3A_442 = vector.broadcast %broadcast_in_dim3A_441 : i32 to vector<16xi32>
      %gather3A_443 = tpu.vector_load_idx %arg11[%iota3A, %broadcast_in_dim3A_442] : memref<16x16xf32, #tpu.memory_space<vmem>>[vector<16xi32>, vector<16xi32>], vector<16xf32>,
      %gather3A_444 = tpu.vector_load_idx %arg12[%iota3A, %broadcast_in_dim3A_442] : memref<16x16xf32, #tpu.memory_space<vmem>>[vector<16xi32>, vector<16xi32>], vector<16xf32>,
      %mul3A_445 = vector.broadcast %squeeze3A_45 : f32 to vector<16xf32>
      %mul3A_446 = arith.mulf %gather3A_443, %mul3A_445 : vector<16xf32>
      %add3A_447 = arith.addf %add3A_428, %mul3A_446 : vector<16xf32>
      %mul3A_448 = vector.broadcast %squeeze3A_105 : f32 to vector<16xf32>
      %mul3A_449 = arith.mulf %gather3A_444, %mul3A_448 : vector<16xf32>
      %add3A_450 = arith.addf %add3A_447, %mul3A_449 : vector<16xf32>
      %mul3A_451 = vector.broadcast %squeeze3A_47 : f32 to vector<16xf32>
      %mul3A_452 = arith.mulf %gather3A_443, %mul3A_451 : vector<16xf32>
      %add3A_453 = arith.addf %add3A_434, %mul3A_452 : vector<16xf32>
      %mul3A_454 = vector.broadcast %squeeze3A_107 : f32 to vector<16xf32>
      %mul3A_455 = arith.mulf %gather3A_444, %mul3A_454 : vector<16xf32>
      %add3A_456 = arith.addf %add3A_453, %mul3A_455 : vector<16xf32>
      %mul3A_457 = vector.broadcast %squeeze3A_49 : f32 to vector<16xf32>
      %mul3A_458 = arith.mulf %gather3A_443, %mul3A_457 : vector<16xf32>
      %add3A_459 = arith.addf %add3A_440, %mul3A_458 : vector<16xf32>
      %mul3A_460 = vector.broadcast %squeeze3A_109 : f32 to vector<16xf32>
      %mul3A_461 = arith.mulf %gather3A_444, %mul3A_460 : vector<16xf32>
      %add3A_462 = arith.addf %add3A_459, %mul3A_461 : vector<16xf32>
      %broadcast_in_dim3A_463 = arith.constant 7 : i32
      %broadcast_in_dim3A_464 = vector.broadcast %broadcast_in_dim3A_463 : i32 to vector<16xi32>
      %gather3A_465 = tpu.vector_load_idx %arg11[%iota3A, %broadcast_in_dim3A_464] : memref<16x16xf32, #tpu.memory_space<vmem>>[vector<16xi32>, vector<16xi32>], vector<16xf32>,
      %gather3A_466 = tpu.vector_load_idx %arg12[%iota3A, %broadcast_in_dim3A_464] : memref<16x16xf32, #tpu.memory_space<vmem>>[vector<16xi32>, vector<16xi32>], vector<16xf32>,
      %mul3A_467 = vector.broadcast %squeeze3A_51 : f32 to vector<16xf32>
      %mul3A_468 = arith.mulf %gather3A_465, %mul3A_467 : vector<16xf32>
      %add3A_469 = arith.addf %add3A_450, %mul3A_468 : vector<16xf32>
      %mul3A_470 = vector.broadcast %squeeze3A_111 : f32 to vector<16xf32>
      %mul3A_471 = arith.mulf %gather3A_466, %mul3A_470 : vector<16xf32>
      %add3A_472 = arith.addf %add3A_469, %mul3A_471 : vector<16xf32>
      %mul3A_473 = vector.broadcast %squeeze3A_53 : f32 to vector<16xf32>
      %mul3A_474 = arith.mulf %gather3A_465, %mul3A_473 : vector<16xf32>
      %add3A_475 = arith.addf %add3A_456, %mul3A_474 : vector<16xf32>
      %mul3A_476 = vector.broadcast %squeeze3A_113 : f32 to vector<16xf32>
      %mul3A_477 = arith.mulf %gather3A_466, %mul3A_476 : vector<16xf32>
      %add3A_478 = arith.addf %add3A_475, %mul3A_477 : vector<16xf32>
      %mul3A_479 = vector.broadcast %squeeze3A_55 : f32 to vector<16xf32>
      %mul3A_480 = arith.mulf %gather3A_465, %mul3A_479 : vector<16xf32>
      %add3A_481 = arith.addf %add3A_462, %mul3A_480 : vector<16xf32>
      %mul3A_482 = vector.broadcast %squeeze3A_115 : f32 to vector<16xf32>
      %mul3A_483 = arith.mulf %gather3A_466, %mul3A_482 : vector<16xf32>
      %add3A_484 = arith.addf %add3A_481, %mul3A_483 : vector<16xf32>
      %broadcast_in_dim3A_485 = arith.constant 8 : i32
      %broadcast_in_dim3A_486 = vector.broadcast %broadcast_in_dim3A_485 : i32 to vector<16xi32>
      %gather3A_487 = tpu.vector_load_idx %arg11[%iota3A, %broadcast_in_dim3A_486] : memref<16x16xf32, #tpu.memory_space<vmem>>[vector<16xi32>, vector<16xi32>], vector<16xf32>,
      %gather3A_488 = tpu.vector_load_idx %arg12[%iota3A, %broadcast_in_dim3A_486] : memref<16x16xf32, #tpu.memory_space<vmem>>[vector<16xi32>, vector<16xi32>], vector<16xf32>,
      %mul3A_489 = vector.broadcast %squeeze3A_57 : f32 to vector<16xf32>
      %mul3A_490 = arith.mulf %gather3A_487, %mul3A_489 : vector<16xf32>
      %add3A_491 = arith.addf %add3A_472, %mul3A_490 : vector<16xf32>
      %mul3A_492 = vector.broadcast %squeeze3A_117 : f32 to vector<16xf32>
      %mul3A_493 = arith.mulf %gather3A_488, %mul3A_492 : vector<16xf32>
      %add3A_494 = arith.addf %add3A_491, %mul3A_493 : vector<16xf32>
      %mul3A_495 = vector.broadcast %squeeze3A_59 : f32 to vector<16xf32>
      %mul3A_496 = arith.mulf %gather3A_487, %mul3A_495 : vector<16xf32>
      %add3A_497 = arith.addf %add3A_478, %mul3A_496 : vector<16xf32>
      %mul3A_498 = vector.broadcast %squeeze3A_119 : f32 to vector<16xf32>
      %mul3A_499 = arith.mulf %gather3A_488, %mul3A_498 : vector<16xf32>
      %add3A_500 = arith.addf %add3A_497, %mul3A_499 : vector<16xf32>
      %mul3A_501 = vector.broadcast %squeeze3A_61 : f32 to vector<16xf32>
      %mul3A_502 = arith.mulf %gather3A_487, %mul3A_501 : vector<16xf32>
      %add3A_503 = arith.addf %add3A_484, %mul3A_502 : vector<16xf32>
      %mul3A_504 = vector.broadcast %squeeze3A_121 : f32 to vector<16xf32>
      %mul3A_505 = arith.mulf %gather3A_488, %mul3A_504 : vector<16xf32>
      %add3A_506 = arith.addf %add3A_503, %mul3A_505 : vector<16xf32>
      %broadcast_in_dim3A_507 = arith.constant 9 : i32
      %broadcast_in_dim3A_508 = vector.broadcast %broadcast_in_dim3A_507 : i32 to vector<16xi32>
      %gather3A_509 = tpu.vector_load_idx %arg11[%iota3A, %broadcast_in_dim3A_508] : memref<16x16xf32, #tpu.memory_space<vmem>>[vector<16xi32>, vector<16xi32>], vector<16xf32>,
      %gather3A_510 = tpu.vector_load_idx %arg12[%iota3A, %broadcast_in_dim3A_508] : memref<16x16xf32, #tpu.memory_space<vmem>>[vector<16xi32>, vector<16xi32>], vector<16xf32>,
      %mul3A_511 = vector.broadcast %squeeze3A_63 : f32 to vector<16xf32>
      %mul3A_512 = arith.mulf %gather3A_509, %mul3A_511 : vector<16xf32>
      %add3A_513 = arith.addf %add3A_494, %mul3A_512 : vector<16xf32>
      %mul3A_514 = vector.broadcast %squeeze3A_123 : f32 to vector<16xf32>
      %mul3A_515 = arith.mulf %gather3A_510, %mul3A_514 : vector<16xf32>
      %add3A_516 = arith.addf %add3A_513, %mul3A_515 : vector<16xf32>
      %mul3A_517 = vector.broadcast %squeeze3A_65 : f32 to vector<16xf32>
      %mul3A_518 = arith.mulf %gather3A_509, %mul3A_517 : vector<16xf32>
      %add3A_519 = arith.addf %add3A_500, %mul3A_518 : vector<16xf32>
      %mul3A_520 = vector.broadcast %squeeze3A_125 : f32 to vector<16xf32>
      %mul3A_521 = arith.mulf %gather3A_510, %mul3A_520 : vector<16xf32>
      %add3A_522 = arith.addf %add3A_519, %mul3A_521 : vector<16xf32>
      %mul3A_523 = vector.broadcast %squeeze3A_67 : f32 to vector<16xf32>
      %mul3A_524 = arith.mulf %gather3A_509, %mul3A_523 : vector<16xf32>
      %add3A_525 = arith.addf %add3A_506, %mul3A_524 : vector<16xf32>
      %mul3A_526 = vector.broadcast %squeeze3A_127 : f32 to vector<16xf32>
      %mul3A_527 = arith.mulf %gather3A_510, %mul3A_526 : vector<16xf32>
      %add3A_528 = arith.addf %add3A_525, %mul3A_527 : vector<16xf32>
      %mul3A_529 = arith.constant 16 : i32
      %mul3A_530 = arith.muli %scan3A_170, %mul3A_529 : i32
      %add3A_531 = arith.constant 128 : i32
      %add3A_532 = arith.addi %add3A_531, %mul3A_530 : i32
      %add3A_533 = vector.broadcast %add3A_532 : i32 to vector<16xi32>
      %add3A_534 = arith.addi %add3A_533, %iota3A : vector<16xi32>
      %broadcast_in_dim3A_535 = arith.constant 0 : i32
      %broadcast_in_dim3A_536 = vector.broadcast %broadcast_in_dim3A_535 : i32 to vector<16xi32>
      %mul3A_537 = vector.broadcast %scan3A_142 : f32 to vector<16xf32>
      %mul3A_538 = arith.mulf %add3A_516, %mul3A_537 : vector<16xf32>
      tpu.vector_store_idx %arg13[%add3A_534, %broadcast_in_dim3A_536], %mul3A_538 : memref<512x3xf32, #tpu.memory_space<vmem>>[vector<16xi32>, vector<16xi32>], vector<16xf32>,
      %broadcast_in_dim3A_539 = arith.constant 1 : i32
      %broadcast_in_dim3A_540 = vector.broadcast %broadcast_in_dim3A_539 : i32 to vector<16xi32>
      %mul3A_541 = vector.broadcast %scan3A_142 : f32 to vector<16xf32>
      %mul3A_542 = arith.mulf %add3A_522, %mul3A_541 : vector<16xf32>
      tpu.vector_store_idx %arg13[%add3A_534, %broadcast_in_dim3A_540], %mul3A_542 : memref<512x3xf32, #tpu.memory_space<vmem>>[vector<16xi32>, vector<16xi32>], vector<16xf32>,
      %broadcast_in_dim3A_543 = arith.constant 2 : i32
      %broadcast_in_dim3A_544 = vector.broadcast %broadcast_in_dim3A_543 : i32 to vector<16xi32>
      %mul3A_545 = vector.broadcast %scan3A_142 : f32 to vector<16xf32>
      %mul3A_546 = arith.mulf %add3A_528, %mul3A_545 : vector<16xf32>
      tpu.vector_store_idx %arg13[%add3A_534, %broadcast_in_dim3A_544], %mul3A_546 : memref<512x3xf32, #tpu.memory_space<vmem>>[vector<16xi32>, vector<16xi32>], vector<16xf32>,
      %scan3A_547 = arith.constant 0 : i32
      scf.yield %scan3A_547 : i32
    }
    %scan3A_149 = arith.constant 8 : i32
    %add3A_150 = arith.constant 256 : i32
    %add3A_151 = arith.addi %mul3A_2, %add3A_150 : i32
    "tpu.region"() ({
      %run_scoped3A = tpu.sem_alloc : memref<!tpu.dma_semaphore, #tpu.memory_space<semaphore_mem>>
      %dma_start3A = arith.constant 0 : i32
      %dma_start3A_170 = tpu.memref_slice %arg2[%add3A_151, %dma_start3A] : memref<16384x200xi32, #tpu.memory_space<hbm>> -> memref<128x200xi32, #tpu.memory_space<hbm>>
      %dma_start3A_171 = arith.constant 0 : i32
      %dma_start3A_172 = tpu.memref_slice %arg2[%add3A_151, %dma_start3A_171] : memref<16384x200xi32, #tpu.memory_space<hbm>> -> memref<128x200xi32, #tpu.memory_space<hbm>>
      tpu.enqueue_dma source(%dma_start3A_172 : memref<128x200xi32, #tpu.memory_space<hbm>>) target(%arg7 : memref<128x200xi32, #tpu.memory_space<vmem>>) target_semaphore(%run_scoped3A : memref<!tpu.dma_semaphore, #tpu.memory_space<semaphore_mem>>)
      %dma_wait3A = arith.constant 0 : i32
      %dma_wait3A_173 = tpu.memref_slice %arg2[%add3A_151, %dma_wait3A] : memref<16384x200xi32, #tpu.memory_space<hbm>> -> memref<128x200xi32, #tpu.memory_space<hbm>>
      %dma_wait3A_174 = arith.constant 0 : i32
      %dma_wait3A_175 = tpu.memref_slice %arg2[%add3A_151, %dma_wait3A_174] : memref<16384x200xi32, #tpu.memory_space<hbm>> -> memref<128x200xi32, #tpu.memory_space<hbm>>
      tpu.wait_dma2 semaphore(%run_scoped3A : memref<!tpu.dma_semaphore, #tpu.memory_space<semaphore_mem>>) src(%dma_wait3A_175 : memref<128x200xi32, #tpu.memory_space<hbm>>) dst(%arg7 : memref<128x200xi32, #tpu.memory_space<vmem>>)
      tpu.yield
    }) : () -> ()
    "tpu.region"() ({
      %run_scoped3A = tpu.sem_alloc : memref<!tpu.dma_semaphore, #tpu.memory_space<semaphore_mem>>
      %dma_start3A = arith.constant 0 : i32
      %dma_start3A_170 = tpu.memref_slice %arg3[%add3A_151, %dma_start3A] : memref<16384x200xi32, #tpu.memory_space<hbm>> -> memref<128x200xi32, #tpu.memory_space<hbm>>
      %dma_start3A_171 = arith.constant 0 : i32
      %dma_start3A_172 = tpu.memref_slice %arg3[%add3A_151, %dma_start3A_171] : memref<16384x200xi32, #tpu.memory_space<hbm>> -> memref<128x200xi32, #tpu.memory_space<hbm>>
      tpu.enqueue_dma source(%dma_start3A_172 : memref<128x200xi32, #tpu.memory_space<hbm>>) target(%arg8 : memref<128x200xi32, #tpu.memory_space<vmem>>) target_semaphore(%run_scoped3A : memref<!tpu.dma_semaphore, #tpu.memory_space<semaphore_mem>>)
      %dma_wait3A = arith.constant 0 : i32
      %dma_wait3A_173 = tpu.memref_slice %arg3[%add3A_151, %dma_wait3A] : memref<16384x200xi32, #tpu.memory_space<hbm>> -> memref<128x200xi32, #tpu.memory_space<hbm>>
      %dma_wait3A_174 = arith.constant 0 : i32
      %dma_wait3A_175 = tpu.memref_slice %arg3[%add3A_151, %dma_wait3A_174] : memref<16384x200xi32, #tpu.memory_space<hbm>> -> memref<128x200xi32, #tpu.memory_space<hbm>>
      tpu.wait_dma2 semaphore(%run_scoped3A : memref<!tpu.dma_semaphore, #tpu.memory_space<semaphore_mem>>) src(%dma_wait3A_175 : memref<128x200xi32, #tpu.memory_space<hbm>>) dst(%arg8 : memref<128x200xi32, #tpu.memory_space<vmem>>)
      tpu.yield
    }) : () -> ()
    %scan3A_152 = arith.constant 5.000000e-03 : f32
    %scan3A_153 = arith.constant 0 : i32
    %scan3A_154 = arith.constant 0 : i32
    %scan3A_155 = arith.constant 8 : i32
    %scan3A_156 = arith.addi %scan3A_154, %scan3A_155 : i32
    %scan3A_157 = arith.constant 1 : i32
    %scan3A_158 = scf.for %scan3A_170 = %scan3A_154 to %scan3A_156 step %scan3A_157 iter_args(%scan3A_171 = %scan3A_153) -> (i32)  : i32 {
      %mul3A_172 = arith.constant 16 : i32
      %mul3A_173 = arith.muli %scan3A_170, %mul3A_172 : i32
      %add3A_174 = vector.broadcast %mul3A_173 : i32 to vector<16xi32>
      %add3A_175 = arith.addi %add3A_174, %iota3A : vector<16xi32>
      %swap3A = arith.constant 0 : i32
      %swap3A_176 = arith.index_cast %swap3A : i32 to index
      %swap3A_177 = arith.constant 0 : index
      %swap3A_178 = tpu.vector_load %arg11[%swap3A_176, %swap3A_177] {strides = array<i32>} : memref<16x16xf32, #tpu.memory_space<vmem>>, vector<16xf32>,
      tpu.vector_store %arg11[%swap3A_176, %swap3A_177], %broadcast_in_dim3A_130 {strides = array<i32>} : memref<16x16xf32, #tpu.memory_space<vmem>>, vector<16xf32>,
      %swap3A_179 = arith.constant 0 : i32
      %swap3A_180 = arith.index_cast %swap3A_179 : i32 to index
      %swap3A_181 = arith.constant 0 : index
      %swap3A_182 = tpu.vector_load %arg12[%swap3A_180, %swap3A_181] {strides = array<i32>} : memref<16x16xf32, #tpu.memory_space<vmem>>, vector<16xf32>,
      tpu.vector_store %arg12[%swap3A_180, %swap3A_181], %broadcast_in_dim3A_130 {strides = array<i32>} : memref<16x16xf32, #tpu.memory_space<vmem>>, vector<16xf32>,
      %swap3A_183 = arith.constant 1 : i32
      %swap3A_184 = arith.index_cast %swap3A_183 : i32 to index
      %swap3A_185 = arith.constant 0 : index
      %swap3A_186 = tpu.vector_load %arg11[%swap3A_184, %swap3A_185] {strides = array<i32>} : memref<16x16xf32, #tpu.memory_space<vmem>>, vector<16xf32>,
      tpu.vector_store %arg11[%swap3A_184, %swap3A_185], %broadcast_in_dim3A_130 {strides = array<i32>} : memref<16x16xf32, #tpu.memory_space<vmem>>, vector<16xf32>,
      %swap3A_187 = arith.constant 1 : i32
      %swap3A_188 = arith.index_cast %swap3A_187 : i32 to index
      %swap3A_189 = arith.constant 0 : index
      %swap3A_190 = tpu.vector_load %arg12[%swap3A_188, %swap3A_189] {strides = array<i32>} : memref<16x16xf32, #tpu.memory_space<vmem>>, vector<16xf32>,
      tpu.vector_store %arg12[%swap3A_188, %swap3A_189], %broadcast_in_dim3A_130 {strides = array<i32>} : memref<16x16xf32, #tpu.memory_space<vmem>>, vector<16xf32>,
      %swap3A_191 = arith.constant 2 : i32
      %swap3A_192 = arith.index_cast %swap3A_191 : i32 to index
      %swap3A_193 = arith.constant 0 : index
      %swap3A_194 = tpu.vector_load %arg11[%swap3A_192, %swap3A_193] {strides = array<i32>} : memref<16x16xf32, #tpu.memory_space<vmem>>, vector<16xf32>,
      tpu.vector_store %arg11[%swap3A_192, %swap3A_193], %broadcast_in_dim3A_130 {strides = array<i32>} : memref<16x16xf32, #tpu.memory_space<vmem>>, vector<16xf32>,
      %swap3A_195 = arith.constant 2 : i32
      %swap3A_196 = arith.index_cast %swap3A_195 : i32 to index
      %swap3A_197 = arith.constant 0 : index
      %swap3A_198 = tpu.vector_load %arg12[%swap3A_196, %swap3A_197] {strides = array<i32>} : memref<16x16xf32, #tpu.memory_space<vmem>>, vector<16xf32>,
      tpu.vector_store %arg12[%swap3A_196, %swap3A_197], %broadcast_in_dim3A_130 {strides = array<i32>} : memref<16x16xf32, #tpu.memory_space<vmem>>, vector<16xf32>,
      %swap3A_199 = arith.constant 3 : i32
      %swap3A_200 = arith.index_cast %swap3A_199 : i32 to index
      %swap3A_201 = arith.constant 0 : index
      %swap3A_202 = tpu.vector_load %arg11[%swap3A_200, %swap3A_201] {strides = array<i32>} : memref<16x16xf32, #tpu.memory_space<vmem>>, vector<16xf32>,
      tpu.vector_store %arg11[%swap3A_200, %swap3A_201], %broadcast_in_dim3A_130 {strides = array<i32>} : memref<16x16xf32, #tpu.memory_space<vmem>>, vector<16xf32>,
      %swap3A_203 = arith.constant 3 : i32
      %swap3A_204 = arith.index_cast %swap3A_203 : i32 to index
      %swap3A_205 = arith.constant 0 : index
      %swap3A_206 = tpu.vector_load %arg12[%swap3A_204, %swap3A_205] {strides = array<i32>} : memref<16x16xf32, #tpu.memory_space<vmem>>, vector<16xf32>,
      tpu.vector_store %arg12[%swap3A_204, %swap3A_205], %broadcast_in_dim3A_130 {strides = array<i32>} : memref<16x16xf32, #tpu.memory_space<vmem>>, vector<16xf32>,
      %swap3A_207 = arith.constant 4 : i32
      %swap3A_208 = arith.index_cast %swap3A_207 : i32 to index
      %swap3A_209 = arith.constant 0 : index
      %swap3A_210 = tpu.vector_load %arg11[%swap3A_208, %swap3A_209] {strides = array<i32>} : memref<16x16xf32, #tpu.memory_space<vmem>>, vector<16xf32>,
      tpu.vector_store %arg11[%swap3A_208, %swap3A_209], %broadcast_in_dim3A_130 {strides = array<i32>} : memref<16x16xf32, #tpu.memory_space<vmem>>, vector<16xf32>,
      %swap3A_211 = arith.constant 4 : i32
      %swap3A_212 = arith.index_cast %swap3A_211 : i32 to index
      %swap3A_213 = arith.constant 0 : index
      %swap3A_214 = tpu.vector_load %arg12[%swap3A_212, %swap3A_213] {strides = array<i32>} : memref<16x16xf32, #tpu.memory_space<vmem>>, vector<16xf32>,
      tpu.vector_store %arg12[%swap3A_212, %swap3A_213], %broadcast_in_dim3A_130 {strides = array<i32>} : memref<16x16xf32, #tpu.memory_space<vmem>>, vector<16xf32>,
      %swap3A_215 = arith.constant 5 : i32
      %swap3A_216 = arith.index_cast %swap3A_215 : i32 to index
      %swap3A_217 = arith.constant 0 : index
      %swap3A_218 = tpu.vector_load %arg11[%swap3A_216, %swap3A_217] {strides = array<i32>} : memref<16x16xf32, #tpu.memory_space<vmem>>, vector<16xf32>,
      tpu.vector_store %arg11[%swap3A_216, %swap3A_217], %broadcast_in_dim3A_130 {strides = array<i32>} : memref<16x16xf32, #tpu.memory_space<vmem>>, vector<16xf32>,
      %swap3A_219 = arith.constant 5 : i32
      %swap3A_220 = arith.index_cast %swap3A_219 : i32 to index
      %swap3A_221 = arith.constant 0 : index
      %swap3A_222 = tpu.vector_load %arg12[%swap3A_220, %swap3A_221] {strides = array<i32>} : memref<16x16xf32, #tpu.memory_space<vmem>>, vector<16xf32>,
      tpu.vector_store %arg12[%swap3A_220, %swap3A_221], %broadcast_in_dim3A_130 {strides = array<i32>} : memref<16x16xf32, #tpu.memory_space<vmem>>, vector<16xf32>,
      %swap3A_223 = arith.constant 6 : i32
      %swap3A_224 = arith.index_cast %swap3A_223 : i32 to index
      %swap3A_225 = arith.constant 0 : index
      %swap3A_226 = tpu.vector_load %arg11[%swap3A_224, %swap3A_225] {strides = array<i32>} : memref<16x16xf32, #tpu.memory_space<vmem>>, vector<16xf32>,
      tpu.vector_store %arg11[%swap3A_224, %swap3A_225], %broadcast_in_dim3A_130 {strides = array<i32>} : memref<16x16xf32, #tpu.memory_space<vmem>>, vector<16xf32>,
      %swap3A_227 = arith.constant 6 : i32
      %swap3A_228 = arith.index_cast %swap3A_227 : i32 to index
      %swap3A_229 = arith.constant 0 : index
      %swap3A_230 = tpu.vector_load %arg12[%swap3A_228, %swap3A_229] {strides = array<i32>} : memref<16x16xf32, #tpu.memory_space<vmem>>, vector<16xf32>,
      tpu.vector_store %arg12[%swap3A_228, %swap3A_229], %broadcast_in_dim3A_130 {strides = array<i32>} : memref<16x16xf32, #tpu.memory_space<vmem>>, vector<16xf32>,
      %swap3A_231 = arith.constant 7 : i32
      %swap3A_232 = arith.index_cast %swap3A_231 : i32 to index
      %swap3A_233 = arith.constant 0 : index
      %swap3A_234 = tpu.vector_load %arg11[%swap3A_232, %swap3A_233] {strides = array<i32>} : memref<16x16xf32, #tpu.memory_space<vmem>>, vector<16xf32>,
      tpu.vector_store %arg11[%swap3A_232, %swap3A_233], %broadcast_in_dim3A_130 {strides = array<i32>} : memref<16x16xf32, #tpu.memory_space<vmem>>, vector<16xf32>,
      %swap3A_235 = arith.constant 7 : i32
      %swap3A_236 = arith.index_cast %swap3A_235 : i32 to index
      %swap3A_237 = arith.constant 0 : index
      %swap3A_238 = tpu.vector_load %arg12[%swap3A_236, %swap3A_237] {strides = array<i32>} : memref<16x16xf32, #tpu.memory_space<vmem>>, vector<16xf32>,
      tpu.vector_store %arg12[%swap3A_236, %swap3A_237], %broadcast_in_dim3A_130 {strides = array<i32>} : memref<16x16xf32, #tpu.memory_space<vmem>>, vector<16xf32>,
      %swap3A_239 = arith.constant 8 : i32
      %swap3A_240 = arith.index_cast %swap3A_239 : i32 to index
      %swap3A_241 = arith.constant 0 : index
      %swap3A_242 = tpu.vector_load %arg11[%swap3A_240, %swap3A_241] {strides = array<i32>} : memref<16x16xf32, #tpu.memory_space<vmem>>, vector<16xf32>,
      tpu.vector_store %arg11[%swap3A_240, %swap3A_241], %broadcast_in_dim3A_130 {strides = array<i32>} : memref<16x16xf32, #tpu.memory_space<vmem>>, vector<16xf32>,
      %swap3A_243 = arith.constant 8 : i32
      %swap3A_244 = arith.index_cast %swap3A_243 : i32 to index
      %swap3A_245 = arith.constant 0 : index
      %swap3A_246 = tpu.vector_load %arg12[%swap3A_244, %swap3A_245] {strides = array<i32>} : memref<16x16xf32, #tpu.memory_space<vmem>>, vector<16xf32>,
      tpu.vector_store %arg12[%swap3A_244, %swap3A_245], %broadcast_in_dim3A_130 {strides = array<i32>} : memref<16x16xf32, #tpu.memory_space<vmem>>, vector<16xf32>,
      %swap3A_247 = arith.constant 9 : i32
      %swap3A_248 = arith.index_cast %swap3A_247 : i32 to index
      %swap3A_249 = arith.constant 0 : index
      %swap3A_250 = tpu.vector_load %arg11[%swap3A_248, %swap3A_249] {strides = array<i32>} : memref<16x16xf32, #tpu.memory_space<vmem>>, vector<16xf32>,
      tpu.vector_store %arg11[%swap3A_248, %swap3A_249], %broadcast_in_dim3A_130 {strides = array<i32>} : memref<16x16xf32, #tpu.memory_space<vmem>>, vector<16xf32>,
      %swap3A_251 = arith.constant 9 : i32
      %swap3A_252 = arith.index_cast %swap3A_251 : i32 to index
      %swap3A_253 = arith.constant 0 : index
      %swap3A_254 = tpu.vector_load %arg12[%swap3A_252, %swap3A_253] {strides = array<i32>} : memref<16x16xf32, #tpu.memory_space<vmem>>, vector<16xf32>,
      tpu.vector_store %arg12[%swap3A_252, %swap3A_253], %broadcast_in_dim3A_130 {strides = array<i32>} : memref<16x16xf32, #tpu.memory_space<vmem>>, vector<16xf32>,
      %swap3A_255 = arith.constant 10 : i32
      %swap3A_256 = arith.index_cast %swap3A_255 : i32 to index
      %swap3A_257 = arith.constant 0 : index
      %swap3A_258 = tpu.vector_load %arg11[%swap3A_256, %swap3A_257] {strides = array<i32>} : memref<16x16xf32, #tpu.memory_space<vmem>>, vector<16xf32>,
      tpu.vector_store %arg11[%swap3A_256, %swap3A_257], %broadcast_in_dim3A_130 {strides = array<i32>} : memref<16x16xf32, #tpu.memory_space<vmem>>, vector<16xf32>,
      %swap3A_259 = arith.constant 10 : i32
      %swap3A_260 = arith.index_cast %swap3A_259 : i32 to index
      %swap3A_261 = arith.constant 0 : index
      %swap3A_262 = tpu.vector_load %arg12[%swap3A_260, %swap3A_261] {strides = array<i32>} : memref<16x16xf32, #tpu.memory_space<vmem>>, vector<16xf32>,
      tpu.vector_store %arg12[%swap3A_260, %swap3A_261], %broadcast_in_dim3A_130 {strides = array<i32>} : memref<16x16xf32, #tpu.memory_space<vmem>>, vector<16xf32>,
      %swap3A_263 = arith.constant 11 : i32
      %swap3A_264 = arith.index_cast %swap3A_263 : i32 to index
      %swap3A_265 = arith.constant 0 : index
      %swap3A_266 = tpu.vector_load %arg11[%swap3A_264, %swap3A_265] {strides = array<i32>} : memref<16x16xf32, #tpu.memory_space<vmem>>, vector<16xf32>,
      tpu.vector_store %arg11[%swap3A_264, %swap3A_265], %broadcast_in_dim3A_130 {strides = array<i32>} : memref<16x16xf32, #tpu.memory_space<vmem>>, vector<16xf32>,
      %swap3A_267 = arith.constant 11 : i32
      %swap3A_268 = arith.index_cast %swap3A_267 : i32 to index
      %swap3A_269 = arith.constant 0 : index
      %swap3A_270 = tpu.vector_load %arg12[%swap3A_268, %swap3A_269] {strides = array<i32>} : memref<16x16xf32, #tpu.memory_space<vmem>>, vector<16xf32>,
      tpu.vector_store %arg12[%swap3A_268, %swap3A_269], %broadcast_in_dim3A_130 {strides = array<i32>} : memref<16x16xf32, #tpu.memory_space<vmem>>, vector<16xf32>,
      %swap3A_271 = arith.constant 12 : i32
      %swap3A_272 = arith.index_cast %swap3A_271 : i32 to index
      %swap3A_273 = arith.constant 0 : index
      %swap3A_274 = tpu.vector_load %arg11[%swap3A_272, %swap3A_273] {strides = array<i32>} : memref<16x16xf32, #tpu.memory_space<vmem>>, vector<16xf32>,
      tpu.vector_store %arg11[%swap3A_272, %swap3A_273], %broadcast_in_dim3A_130 {strides = array<i32>} : memref<16x16xf32, #tpu.memory_space<vmem>>, vector<16xf32>,
      %swap3A_275 = arith.constant 12 : i32
      %swap3A_276 = arith.index_cast %swap3A_275 : i32 to index
      %swap3A_277 = arith.constant 0 : index
      %swap3A_278 = tpu.vector_load %arg12[%swap3A_276, %swap3A_277] {strides = array<i32>} : memref<16x16xf32, #tpu.memory_space<vmem>>, vector<16xf32>,
      tpu.vector_store %arg12[%swap3A_276, %swap3A_277], %broadcast_in_dim3A_130 {strides = array<i32>} : memref<16x16xf32, #tpu.memory_space<vmem>>, vector<16xf32>,
      %swap3A_279 = arith.constant 13 : i32
      %swap3A_280 = arith.index_cast %swap3A_279 : i32 to index
      %swap3A_281 = arith.constant 0 : index
      %swap3A_282 = tpu.vector_load %arg11[%swap3A_280, %swap3A_281] {strides = array<i32>} : memref<16x16xf32, #tpu.memory_space<vmem>>, vector<16xf32>,
      tpu.vector_store %arg11[%swap3A_280, %swap3A_281], %broadcast_in_dim3A_130 {strides = array<i32>} : memref<16x16xf32, #tpu.memory_space<vmem>>, vector<16xf32>,
      %swap3A_283 = arith.constant 13 : i32
      %swap3A_284 = arith.index_cast %swap3A_283 : i32 to index
      %swap3A_285 = arith.constant 0 : index
      %swap3A_286 = tpu.vector_load %arg12[%swap3A_284, %swap3A_285] {strides = array<i32>} : memref<16x16xf32, #tpu.memory_space<vmem>>, vector<16xf32>,
      tpu.vector_store %arg12[%swap3A_284, %swap3A_285], %broadcast_in_dim3A_130 {strides = array<i32>} : memref<16x16xf32, #tpu.memory_space<vmem>>, vector<16xf32>,
      %swap3A_287 = arith.constant 14 : i32
      %swap3A_288 = arith.index_cast %swap3A_287 : i32 to index
      %swap3A_289 = arith.constant 0 : index
      %swap3A_290 = tpu.vector_load %arg11[%swap3A_288, %swap3A_289] {strides = array<i32>} : memref<16x16xf32, #tpu.memory_space<vmem>>, vector<16xf32>,
      tpu.vector_store %arg11[%swap3A_288, %swap3A_289], %broadcast_in_dim3A_130 {strides = array<i32>} : memref<16x16xf32, #tpu.memory_space<vmem>>, vector<16xf32>,
      %swap3A_291 = arith.constant 14 : i32
      %swap3A_292 = arith.index_cast %swap3A_291 : i32 to index
      %swap3A_293 = arith.constant 0 : index
      %swap3A_294 = tpu.vector_load %arg12[%swap3A_292, %swap3A_293] {strides = array<i32>} : memref<16x16xf32, #tpu.memory_space<vmem>>, vector<16xf32>,
      tpu.vector_store %arg12[%swap3A_292, %swap3A_293], %broadcast_in_dim3A_130 {strides = array<i32>} : memref<16x16xf32, #tpu.memory_space<vmem>>, vector<16xf32>,
      %swap3A_295 = arith.constant 15 : i32
      %swap3A_296 = arith.index_cast %swap3A_295 : i32 to index
      %swap3A_297 = arith.constant 0 : index
      %swap3A_298 = tpu.vector_load %arg11[%swap3A_296, %swap3A_297] {strides = array<i32>} : memref<16x16xf32, #tpu.memory_space<vmem>>, vector<16xf32>,
      tpu.vector_store %arg11[%swap3A_296, %swap3A_297], %broadcast_in_dim3A_130 {strides = array<i32>} : memref<16x16xf32, #tpu.memory_space<vmem>>, vector<16xf32>,
      %swap3A_299 = arith.constant 15 : i32
      %swap3A_300 = arith.index_cast %swap3A_299 : i32 to index
      %swap3A_301 = arith.constant 0 : index
      %swap3A_302 = tpu.vector_load %arg12[%swap3A_300, %swap3A_301] {strides = array<i32>} : memref<16x16xf32, #tpu.memory_space<vmem>>, vector<16xf32>,
      tpu.vector_store %arg12[%swap3A_300, %swap3A_301], %broadcast_in_dim3A_130 {strides = array<i32>} : memref<16x16xf32, #tpu.memory_space<vmem>>, vector<16xf32>,
      %scan3A_303 = arith.constant 0 : i32
      %scan3A_304 = arith.constant 0 : i32
      %scan3A_305 = arith.constant 25 : i32
      %scan3A_306 = arith.addi %scan3A_304, %scan3A_305 : i32
      %scan3A_307 = arith.constant 1 : i32
      %scan3A_308 = scf.for %scan3A_548 = %scan3A_304 to %scan3A_306 step %scan3A_307 iter_args(%scan3A_549 = %scan3A_303) -> (i32)  : i32 {
        %mul3A_550 = arith.constant 8 : i32
        %mul3A_551 = arith.muli %scan3A_548, %mul3A_550 : i32
        %add3A_552 = arith.constant 0 : i32
        %add3A_553 = arith.addi %mul3A_551, %add3A_552 : i32
        %broadcast_in_dim3A_554 = vector.broadcast %add3A_553 : i32 to vector<16xi32>
        %gather3A_555 = tpu.vector_load_idx %arg7[%add3A_175, %broadcast_in_dim3A_554] : memref<128x200xi32, #tpu.memory_space<vmem>>[vector<16xi32>, vector<16xi32>], vector<16xi32>,
        %gather3A_556 = tpu.vector_load_idx %arg8[%add3A_175, %broadcast_in_dim3A_554] : memref<128x200xi32, #tpu.memory_space<vmem>>[vector<16xi32>, vector<16xi32>], vector<16xi32>,
        tpu.vector_store_idx %arg11[%iota3A, %gather3A_555], %broadcast_in_dim3A_128 {add = true} : memref<16x16xf32, #tpu.memory_space<vmem>>[vector<16xi32>, vector<16xi32>], vector<16xf32>,
        tpu.vector_store_idx %arg12[%iota3A, %gather3A_556], %broadcast_in_dim3A_128 {add = true} : memref<16x16xf32, #tpu.memory_space<vmem>>[vector<16xi32>, vector<16xi32>], vector<16xf32>,
        %mul3A_557 = arith.constant 8 : i32
        %mul3A_558 = arith.muli %scan3A_548, %mul3A_557 : i32
        %add3A_559 = arith.constant 1 : i32
        %add3A_560 = arith.addi %mul3A_558, %add3A_559 : i32
        %broadcast_in_dim3A_561 = vector.broadcast %add3A_560 : i32 to vector<16xi32>
        %gather3A_562 = tpu.vector_load_idx %arg7[%add3A_175, %broadcast_in_dim3A_561] : memref<128x200xi32, #tpu.memory_space<vmem>>[vector<16xi32>, vector<16xi32>], vector<16xi32>,
        %gather3A_563 = tpu.vector_load_idx %arg8[%add3A_175, %broadcast_in_dim3A_561] : memref<128x200xi32, #tpu.memory_space<vmem>>[vector<16xi32>, vector<16xi32>], vector<16xi32>,
        tpu.vector_store_idx %arg11[%iota3A, %gather3A_562], %broadcast_in_dim3A_128 {add = true} : memref<16x16xf32, #tpu.memory_space<vmem>>[vector<16xi32>, vector<16xi32>], vector<16xf32>,
        tpu.vector_store_idx %arg12[%iota3A, %gather3A_563], %broadcast_in_dim3A_128 {add = true} : memref<16x16xf32, #tpu.memory_space<vmem>>[vector<16xi32>, vector<16xi32>], vector<16xf32>,
        %mul3A_564 = arith.constant 8 : i32
        %mul3A_565 = arith.muli %scan3A_548, %mul3A_564 : i32
        %add3A_566 = arith.constant 2 : i32
        %add3A_567 = arith.addi %mul3A_565, %add3A_566 : i32
        %broadcast_in_dim3A_568 = vector.broadcast %add3A_567 : i32 to vector<16xi32>
        %gather3A_569 = tpu.vector_load_idx %arg7[%add3A_175, %broadcast_in_dim3A_568] : memref<128x200xi32, #tpu.memory_space<vmem>>[vector<16xi32>, vector<16xi32>], vector<16xi32>,
        %gather3A_570 = tpu.vector_load_idx %arg8[%add3A_175, %broadcast_in_dim3A_568] : memref<128x200xi32, #tpu.memory_space<vmem>>[vector<16xi32>, vector<16xi32>], vector<16xi32>,
        tpu.vector_store_idx %arg11[%iota3A, %gather3A_569], %broadcast_in_dim3A_128 {add = true} : memref<16x16xf32, #tpu.memory_space<vmem>>[vector<16xi32>, vector<16xi32>], vector<16xf32>,
        tpu.vector_store_idx %arg12[%iota3A, %gather3A_570], %broadcast_in_dim3A_128 {add = true} : memref<16x16xf32, #tpu.memory_space<vmem>>[vector<16xi32>, vector<16xi32>], vector<16xf32>,
        %mul3A_571 = arith.constant 8 : i32
        %mul3A_572 = arith.muli %scan3A_548, %mul3A_571 : i32
        %add3A_573 = arith.constant 3 : i32
        %add3A_574 = arith.addi %mul3A_572, %add3A_573 : i32
        %broadcast_in_dim3A_575 = vector.broadcast %add3A_574 : i32 to vector<16xi32>
        %gather3A_576 = tpu.vector_load_idx %arg7[%add3A_175, %broadcast_in_dim3A_575] : memref<128x200xi32, #tpu.memory_space<vmem>>[vector<16xi32>, vector<16xi32>], vector<16xi32>,
        %gather3A_577 = tpu.vector_load_idx %arg8[%add3A_175, %broadcast_in_dim3A_575] : memref<128x200xi32, #tpu.memory_space<vmem>>[vector<16xi32>, vector<16xi32>], vector<16xi32>,
        tpu.vector_store_idx %arg11[%iota3A, %gather3A_576], %broadcast_in_dim3A_128 {add = true} : memref<16x16xf32, #tpu.memory_space<vmem>>[vector<16xi32>, vector<16xi32>], vector<16xf32>,
        tpu.vector_store_idx %arg12[%iota3A, %gather3A_577], %broadcast_in_dim3A_128 {add = true} : memref<16x16xf32, #tpu.memory_space<vmem>>[vector<16xi32>, vector<16xi32>], vector<16xf32>,
        %mul3A_578 = arith.constant 8 : i32
        %mul3A_579 = arith.muli %scan3A_548, %mul3A_578 : i32
        %add3A_580 = arith.constant 4 : i32
        %add3A_581 = arith.addi %mul3A_579, %add3A_580 : i32
        %broadcast_in_dim3A_582 = vector.broadcast %add3A_581 : i32 to vector<16xi32>
        %gather3A_583 = tpu.vector_load_idx %arg7[%add3A_175, %broadcast_in_dim3A_582] : memref<128x200xi32, #tpu.memory_space<vmem>>[vector<16xi32>, vector<16xi32>], vector<16xi32>,
        %gather3A_584 = tpu.vector_load_idx %arg8[%add3A_175, %broadcast_in_dim3A_582] : memref<128x200xi32, #tpu.memory_space<vmem>>[vector<16xi32>, vector<16xi32>], vector<16xi32>,
        tpu.vector_store_idx %arg11[%iota3A, %gather3A_583], %broadcast_in_dim3A_128 {add = true} : memref<16x16xf32, #tpu.memory_space<vmem>>[vector<16xi32>, vector<16xi32>], vector<16xf32>,
        tpu.vector_store_idx %arg12[%iota3A, %gather3A_584], %broadcast_in_dim3A_128 {add = true} : memref<16x16xf32, #tpu.memory_space<vmem>>[vector<16xi32>, vector<16xi32>], vector<16xf32>,
        %mul3A_585 = arith.constant 8 : i32
        %mul3A_586 = arith.muli %scan3A_548, %mul3A_585 : i32
        %add3A_587 = arith.constant 5 : i32
        %add3A_588 = arith.addi %mul3A_586, %add3A_587 : i32
        %broadcast_in_dim3A_589 = vector.broadcast %add3A_588 : i32 to vector<16xi32>
        %gather3A_590 = tpu.vector_load_idx %arg7[%add3A_175, %broadcast_in_dim3A_589] : memref<128x200xi32, #tpu.memory_space<vmem>>[vector<16xi32>, vector<16xi32>], vector<16xi32>,
        %gather3A_591 = tpu.vector_load_idx %arg8[%add3A_175, %broadcast_in_dim3A_589] : memref<128x200xi32, #tpu.memory_space<vmem>>[vector<16xi32>, vector<16xi32>], vector<16xi32>,
        tpu.vector_store_idx %arg11[%iota3A, %gather3A_590], %broadcast_in_dim3A_128 {add = true} : memref<16x16xf32, #tpu.memory_space<vmem>>[vector<16xi32>, vector<16xi32>], vector<16xf32>,
        tpu.vector_store_idx %arg12[%iota3A, %gather3A_591], %broadcast_in_dim3A_128 {add = true} : memref<16x16xf32, #tpu.memory_space<vmem>>[vector<16xi32>, vector<16xi32>], vector<16xf32>,
        %mul3A_592 = arith.constant 8 : i32
        %mul3A_593 = arith.muli %scan3A_548, %mul3A_592 : i32
        %add3A_594 = arith.constant 6 : i32
        %add3A_595 = arith.addi %mul3A_593, %add3A_594 : i32
        %broadcast_in_dim3A_596 = vector.broadcast %add3A_595 : i32 to vector<16xi32>
        %gather3A_597 = tpu.vector_load_idx %arg7[%add3A_175, %broadcast_in_dim3A_596] : memref<128x200xi32, #tpu.memory_space<vmem>>[vector<16xi32>, vector<16xi32>], vector<16xi32>,
        %gather3A_598 = tpu.vector_load_idx %arg8[%add3A_175, %broadcast_in_dim3A_596] : memref<128x200xi32, #tpu.memory_space<vmem>>[vector<16xi32>, vector<16xi32>], vector<16xi32>,
        tpu.vector_store_idx %arg11[%iota3A, %gather3A_597], %broadcast_in_dim3A_128 {add = true} : memref<16x16xf32, #tpu.memory_space<vmem>>[vector<16xi32>, vector<16xi32>], vector<16xf32>,
        tpu.vector_store_idx %arg12[%iota3A, %gather3A_598], %broadcast_in_dim3A_128 {add = true} : memref<16x16xf32, #tpu.memory_space<vmem>>[vector<16xi32>, vector<16xi32>], vector<16xf32>,
        %mul3A_599 = arith.constant 8 : i32
        %mul3A_600 = arith.muli %scan3A_548, %mul3A_599 : i32
        %add3A_601 = arith.constant 7 : i32
        %add3A_602 = arith.addi %mul3A_600, %add3A_601 : i32
        %broadcast_in_dim3A_603 = vector.broadcast %add3A_602 : i32 to vector<16xi32>
        %gather3A_604 = tpu.vector_load_idx %arg7[%add3A_175, %broadcast_in_dim3A_603] : memref<128x200xi32, #tpu.memory_space<vmem>>[vector<16xi32>, vector<16xi32>], vector<16xi32>,
        %gather3A_605 = tpu.vector_load_idx %arg8[%add3A_175, %broadcast_in_dim3A_603] : memref<128x200xi32, #tpu.memory_space<vmem>>[vector<16xi32>, vector<16xi32>], vector<16xi32>,
        tpu.vector_store_idx %arg11[%iota3A, %gather3A_604], %broadcast_in_dim3A_128 {add = true} : memref<16x16xf32, #tpu.memory_space<vmem>>[vector<16xi32>, vector<16xi32>], vector<16xf32>,
        tpu.vector_store_idx %arg12[%iota3A, %gather3A_605], %broadcast_in_dim3A_128 {add = true} : memref<16x16xf32, #tpu.memory_space<vmem>>[vector<16xi32>, vector<16xi32>], vector<16xf32>,
        %scan3A_606 = arith.constant 0 : i32
        scf.yield %scan3A_606 : i32
      }
      %scan3A_309 = arith.constant 25 : i32
      %broadcast_in_dim3A_310 = arith.constant 0 : i32
      %broadcast_in_dim3A_311 = vector.broadcast %broadcast_in_dim3A_310 : i32 to vector<16xi32>
      %gather3A = tpu.vector_load_idx %arg11[%iota3A, %broadcast_in_dim3A_311] : memref<16x16xf32, #tpu.memory_space<vmem>>[vector<16xi32>, vector<16xi32>], vector<16xf32>,
      %gather3A_312 = tpu.vector_load_idx %arg12[%iota3A, %broadcast_in_dim3A_311] : memref<16x16xf32, #tpu.memory_space<vmem>>[vector<16xi32>, vector<16xi32>], vector<16xf32>,
      %mul3A_313 = vector.broadcast %squeeze3A : f32 to vector<16xf32>
      %mul3A_314 = arith.mulf %gather3A, %mul3A_313 : vector<16xf32>
      %add3A_315 = arith.addf %broadcast_in_dim3A_130, %mul3A_314 : vector<16xf32>
      %mul3A_316 = vector.broadcast %squeeze3A_69 : f32 to vector<16xf32>
      %mul3A_317 = arith.mulf %gather3A_312, %mul3A_316 : vector<16xf32>
      %add3A_318 = arith.addf %add3A_315, %mul3A_317 : vector<16xf32>
      %mul3A_319 = vector.broadcast %squeeze3A_11 : f32 to vector<16xf32>
      %mul3A_320 = arith.mulf %gather3A, %mul3A_319 : vector<16xf32>
      %add3A_321 = arith.addf %broadcast_in_dim3A_130, %mul3A_320 : vector<16xf32>
      %mul3A_322 = vector.broadcast %squeeze3A_71 : f32 to vector<16xf32>
      %mul3A_323 = arith.mulf %gather3A_312, %mul3A_322 : vector<16xf32>
      %add3A_324 = arith.addf %add3A_321, %mul3A_323 : vector<16xf32>
      %mul3A_325 = vector.broadcast %squeeze3A_13 : f32 to vector<16xf32>
      %mul3A_326 = arith.mulf %gather3A, %mul3A_325 : vector<16xf32>
      %add3A_327 = arith.addf %broadcast_in_dim3A_130, %mul3A_326 : vector<16xf32>
      %mul3A_328 = vector.broadcast %squeeze3A_73 : f32 to vector<16xf32>
      %mul3A_329 = arith.mulf %gather3A_312, %mul3A_328 : vector<16xf32>
      %add3A_330 = arith.addf %add3A_327, %mul3A_329 : vector<16xf32>
      %broadcast_in_dim3A_331 = arith.constant 1 : i32
      %broadcast_in_dim3A_332 = vector.broadcast %broadcast_in_dim3A_331 : i32 to vector<16xi32>
      %gather3A_333 = tpu.vector_load_idx %arg11[%iota3A, %broadcast_in_dim3A_332] : memref<16x16xf32, #tpu.memory_space<vmem>>[vector<16xi32>, vector<16xi32>], vector<16xf32>,
      %gather3A_334 = tpu.vector_load_idx %arg12[%iota3A, %broadcast_in_dim3A_332] : memref<16x16xf32, #tpu.memory_space<vmem>>[vector<16xi32>, vector<16xi32>], vector<16xf32>,
      %mul3A_335 = vector.broadcast %squeeze3A_15 : f32 to vector<16xf32>
      %mul3A_336 = arith.mulf %gather3A_333, %mul3A_335 : vector<16xf32>
      %add3A_337 = arith.addf %add3A_318, %mul3A_336 : vector<16xf32>
      %mul3A_338 = vector.broadcast %squeeze3A_75 : f32 to vector<16xf32>
      %mul3A_339 = arith.mulf %gather3A_334, %mul3A_338 : vector<16xf32>
      %add3A_340 = arith.addf %add3A_337, %mul3A_339 : vector<16xf32>
      %mul3A_341 = vector.broadcast %squeeze3A_17 : f32 to vector<16xf32>
      %mul3A_342 = arith.mulf %gather3A_333, %mul3A_341 : vector<16xf32>
      %add3A_343 = arith.addf %add3A_324, %mul3A_342 : vector<16xf32>
      %mul3A_344 = vector.broadcast %squeeze3A_77 : f32 to vector<16xf32>
      %mul3A_345 = arith.mulf %gather3A_334, %mul3A_344 : vector<16xf32>
      %add3A_346 = arith.addf %add3A_343, %mul3A_345 : vector<16xf32>
      %mul3A_347 = vector.broadcast %squeeze3A_19 : f32 to vector<16xf32>
      %mul3A_348 = arith.mulf %gather3A_333, %mul3A_347 : vector<16xf32>
      %add3A_349 = arith.addf %add3A_330, %mul3A_348 : vector<16xf32>
      %mul3A_350 = vector.broadcast %squeeze3A_79 : f32 to vector<16xf32>
      %mul3A_351 = arith.mulf %gather3A_334, %mul3A_350 : vector<16xf32>
      %add3A_352 = arith.addf %add3A_349, %mul3A_351 : vector<16xf32>
      %broadcast_in_dim3A_353 = arith.constant 2 : i32
      %broadcast_in_dim3A_354 = vector.broadcast %broadcast_in_dim3A_353 : i32 to vector<16xi32>
      %gather3A_355 = tpu.vector_load_idx %arg11[%iota3A, %broadcast_in_dim3A_354] : memref<16x16xf32, #tpu.memory_space<vmem>>[vector<16xi32>, vector<16xi32>], vector<16xf32>,
      %gather3A_356 = tpu.vector_load_idx %arg12[%iota3A, %broadcast_in_dim3A_354] : memref<16x16xf32, #tpu.memory_space<vmem>>[vector<16xi32>, vector<16xi32>], vector<16xf32>,
      %mul3A_357 = vector.broadcast %squeeze3A_21 : f32 to vector<16xf32>
      %mul3A_358 = arith.mulf %gather3A_355, %mul3A_357 : vector<16xf32>
      %add3A_359 = arith.addf %add3A_340, %mul3A_358 : vector<16xf32>
      %mul3A_360 = vector.broadcast %squeeze3A_81 : f32 to vector<16xf32>
      %mul3A_361 = arith.mulf %gather3A_356, %mul3A_360 : vector<16xf32>
      %add3A_362 = arith.addf %add3A_359, %mul3A_361 : vector<16xf32>
      %mul3A_363 = vector.broadcast %squeeze3A_23 : f32 to vector<16xf32>
      %mul3A_364 = arith.mulf %gather3A_355, %mul3A_363 : vector<16xf32>
      %add3A_365 = arith.addf %add3A_346, %mul3A_364 : vector<16xf32>
      %mul3A_366 = vector.broadcast %squeeze3A_83 : f32 to vector<16xf32>
      %mul3A_367 = arith.mulf %gather3A_356, %mul3A_366 : vector<16xf32>
      %add3A_368 = arith.addf %add3A_365, %mul3A_367 : vector<16xf32>
      %mul3A_369 = vector.broadcast %squeeze3A_25 : f32 to vector<16xf32>
      %mul3A_370 = arith.mulf %gather3A_355, %mul3A_369 : vector<16xf32>
      %add3A_371 = arith.addf %add3A_352, %mul3A_370 : vector<16xf32>
      %mul3A_372 = vector.broadcast %squeeze3A_85 : f32 to vector<16xf32>
      %mul3A_373 = arith.mulf %gather3A_356, %mul3A_372 : vector<16xf32>
      %add3A_374 = arith.addf %add3A_371, %mul3A_373 : vector<16xf32>
      %broadcast_in_dim3A_375 = arith.constant 3 : i32
      %broadcast_in_dim3A_376 = vector.broadcast %broadcast_in_dim3A_375 : i32 to vector<16xi32>
      %gather3A_377 = tpu.vector_load_idx %arg11[%iota3A, %broadcast_in_dim3A_376] : memref<16x16xf32, #tpu.memory_space<vmem>>[vector<16xi32>, vector<16xi32>], vector<16xf32>,
      %gather3A_378 = tpu.vector_load_idx %arg12[%iota3A, %broadcast_in_dim3A_376] : memref<16x16xf32, #tpu.memory_space<vmem>>[vector<16xi32>, vector<16xi32>], vector<16xf32>,
      %mul3A_379 = vector.broadcast %squeeze3A_27 : f32 to vector<16xf32>
      %mul3A_380 = arith.mulf %gather3A_377, %mul3A_379 : vector<16xf32>
      %add3A_381 = arith.addf %add3A_362, %mul3A_380 : vector<16xf32>
      %mul3A_382 = vector.broadcast %squeeze3A_87 : f32 to vector<16xf32>
      %mul3A_383 = arith.mulf %gather3A_378, %mul3A_382 : vector<16xf32>
      %add3A_384 = arith.addf %add3A_381, %mul3A_383 : vector<16xf32>
      %mul3A_385 = vector.broadcast %squeeze3A_29 : f32 to vector<16xf32>
      %mul3A_386 = arith.mulf %gather3A_377, %mul3A_385 : vector<16xf32>
      %add3A_387 = arith.addf %add3A_368, %mul3A_386 : vector<16xf32>
      %mul3A_388 = vector.broadcast %squeeze3A_89 : f32 to vector<16xf32>
      %mul3A_389 = arith.mulf %gather3A_378, %mul3A_388 : vector<16xf32>
      %add3A_390 = arith.addf %add3A_387, %mul3A_389 : vector<16xf32>
      %mul3A_391 = vector.broadcast %squeeze3A_31 : f32 to vector<16xf32>
      %mul3A_392 = arith.mulf %gather3A_377, %mul3A_391 : vector<16xf32>
      %add3A_393 = arith.addf %add3A_374, %mul3A_392 : vector<16xf32>
      %mul3A_394 = vector.broadcast %squeeze3A_91 : f32 to vector<16xf32>
      %mul3A_395 = arith.mulf %gather3A_378, %mul3A_394 : vector<16xf32>
      %add3A_396 = arith.addf %add3A_393, %mul3A_395 : vector<16xf32>
      %broadcast_in_dim3A_397 = arith.constant 4 : i32
      %broadcast_in_dim3A_398 = vector.broadcast %broadcast_in_dim3A_397 : i32 to vector<16xi32>
      %gather3A_399 = tpu.vector_load_idx %arg11[%iota3A, %broadcast_in_dim3A_398] : memref<16x16xf32, #tpu.memory_space<vmem>>[vector<16xi32>, vector<16xi32>], vector<16xf32>,
      %gather3A_400 = tpu.vector_load_idx %arg12[%iota3A, %broadcast_in_dim3A_398] : memref<16x16xf32, #tpu.memory_space<vmem>>[vector<16xi32>, vector<16xi32>], vector<16xf32>,
      %mul3A_401 = vector.broadcast %squeeze3A_33 : f32 to vector<16xf32>
      %mul3A_402 = arith.mulf %gather3A_399, %mul3A_401 : vector<16xf32>
      %add3A_403 = arith.addf %add3A_384, %mul3A_402 : vector<16xf32>
      %mul3A_404 = vector.broadcast %squeeze3A_93 : f32 to vector<16xf32>
      %mul3A_405 = arith.mulf %gather3A_400, %mul3A_404 : vector<16xf32>
      %add3A_406 = arith.addf %add3A_403, %mul3A_405 : vector<16xf32>
      %mul3A_407 = vector.broadcast %squeeze3A_35 : f32 to vector<16xf32>
      %mul3A_408 = arith.mulf %gather3A_399, %mul3A_407 : vector<16xf32>
      %add3A_409 = arith.addf %add3A_390, %mul3A_408 : vector<16xf32>
      %mul3A_410 = vector.broadcast %squeeze3A_95 : f32 to vector<16xf32>
      %mul3A_411 = arith.mulf %gather3A_400, %mul3A_410 : vector<16xf32>
      %add3A_412 = arith.addf %add3A_409, %mul3A_411 : vector<16xf32>
      %mul3A_413 = vector.broadcast %squeeze3A_37 : f32 to vector<16xf32>
      %mul3A_414 = arith.mulf %gather3A_399, %mul3A_413 : vector<16xf32>
      %add3A_415 = arith.addf %add3A_396, %mul3A_414 : vector<16xf32>
      %mul3A_416 = vector.broadcast %squeeze3A_97 : f32 to vector<16xf32>
      %mul3A_417 = arith.mulf %gather3A_400, %mul3A_416 : vector<16xf32>
      %add3A_418 = arith.addf %add3A_415, %mul3A_417 : vector<16xf32>
      %broadcast_in_dim3A_419 = arith.constant 5 : i32
      %broadcast_in_dim3A_420 = vector.broadcast %broadcast_in_dim3A_419 : i32 to vector<16xi32>
      %gather3A_421 = tpu.vector_load_idx %arg11[%iota3A, %broadcast_in_dim3A_420] : memref<16x16xf32, #tpu.memory_space<vmem>>[vector<16xi32>, vector<16xi32>], vector<16xf32>,
      %gather3A_422 = tpu.vector_load_idx %arg12[%iota3A, %broadcast_in_dim3A_420] : memref<16x16xf32, #tpu.memory_space<vmem>>[vector<16xi32>, vector<16xi32>], vector<16xf32>,
      %mul3A_423 = vector.broadcast %squeeze3A_39 : f32 to vector<16xf32>
      %mul3A_424 = arith.mulf %gather3A_421, %mul3A_423 : vector<16xf32>
      %add3A_425 = arith.addf %add3A_406, %mul3A_424 : vector<16xf32>
      %mul3A_426 = vector.broadcast %squeeze3A_99 : f32 to vector<16xf32>
      %mul3A_427 = arith.mulf %gather3A_422, %mul3A_426 : vector<16xf32>
      %add3A_428 = arith.addf %add3A_425, %mul3A_427 : vector<16xf32>
      %mul3A_429 = vector.broadcast %squeeze3A_41 : f32 to vector<16xf32>
      %mul3A_430 = arith.mulf %gather3A_421, %mul3A_429 : vector<16xf32>
      %add3A_431 = arith.addf %add3A_412, %mul3A_430 : vector<16xf32>
      %mul3A_432 = vector.broadcast %squeeze3A_101 : f32 to vector<16xf32>
      %mul3A_433 = arith.mulf %gather3A_422, %mul3A_432 : vector<16xf32>
      %add3A_434 = arith.addf %add3A_431, %mul3A_433 : vector<16xf32>
      %mul3A_435 = vector.broadcast %squeeze3A_43 : f32 to vector<16xf32>
      %mul3A_436 = arith.mulf %gather3A_421, %mul3A_435 : vector<16xf32>
      %add3A_437 = arith.addf %add3A_418, %mul3A_436 : vector<16xf32>
      %mul3A_438 = vector.broadcast %squeeze3A_103 : f32 to vector<16xf32>
      %mul3A_439 = arith.mulf %gather3A_422, %mul3A_438 : vector<16xf32>
      %add3A_440 = arith.addf %add3A_437, %mul3A_439 : vector<16xf32>
      %broadcast_in_dim3A_441 = arith.constant 6 : i32
      %broadcast_in_dim3A_442 = vector.broadcast %broadcast_in_dim3A_441 : i32 to vector<16xi32>
      %gather3A_443 = tpu.vector_load_idx %arg11[%iota3A, %broadcast_in_dim3A_442] : memref<16x16xf32, #tpu.memory_space<vmem>>[vector<16xi32>, vector<16xi32>], vector<16xf32>,
      %gather3A_444 = tpu.vector_load_idx %arg12[%iota3A, %broadcast_in_dim3A_442] : memref<16x16xf32, #tpu.memory_space<vmem>>[vector<16xi32>, vector<16xi32>], vector<16xf32>,
      %mul3A_445 = vector.broadcast %squeeze3A_45 : f32 to vector<16xf32>
      %mul3A_446 = arith.mulf %gather3A_443, %mul3A_445 : vector<16xf32>
      %add3A_447 = arith.addf %add3A_428, %mul3A_446 : vector<16xf32>
      %mul3A_448 = vector.broadcast %squeeze3A_105 : f32 to vector<16xf32>
      %mul3A_449 = arith.mulf %gather3A_444, %mul3A_448 : vector<16xf32>
      %add3A_450 = arith.addf %add3A_447, %mul3A_449 : vector<16xf32>
      %mul3A_451 = vector.broadcast %squeeze3A_47 : f32 to vector<16xf32>
      %mul3A_452 = arith.mulf %gather3A_443, %mul3A_451 : vector<16xf32>
      %add3A_453 = arith.addf %add3A_434, %mul3A_452 : vector<16xf32>
      %mul3A_454 = vector.broadcast %squeeze3A_107 : f32 to vector<16xf32>
      %mul3A_455 = arith.mulf %gather3A_444, %mul3A_454 : vector<16xf32>
      %add3A_456 = arith.addf %add3A_453, %mul3A_455 : vector<16xf32>
      %mul3A_457 = vector.broadcast %squeeze3A_49 : f32 to vector<16xf32>
      %mul3A_458 = arith.mulf %gather3A_443, %mul3A_457 : vector<16xf32>
      %add3A_459 = arith.addf %add3A_440, %mul3A_458 : vector<16xf32>
      %mul3A_460 = vector.broadcast %squeeze3A_109 : f32 to vector<16xf32>
      %mul3A_461 = arith.mulf %gather3A_444, %mul3A_460 : vector<16xf32>
      %add3A_462 = arith.addf %add3A_459, %mul3A_461 : vector<16xf32>
      %broadcast_in_dim3A_463 = arith.constant 7 : i32
      %broadcast_in_dim3A_464 = vector.broadcast %broadcast_in_dim3A_463 : i32 to vector<16xi32>
      %gather3A_465 = tpu.vector_load_idx %arg11[%iota3A, %broadcast_in_dim3A_464] : memref<16x16xf32, #tpu.memory_space<vmem>>[vector<16xi32>, vector<16xi32>], vector<16xf32>,
      %gather3A_466 = tpu.vector_load_idx %arg12[%iota3A, %broadcast_in_dim3A_464] : memref<16x16xf32, #tpu.memory_space<vmem>>[vector<16xi32>, vector<16xi32>], vector<16xf32>,
      %mul3A_467 = vector.broadcast %squeeze3A_51 : f32 to vector<16xf32>
      %mul3A_468 = arith.mulf %gather3A_465, %mul3A_467 : vector<16xf32>
      %add3A_469 = arith.addf %add3A_450, %mul3A_468 : vector<16xf32>
      %mul3A_470 = vector.broadcast %squeeze3A_111 : f32 to vector<16xf32>
      %mul3A_471 = arith.mulf %gather3A_466, %mul3A_470 : vector<16xf32>
      %add3A_472 = arith.addf %add3A_469, %mul3A_471 : vector<16xf32>
      %mul3A_473 = vector.broadcast %squeeze3A_53 : f32 to vector<16xf32>
      %mul3A_474 = arith.mulf %gather3A_465, %mul3A_473 : vector<16xf32>
      %add3A_475 = arith.addf %add3A_456, %mul3A_474 : vector<16xf32>
      %mul3A_476 = vector.broadcast %squeeze3A_113 : f32 to vector<16xf32>
      %mul3A_477 = arith.mulf %gather3A_466, %mul3A_476 : vector<16xf32>
      %add3A_478 = arith.addf %add3A_475, %mul3A_477 : vector<16xf32>
      %mul3A_479 = vector.broadcast %squeeze3A_55 : f32 to vector<16xf32>
      %mul3A_480 = arith.mulf %gather3A_465, %mul3A_479 : vector<16xf32>
      %add3A_481 = arith.addf %add3A_462, %mul3A_480 : vector<16xf32>
      %mul3A_482 = vector.broadcast %squeeze3A_115 : f32 to vector<16xf32>
      %mul3A_483 = arith.mulf %gather3A_466, %mul3A_482 : vector<16xf32>
      %add3A_484 = arith.addf %add3A_481, %mul3A_483 : vector<16xf32>
      %broadcast_in_dim3A_485 = arith.constant 8 : i32
      %broadcast_in_dim3A_486 = vector.broadcast %broadcast_in_dim3A_485 : i32 to vector<16xi32>
      %gather3A_487 = tpu.vector_load_idx %arg11[%iota3A, %broadcast_in_dim3A_486] : memref<16x16xf32, #tpu.memory_space<vmem>>[vector<16xi32>, vector<16xi32>], vector<16xf32>,
      %gather3A_488 = tpu.vector_load_idx %arg12[%iota3A, %broadcast_in_dim3A_486] : memref<16x16xf32, #tpu.memory_space<vmem>>[vector<16xi32>, vector<16xi32>], vector<16xf32>,
      %mul3A_489 = vector.broadcast %squeeze3A_57 : f32 to vector<16xf32>
      %mul3A_490 = arith.mulf %gather3A_487, %mul3A_489 : vector<16xf32>
      %add3A_491 = arith.addf %add3A_472, %mul3A_490 : vector<16xf32>
      %mul3A_492 = vector.broadcast %squeeze3A_117 : f32 to vector<16xf32>
      %mul3A_493 = arith.mulf %gather3A_488, %mul3A_492 : vector<16xf32>
      %add3A_494 = arith.addf %add3A_491, %mul3A_493 : vector<16xf32>
      %mul3A_495 = vector.broadcast %squeeze3A_59 : f32 to vector<16xf32>
      %mul3A_496 = arith.mulf %gather3A_487, %mul3A_495 : vector<16xf32>
      %add3A_497 = arith.addf %add3A_478, %mul3A_496 : vector<16xf32>
      %mul3A_498 = vector.broadcast %squeeze3A_119 : f32 to vector<16xf32>
      %mul3A_499 = arith.mulf %gather3A_488, %mul3A_498 : vector<16xf32>
      %add3A_500 = arith.addf %add3A_497, %mul3A_499 : vector<16xf32>
      %mul3A_501 = vector.broadcast %squeeze3A_61 : f32 to vector<16xf32>
      %mul3A_502 = arith.mulf %gather3A_487, %mul3A_501 : vector<16xf32>
      %add3A_503 = arith.addf %add3A_484, %mul3A_502 : vector<16xf32>
      %mul3A_504 = vector.broadcast %squeeze3A_121 : f32 to vector<16xf32>
      %mul3A_505 = arith.mulf %gather3A_488, %mul3A_504 : vector<16xf32>
      %add3A_506 = arith.addf %add3A_503, %mul3A_505 : vector<16xf32>
      %broadcast_in_dim3A_507 = arith.constant 9 : i32
      %broadcast_in_dim3A_508 = vector.broadcast %broadcast_in_dim3A_507 : i32 to vector<16xi32>
      %gather3A_509 = tpu.vector_load_idx %arg11[%iota3A, %broadcast_in_dim3A_508] : memref<16x16xf32, #tpu.memory_space<vmem>>[vector<16xi32>, vector<16xi32>], vector<16xf32>,
      %gather3A_510 = tpu.vector_load_idx %arg12[%iota3A, %broadcast_in_dim3A_508] : memref<16x16xf32, #tpu.memory_space<vmem>>[vector<16xi32>, vector<16xi32>], vector<16xf32>,
      %mul3A_511 = vector.broadcast %squeeze3A_63 : f32 to vector<16xf32>
      %mul3A_512 = arith.mulf %gather3A_509, %mul3A_511 : vector<16xf32>
      %add3A_513 = arith.addf %add3A_494, %mul3A_512 : vector<16xf32>
      %mul3A_514 = vector.broadcast %squeeze3A_123 : f32 to vector<16xf32>
      %mul3A_515 = arith.mulf %gather3A_510, %mul3A_514 : vector<16xf32>
      %add3A_516 = arith.addf %add3A_513, %mul3A_515 : vector<16xf32>
      %mul3A_517 = vector.broadcast %squeeze3A_65 : f32 to vector<16xf32>
      %mul3A_518 = arith.mulf %gather3A_509, %mul3A_517 : vector<16xf32>
      %add3A_519 = arith.addf %add3A_500, %mul3A_518 : vector<16xf32>
      %mul3A_520 = vector.broadcast %squeeze3A_125 : f32 to vector<16xf32>
      %mul3A_521 = arith.mulf %gather3A_510, %mul3A_520 : vector<16xf32>
      %add3A_522 = arith.addf %add3A_519, %mul3A_521 : vector<16xf32>
      %mul3A_523 = vector.broadcast %squeeze3A_67 : f32 to vector<16xf32>
      %mul3A_524 = arith.mulf %gather3A_509, %mul3A_523 : vector<16xf32>
      %add3A_525 = arith.addf %add3A_506, %mul3A_524 : vector<16xf32>
      %mul3A_526 = vector.broadcast %squeeze3A_127 : f32 to vector<16xf32>
      %mul3A_527 = arith.mulf %gather3A_510, %mul3A_526 : vector<16xf32>
      %add3A_528 = arith.addf %add3A_525, %mul3A_527 : vector<16xf32>
      %mul3A_529 = arith.constant 16 : i32
      %mul3A_530 = arith.muli %scan3A_170, %mul3A_529 : i32
      %add3A_531 = arith.constant 256 : i32
      %add3A_532 = arith.addi %add3A_531, %mul3A_530 : i32
      %add3A_533 = vector.broadcast %add3A_532 : i32 to vector<16xi32>
      %add3A_534 = arith.addi %add3A_533, %iota3A : vector<16xi32>
      %broadcast_in_dim3A_535 = arith.constant 0 : i32
      %broadcast_in_dim3A_536 = vector.broadcast %broadcast_in_dim3A_535 : i32 to vector<16xi32>
      %mul3A_537 = vector.broadcast %scan3A_152 : f32 to vector<16xf32>
      %mul3A_538 = arith.mulf %add3A_516, %mul3A_537 : vector<16xf32>
      tpu.vector_store_idx %arg13[%add3A_534, %broadcast_in_dim3A_536], %mul3A_538 : memref<512x3xf32, #tpu.memory_space<vmem>>[vector<16xi32>, vector<16xi32>], vector<16xf32>,
      %broadcast_in_dim3A_539 = arith.constant 1 : i32
      %broadcast_in_dim3A_540 = vector.broadcast %broadcast_in_dim3A_539 : i32 to vector<16xi32>
      %mul3A_541 = vector.broadcast %scan3A_152 : f32 to vector<16xf32>
      %mul3A_542 = arith.mulf %add3A_522, %mul3A_541 : vector<16xf32>
      tpu.vector_store_idx %arg13[%add3A_534, %broadcast_in_dim3A_540], %mul3A_542 : memref<512x3xf32, #tpu.memory_space<vmem>>[vector<16xi32>, vector<16xi32>], vector<16xf32>,
      %broadcast_in_dim3A_543 = arith.constant 2 : i32
      %broadcast_in_dim3A_544 = vector.broadcast %broadcast_in_dim3A_543 : i32 to vector<16xi32>
      %mul3A_545 = vector.broadcast %scan3A_152 : f32 to vector<16xf32>
      %mul3A_546 = arith.mulf %add3A_528, %mul3A_545 : vector<16xf32>
      tpu.vector_store_idx %arg13[%add3A_534, %broadcast_in_dim3A_544], %mul3A_546 : memref<512x3xf32, #tpu.memory_space<vmem>>[vector<16xi32>, vector<16xi32>], vector<16xf32>,
      %scan3A_547 = arith.constant 0 : i32
      scf.yield %scan3A_547 : i32
    }
    %scan3A_159 = arith.constant 8 : i32
    %add3A_160 = arith.constant 384 : i32
    %add3A_161 = arith.addi %mul3A_2, %add3A_160 : i32
    "tpu.region"() ({
      %run_scoped3A = tpu.sem_alloc : memref<!tpu.dma_semaphore, #tpu.memory_space<semaphore_mem>>
      %dma_start3A = arith.constant 0 : i32
      %dma_start3A_170 = tpu.memref_slice %arg2[%add3A_161, %dma_start3A] : memref<16384x200xi32, #tpu.memory_space<hbm>> -> memref<128x200xi32, #tpu.memory_space<hbm>>
      %dma_start3A_171 = arith.constant 0 : i32
      %dma_start3A_172 = tpu.memref_slice %arg2[%add3A_161, %dma_start3A_171] : memref<16384x200xi32, #tpu.memory_space<hbm>> -> memref<128x200xi32, #tpu.memory_space<hbm>>
      tpu.enqueue_dma source(%dma_start3A_172 : memref<128x200xi32, #tpu.memory_space<hbm>>) target(%arg7 : memref<128x200xi32, #tpu.memory_space<vmem>>) target_semaphore(%run_scoped3A : memref<!tpu.dma_semaphore, #tpu.memory_space<semaphore_mem>>)
      %dma_wait3A = arith.constant 0 : i32
      %dma_wait3A_173 = tpu.memref_slice %arg2[%add3A_161, %dma_wait3A] : memref<16384x200xi32, #tpu.memory_space<hbm>> -> memref<128x200xi32, #tpu.memory_space<hbm>>
      %dma_wait3A_174 = arith.constant 0 : i32
      %dma_wait3A_175 = tpu.memref_slice %arg2[%add3A_161, %dma_wait3A_174] : memref<16384x200xi32, #tpu.memory_space<hbm>> -> memref<128x200xi32, #tpu.memory_space<hbm>>
      tpu.wait_dma2 semaphore(%run_scoped3A : memref<!tpu.dma_semaphore, #tpu.memory_space<semaphore_mem>>) src(%dma_wait3A_175 : memref<128x200xi32, #tpu.memory_space<hbm>>) dst(%arg7 : memref<128x200xi32, #tpu.memory_space<vmem>>)
      tpu.yield
    }) : () -> ()
    "tpu.region"() ({
      %run_scoped3A = tpu.sem_alloc : memref<!tpu.dma_semaphore, #tpu.memory_space<semaphore_mem>>
      %dma_start3A = arith.constant 0 : i32
      %dma_start3A_170 = tpu.memref_slice %arg3[%add3A_161, %dma_start3A] : memref<16384x200xi32, #tpu.memory_space<hbm>> -> memref<128x200xi32, #tpu.memory_space<hbm>>
      %dma_start3A_171 = arith.constant 0 : i32
      %dma_start3A_172 = tpu.memref_slice %arg3[%add3A_161, %dma_start3A_171] : memref<16384x200xi32, #tpu.memory_space<hbm>> -> memref<128x200xi32, #tpu.memory_space<hbm>>
      tpu.enqueue_dma source(%dma_start3A_172 : memref<128x200xi32, #tpu.memory_space<hbm>>) target(%arg8 : memref<128x200xi32, #tpu.memory_space<vmem>>) target_semaphore(%run_scoped3A : memref<!tpu.dma_semaphore, #tpu.memory_space<semaphore_mem>>)
      %dma_wait3A = arith.constant 0 : i32
      %dma_wait3A_173 = tpu.memref_slice %arg3[%add3A_161, %dma_wait3A] : memref<16384x200xi32, #tpu.memory_space<hbm>> -> memref<128x200xi32, #tpu.memory_space<hbm>>
      %dma_wait3A_174 = arith.constant 0 : i32
      %dma_wait3A_175 = tpu.memref_slice %arg3[%add3A_161, %dma_wait3A_174] : memref<16384x200xi32, #tpu.memory_space<hbm>> -> memref<128x200xi32, #tpu.memory_space<hbm>>
      tpu.wait_dma2 semaphore(%run_scoped3A : memref<!tpu.dma_semaphore, #tpu.memory_space<semaphore_mem>>) src(%dma_wait3A_175 : memref<128x200xi32, #tpu.memory_space<hbm>>) dst(%arg8 : memref<128x200xi32, #tpu.memory_space<vmem>>)
      tpu.yield
    }) : () -> ()
    %scan3A_162 = arith.constant 5.000000e-03 : f32
    %scan3A_163 = arith.constant 0 : i32
    %scan3A_164 = arith.constant 0 : i32
    %scan3A_165 = arith.constant 8 : i32
    %scan3A_166 = arith.addi %scan3A_164, %scan3A_165 : i32
    %scan3A_167 = arith.constant 1 : i32
    %scan3A_168 = scf.for %scan3A_170 = %scan3A_164 to %scan3A_166 step %scan3A_167 iter_args(%scan3A_171 = %scan3A_163) -> (i32)  : i32 {
      %mul3A_172 = arith.constant 16 : i32
      %mul3A_173 = arith.muli %scan3A_170, %mul3A_172 : i32
      %add3A_174 = vector.broadcast %mul3A_173 : i32 to vector<16xi32>
      %add3A_175 = arith.addi %add3A_174, %iota3A : vector<16xi32>
      %swap3A = arith.constant 0 : i32
      %swap3A_176 = arith.index_cast %swap3A : i32 to index
      %swap3A_177 = arith.constant 0 : index
      %swap3A_178 = tpu.vector_load %arg11[%swap3A_176, %swap3A_177] {strides = array<i32>} : memref<16x16xf32, #tpu.memory_space<vmem>>, vector<16xf32>,
      tpu.vector_store %arg11[%swap3A_176, %swap3A_177], %broadcast_in_dim3A_130 {strides = array<i32>} : memref<16x16xf32, #tpu.memory_space<vmem>>, vector<16xf32>,
      %swap3A_179 = arith.constant 0 : i32
      %swap3A_180 = arith.index_cast %swap3A_179 : i32 to index
      %swap3A_181 = arith.constant 0 : index
      %swap3A_182 = tpu.vector_load %arg12[%swap3A_180, %swap3A_181] {strides = array<i32>} : memref<16x16xf32, #tpu.memory_space<vmem>>, vector<16xf32>,
      tpu.vector_store %arg12[%swap3A_180, %swap3A_181], %broadcast_in_dim3A_130 {strides = array<i32>} : memref<16x16xf32, #tpu.memory_space<vmem>>, vector<16xf32>,
      %swap3A_183 = arith.constant 1 : i32
      %swap3A_184 = arith.index_cast %swap3A_183 : i32 to index
      %swap3A_185 = arith.constant 0 : index
      %swap3A_186 = tpu.vector_load %arg11[%swap3A_184, %swap3A_185] {strides = array<i32>} : memref<16x16xf32, #tpu.memory_space<vmem>>, vector<16xf32>,
      tpu.vector_store %arg11[%swap3A_184, %swap3A_185], %broadcast_in_dim3A_130 {strides = array<i32>} : memref<16x16xf32, #tpu.memory_space<vmem>>, vector<16xf32>,
      %swap3A_187 = arith.constant 1 : i32
      %swap3A_188 = arith.index_cast %swap3A_187 : i32 to index
      %swap3A_189 = arith.constant 0 : index
      %swap3A_190 = tpu.vector_load %arg12[%swap3A_188, %swap3A_189] {strides = array<i32>} : memref<16x16xf32, #tpu.memory_space<vmem>>, vector<16xf32>,
      tpu.vector_store %arg12[%swap3A_188, %swap3A_189], %broadcast_in_dim3A_130 {strides = array<i32>} : memref<16x16xf32, #tpu.memory_space<vmem>>, vector<16xf32>,
      %swap3A_191 = arith.constant 2 : i32
      %swap3A_192 = arith.index_cast %swap3A_191 : i32 to index
      %swap3A_193 = arith.constant 0 : index
      %swap3A_194 = tpu.vector_load %arg11[%swap3A_192, %swap3A_193] {strides = array<i32>} : memref<16x16xf32, #tpu.memory_space<vmem>>, vector<16xf32>,
      tpu.vector_store %arg11[%swap3A_192, %swap3A_193], %broadcast_in_dim3A_130 {strides = array<i32>} : memref<16x16xf32, #tpu.memory_space<vmem>>, vector<16xf32>,
      %swap3A_195 = arith.constant 2 : i32
      %swap3A_196 = arith.index_cast %swap3A_195 : i32 to index
      %swap3A_197 = arith.constant 0 : index
      %swap3A_198 = tpu.vector_load %arg12[%swap3A_196, %swap3A_197] {strides = array<i32>} : memref<16x16xf32, #tpu.memory_space<vmem>>, vector<16xf32>,
      tpu.vector_store %arg12[%swap3A_196, %swap3A_197], %broadcast_in_dim3A_130 {strides = array<i32>} : memref<16x16xf32, #tpu.memory_space<vmem>>, vector<16xf32>,
      %swap3A_199 = arith.constant 3 : i32
      %swap3A_200 = arith.index_cast %swap3A_199 : i32 to index
      %swap3A_201 = arith.constant 0 : index
      %swap3A_202 = tpu.vector_load %arg11[%swap3A_200, %swap3A_201] {strides = array<i32>} : memref<16x16xf32, #tpu.memory_space<vmem>>, vector<16xf32>,
      tpu.vector_store %arg11[%swap3A_200, %swap3A_201], %broadcast_in_dim3A_130 {strides = array<i32>} : memref<16x16xf32, #tpu.memory_space<vmem>>, vector<16xf32>,
      %swap3A_203 = arith.constant 3 : i32
      %swap3A_204 = arith.index_cast %swap3A_203 : i32 to index
      %swap3A_205 = arith.constant 0 : index
      %swap3A_206 = tpu.vector_load %arg12[%swap3A_204, %swap3A_205] {strides = array<i32>} : memref<16x16xf32, #tpu.memory_space<vmem>>, vector<16xf32>,
      tpu.vector_store %arg12[%swap3A_204, %swap3A_205], %broadcast_in_dim3A_130 {strides = array<i32>} : memref<16x16xf32, #tpu.memory_space<vmem>>, vector<16xf32>,
      %swap3A_207 = arith.constant 4 : i32
      %swap3A_208 = arith.index_cast %swap3A_207 : i32 to index
      %swap3A_209 = arith.constant 0 : index
      %swap3A_210 = tpu.vector_load %arg11[%swap3A_208, %swap3A_209] {strides = array<i32>} : memref<16x16xf32, #tpu.memory_space<vmem>>, vector<16xf32>,
      tpu.vector_store %arg11[%swap3A_208, %swap3A_209], %broadcast_in_dim3A_130 {strides = array<i32>} : memref<16x16xf32, #tpu.memory_space<vmem>>, vector<16xf32>,
      %swap3A_211 = arith.constant 4 : i32
      %swap3A_212 = arith.index_cast %swap3A_211 : i32 to index
      %swap3A_213 = arith.constant 0 : index
      %swap3A_214 = tpu.vector_load %arg12[%swap3A_212, %swap3A_213] {strides = array<i32>} : memref<16x16xf32, #tpu.memory_space<vmem>>, vector<16xf32>,
      tpu.vector_store %arg12[%swap3A_212, %swap3A_213], %broadcast_in_dim3A_130 {strides = array<i32>} : memref<16x16xf32, #tpu.memory_space<vmem>>, vector<16xf32>,
      %swap3A_215 = arith.constant 5 : i32
      %swap3A_216 = arith.index_cast %swap3A_215 : i32 to index
      %swap3A_217 = arith.constant 0 : index
      %swap3A_218 = tpu.vector_load %arg11[%swap3A_216, %swap3A_217] {strides = array<i32>} : memref<16x16xf32, #tpu.memory_space<vmem>>, vector<16xf32>,
      tpu.vector_store %arg11[%swap3A_216, %swap3A_217], %broadcast_in_dim3A_130 {strides = array<i32>} : memref<16x16xf32, #tpu.memory_space<vmem>>, vector<16xf32>,
      %swap3A_219 = arith.constant 5 : i32
      %swap3A_220 = arith.index_cast %swap3A_219 : i32 to index
      %swap3A_221 = arith.constant 0 : index
      %swap3A_222 = tpu.vector_load %arg12[%swap3A_220, %swap3A_221] {strides = array<i32>} : memref<16x16xf32, #tpu.memory_space<vmem>>, vector<16xf32>,
      tpu.vector_store %arg12[%swap3A_220, %swap3A_221], %broadcast_in_dim3A_130 {strides = array<i32>} : memref<16x16xf32, #tpu.memory_space<vmem>>, vector<16xf32>,
      %swap3A_223 = arith.constant 6 : i32
      %swap3A_224 = arith.index_cast %swap3A_223 : i32 to index
      %swap3A_225 = arith.constant 0 : index
      %swap3A_226 = tpu.vector_load %arg11[%swap3A_224, %swap3A_225] {strides = array<i32>} : memref<16x16xf32, #tpu.memory_space<vmem>>, vector<16xf32>,
      tpu.vector_store %arg11[%swap3A_224, %swap3A_225], %broadcast_in_dim3A_130 {strides = array<i32>} : memref<16x16xf32, #tpu.memory_space<vmem>>, vector<16xf32>,
      %swap3A_227 = arith.constant 6 : i32
      %swap3A_228 = arith.index_cast %swap3A_227 : i32 to index
      %swap3A_229 = arith.constant 0 : index
      %swap3A_230 = tpu.vector_load %arg12[%swap3A_228, %swap3A_229] {strides = array<i32>} : memref<16x16xf32, #tpu.memory_space<vmem>>, vector<16xf32>,
      tpu.vector_store %arg12[%swap3A_228, %swap3A_229], %broadcast_in_dim3A_130 {strides = array<i32>} : memref<16x16xf32, #tpu.memory_space<vmem>>, vector<16xf32>,
      %swap3A_231 = arith.constant 7 : i32
      %swap3A_232 = arith.index_cast %swap3A_231 : i32 to index
      %swap3A_233 = arith.constant 0 : index
      %swap3A_234 = tpu.vector_load %arg11[%swap3A_232, %swap3A_233] {strides = array<i32>} : memref<16x16xf32, #tpu.memory_space<vmem>>, vector<16xf32>,
      tpu.vector_store %arg11[%swap3A_232, %swap3A_233], %broadcast_in_dim3A_130 {strides = array<i32>} : memref<16x16xf32, #tpu.memory_space<vmem>>, vector<16xf32>,
      %swap3A_235 = arith.constant 7 : i32
      %swap3A_236 = arith.index_cast %swap3A_235 : i32 to index
      %swap3A_237 = arith.constant 0 : index
      %swap3A_238 = tpu.vector_load %arg12[%swap3A_236, %swap3A_237] {strides = array<i32>} : memref<16x16xf32, #tpu.memory_space<vmem>>, vector<16xf32>,
      tpu.vector_store %arg12[%swap3A_236, %swap3A_237], %broadcast_in_dim3A_130 {strides = array<i32>} : memref<16x16xf32, #tpu.memory_space<vmem>>, vector<16xf32>,
      %swap3A_239 = arith.constant 8 : i32
      %swap3A_240 = arith.index_cast %swap3A_239 : i32 to index
      %swap3A_241 = arith.constant 0 : index
      %swap3A_242 = tpu.vector_load %arg11[%swap3A_240, %swap3A_241] {strides = array<i32>} : memref<16x16xf32, #tpu.memory_space<vmem>>, vector<16xf32>,
      tpu.vector_store %arg11[%swap3A_240, %swap3A_241], %broadcast_in_dim3A_130 {strides = array<i32>} : memref<16x16xf32, #tpu.memory_space<vmem>>, vector<16xf32>,
      %swap3A_243 = arith.constant 8 : i32
      %swap3A_244 = arith.index_cast %swap3A_243 : i32 to index
      %swap3A_245 = arith.constant 0 : index
      %swap3A_246 = tpu.vector_load %arg12[%swap3A_244, %swap3A_245] {strides = array<i32>} : memref<16x16xf32, #tpu.memory_space<vmem>>, vector<16xf32>,
      tpu.vector_store %arg12[%swap3A_244, %swap3A_245], %broadcast_in_dim3A_130 {strides = array<i32>} : memref<16x16xf32, #tpu.memory_space<vmem>>, vector<16xf32>,
      %swap3A_247 = arith.constant 9 : i32
      %swap3A_248 = arith.index_cast %swap3A_247 : i32 to index
      %swap3A_249 = arith.constant 0 : index
      %swap3A_250 = tpu.vector_load %arg11[%swap3A_248, %swap3A_249] {strides = array<i32>} : memref<16x16xf32, #tpu.memory_space<vmem>>, vector<16xf32>,
      tpu.vector_store %arg11[%swap3A_248, %swap3A_249], %broadcast_in_dim3A_130 {strides = array<i32>} : memref<16x16xf32, #tpu.memory_space<vmem>>, vector<16xf32>,
      %swap3A_251 = arith.constant 9 : i32
      %swap3A_252 = arith.index_cast %swap3A_251 : i32 to index
      %swap3A_253 = arith.constant 0 : index
      %swap3A_254 = tpu.vector_load %arg12[%swap3A_252, %swap3A_253] {strides = array<i32>} : memref<16x16xf32, #tpu.memory_space<vmem>>, vector<16xf32>,
      tpu.vector_store %arg12[%swap3A_252, %swap3A_253], %broadcast_in_dim3A_130 {strides = array<i32>} : memref<16x16xf32, #tpu.memory_space<vmem>>, vector<16xf32>,
      %swap3A_255 = arith.constant 10 : i32
      %swap3A_256 = arith.index_cast %swap3A_255 : i32 to index
      %swap3A_257 = arith.constant 0 : index
      %swap3A_258 = tpu.vector_load %arg11[%swap3A_256, %swap3A_257] {strides = array<i32>} : memref<16x16xf32, #tpu.memory_space<vmem>>, vector<16xf32>,
      tpu.vector_store %arg11[%swap3A_256, %swap3A_257], %broadcast_in_dim3A_130 {strides = array<i32>} : memref<16x16xf32, #tpu.memory_space<vmem>>, vector<16xf32>,
      %swap3A_259 = arith.constant 10 : i32
      %swap3A_260 = arith.index_cast %swap3A_259 : i32 to index
      %swap3A_261 = arith.constant 0 : index
      %swap3A_262 = tpu.vector_load %arg12[%swap3A_260, %swap3A_261] {strides = array<i32>} : memref<16x16xf32, #tpu.memory_space<vmem>>, vector<16xf32>,
      tpu.vector_store %arg12[%swap3A_260, %swap3A_261], %broadcast_in_dim3A_130 {strides = array<i32>} : memref<16x16xf32, #tpu.memory_space<vmem>>, vector<16xf32>,
      %swap3A_263 = arith.constant 11 : i32
      %swap3A_264 = arith.index_cast %swap3A_263 : i32 to index
      %swap3A_265 = arith.constant 0 : index
      %swap3A_266 = tpu.vector_load %arg11[%swap3A_264, %swap3A_265] {strides = array<i32>} : memref<16x16xf32, #tpu.memory_space<vmem>>, vector<16xf32>,
      tpu.vector_store %arg11[%swap3A_264, %swap3A_265], %broadcast_in_dim3A_130 {strides = array<i32>} : memref<16x16xf32, #tpu.memory_space<vmem>>, vector<16xf32>,
      %swap3A_267 = arith.constant 11 : i32
      %swap3A_268 = arith.index_cast %swap3A_267 : i32 to index
      %swap3A_269 = arith.constant 0 : index
      %swap3A_270 = tpu.vector_load %arg12[%swap3A_268, %swap3A_269] {strides = array<i32>} : memref<16x16xf32, #tpu.memory_space<vmem>>, vector<16xf32>,
      tpu.vector_store %arg12[%swap3A_268, %swap3A_269], %broadcast_in_dim3A_130 {strides = array<i32>} : memref<16x16xf32, #tpu.memory_space<vmem>>, vector<16xf32>,
      %swap3A_271 = arith.constant 12 : i32
      %swap3A_272 = arith.index_cast %swap3A_271 : i32 to index
      %swap3A_273 = arith.constant 0 : index
      %swap3A_274 = tpu.vector_load %arg11[%swap3A_272, %swap3A_273] {strides = array<i32>} : memref<16x16xf32, #tpu.memory_space<vmem>>, vector<16xf32>,
      tpu.vector_store %arg11[%swap3A_272, %swap3A_273], %broadcast_in_dim3A_130 {strides = array<i32>} : memref<16x16xf32, #tpu.memory_space<vmem>>, vector<16xf32>,
      %swap3A_275 = arith.constant 12 : i32
      %swap3A_276 = arith.index_cast %swap3A_275 : i32 to index
      %swap3A_277 = arith.constant 0 : index
      %swap3A_278 = tpu.vector_load %arg12[%swap3A_276, %swap3A_277] {strides = array<i32>} : memref<16x16xf32, #tpu.memory_space<vmem>>, vector<16xf32>,
      tpu.vector_store %arg12[%swap3A_276, %swap3A_277], %broadcast_in_dim3A_130 {strides = array<i32>} : memref<16x16xf32, #tpu.memory_space<vmem>>, vector<16xf32>,
      %swap3A_279 = arith.constant 13 : i32
      %swap3A_280 = arith.index_cast %swap3A_279 : i32 to index
      %swap3A_281 = arith.constant 0 : index
      %swap3A_282 = tpu.vector_load %arg11[%swap3A_280, %swap3A_281] {strides = array<i32>} : memref<16x16xf32, #tpu.memory_space<vmem>>, vector<16xf32>,
      tpu.vector_store %arg11[%swap3A_280, %swap3A_281], %broadcast_in_dim3A_130 {strides = array<i32>} : memref<16x16xf32, #tpu.memory_space<vmem>>, vector<16xf32>,
      %swap3A_283 = arith.constant 13 : i32
      %swap3A_284 = arith.index_cast %swap3A_283 : i32 to index
      %swap3A_285 = arith.constant 0 : index
      %swap3A_286 = tpu.vector_load %arg12[%swap3A_284, %swap3A_285] {strides = array<i32>} : memref<16x16xf32, #tpu.memory_space<vmem>>, vector<16xf32>,
      tpu.vector_store %arg12[%swap3A_284, %swap3A_285], %broadcast_in_dim3A_130 {strides = array<i32>} : memref<16x16xf32, #tpu.memory_space<vmem>>, vector<16xf32>,
      %swap3A_287 = arith.constant 14 : i32
      %swap3A_288 = arith.index_cast %swap3A_287 : i32 to index
      %swap3A_289 = arith.constant 0 : index
      %swap3A_290 = tpu.vector_load %arg11[%swap3A_288, %swap3A_289] {strides = array<i32>} : memref<16x16xf32, #tpu.memory_space<vmem>>, vector<16xf32>,
      tpu.vector_store %arg11[%swap3A_288, %swap3A_289], %broadcast_in_dim3A_130 {strides = array<i32>} : memref<16x16xf32, #tpu.memory_space<vmem>>, vector<16xf32>,
      %swap3A_291 = arith.constant 14 : i32
      %swap3A_292 = arith.index_cast %swap3A_291 : i32 to index
      %swap3A_293 = arith.constant 0 : index
      %swap3A_294 = tpu.vector_load %arg12[%swap3A_292, %swap3A_293] {strides = array<i32>} : memref<16x16xf32, #tpu.memory_space<vmem>>, vector<16xf32>,
      tpu.vector_store %arg12[%swap3A_292, %swap3A_293], %broadcast_in_dim3A_130 {strides = array<i32>} : memref<16x16xf32, #tpu.memory_space<vmem>>, vector<16xf32>,
      %swap3A_295 = arith.constant 15 : i32
      %swap3A_296 = arith.index_cast %swap3A_295 : i32 to index
      %swap3A_297 = arith.constant 0 : index
      %swap3A_298 = tpu.vector_load %arg11[%swap3A_296, %swap3A_297] {strides = array<i32>} : memref<16x16xf32, #tpu.memory_space<vmem>>, vector<16xf32>,
      tpu.vector_store %arg11[%swap3A_296, %swap3A_297], %broadcast_in_dim3A_130 {strides = array<i32>} : memref<16x16xf32, #tpu.memory_space<vmem>>, vector<16xf32>,
      %swap3A_299 = arith.constant 15 : i32
      %swap3A_300 = arith.index_cast %swap3A_299 : i32 to index
      %swap3A_301 = arith.constant 0 : index
      %swap3A_302 = tpu.vector_load %arg12[%swap3A_300, %swap3A_301] {strides = array<i32>} : memref<16x16xf32, #tpu.memory_space<vmem>>, vector<16xf32>,
      tpu.vector_store %arg12[%swap3A_300, %swap3A_301], %broadcast_in_dim3A_130 {strides = array<i32>} : memref<16x16xf32, #tpu.memory_space<vmem>>, vector<16xf32>,
      %scan3A_303 = arith.constant 0 : i32
      %scan3A_304 = arith.constant 0 : i32
      %scan3A_305 = arith.constant 25 : i32
      %scan3A_306 = arith.addi %scan3A_304, %scan3A_305 : i32
      %scan3A_307 = arith.constant 1 : i32
      %scan3A_308 = scf.for %scan3A_548 = %scan3A_304 to %scan3A_306 step %scan3A_307 iter_args(%scan3A_549 = %scan3A_303) -> (i32)  : i32 {
        %mul3A_550 = arith.constant 8 : i32
        %mul3A_551 = arith.muli %scan3A_548, %mul3A_550 : i32
        %add3A_552 = arith.constant 0 : i32
        %add3A_553 = arith.addi %mul3A_551, %add3A_552 : i32
        %broadcast_in_dim3A_554 = vector.broadcast %add3A_553 : i32 to vector<16xi32>
        %gather3A_555 = tpu.vector_load_idx %arg7[%add3A_175, %broadcast_in_dim3A_554] : memref<128x200xi32, #tpu.memory_space<vmem>>[vector<16xi32>, vector<16xi32>], vector<16xi32>,
        %gather3A_556 = tpu.vector_load_idx %arg8[%add3A_175, %broadcast_in_dim3A_554] : memref<128x200xi32, #tpu.memory_space<vmem>>[vector<16xi32>, vector<16xi32>], vector<16xi32>,
        tpu.vector_store_idx %arg11[%iota3A, %gather3A_555], %broadcast_in_dim3A_128 {add = true} : memref<16x16xf32, #tpu.memory_space<vmem>>[vector<16xi32>, vector<16xi32>], vector<16xf32>,
        tpu.vector_store_idx %arg12[%iota3A, %gather3A_556], %broadcast_in_dim3A_128 {add = true} : memref<16x16xf32, #tpu.memory_space<vmem>>[vector<16xi32>, vector<16xi32>], vector<16xf32>,
        %mul3A_557 = arith.constant 8 : i32
        %mul3A_558 = arith.muli %scan3A_548, %mul3A_557 : i32
        %add3A_559 = arith.constant 1 : i32
        %add3A_560 = arith.addi %mul3A_558, %add3A_559 : i32
        %broadcast_in_dim3A_561 = vector.broadcast %add3A_560 : i32 to vector<16xi32>
        %gather3A_562 = tpu.vector_load_idx %arg7[%add3A_175, %broadcast_in_dim3A_561] : memref<128x200xi32, #tpu.memory_space<vmem>>[vector<16xi32>, vector<16xi32>], vector<16xi32>,
        %gather3A_563 = tpu.vector_load_idx %arg8[%add3A_175, %broadcast_in_dim3A_561] : memref<128x200xi32, #tpu.memory_space<vmem>>[vector<16xi32>, vector<16xi32>], vector<16xi32>,
        tpu.vector_store_idx %arg11[%iota3A, %gather3A_562], %broadcast_in_dim3A_128 {add = true} : memref<16x16xf32, #tpu.memory_space<vmem>>[vector<16xi32>, vector<16xi32>], vector<16xf32>,
        tpu.vector_store_idx %arg12[%iota3A, %gather3A_563], %broadcast_in_dim3A_128 {add = true} : memref<16x16xf32, #tpu.memory_space<vmem>>[vector<16xi32>, vector<16xi32>], vector<16xf32>,
        %mul3A_564 = arith.constant 8 : i32
        %mul3A_565 = arith.muli %scan3A_548, %mul3A_564 : i32
        %add3A_566 = arith.constant 2 : i32
        %add3A_567 = arith.addi %mul3A_565, %add3A_566 : i32
        %broadcast_in_dim3A_568 = vector.broadcast %add3A_567 : i32 to vector<16xi32>
        %gather3A_569 = tpu.vector_load_idx %arg7[%add3A_175, %broadcast_in_dim3A_568] : memref<128x200xi32, #tpu.memory_space<vmem>>[vector<16xi32>, vector<16xi32>], vector<16xi32>,
        %gather3A_570 = tpu.vector_load_idx %arg8[%add3A_175, %broadcast_in_dim3A_568] : memref<128x200xi32, #tpu.memory_space<vmem>>[vector<16xi32>, vector<16xi32>], vector<16xi32>,
        tpu.vector_store_idx %arg11[%iota3A, %gather3A_569], %broadcast_in_dim3A_128 {add = true} : memref<16x16xf32, #tpu.memory_space<vmem>>[vector<16xi32>, vector<16xi32>], vector<16xf32>,
        tpu.vector_store_idx %arg12[%iota3A, %gather3A_570], %broadcast_in_dim3A_128 {add = true} : memref<16x16xf32, #tpu.memory_space<vmem>>[vector<16xi32>, vector<16xi32>], vector<16xf32>,
        %mul3A_571 = arith.constant 8 : i32
        %mul3A_572 = arith.muli %scan3A_548, %mul3A_571 : i32
        %add3A_573 = arith.constant 3 : i32
        %add3A_574 = arith.addi %mul3A_572, %add3A_573 : i32
        %broadcast_in_dim3A_575 = vector.broadcast %add3A_574 : i32 to vector<16xi32>
        %gather3A_576 = tpu.vector_load_idx %arg7[%add3A_175, %broadcast_in_dim3A_575] : memref<128x200xi32, #tpu.memory_space<vmem>>[vector<16xi32>, vector<16xi32>], vector<16xi32>,
        %gather3A_577 = tpu.vector_load_idx %arg8[%add3A_175, %broadcast_in_dim3A_575] : memref<128x200xi32, #tpu.memory_space<vmem>>[vector<16xi32>, vector<16xi32>], vector<16xi32>,
        tpu.vector_store_idx %arg11[%iota3A, %gather3A_576], %broadcast_in_dim3A_128 {add = true} : memref<16x16xf32, #tpu.memory_space<vmem>>[vector<16xi32>, vector<16xi32>], vector<16xf32>,
        tpu.vector_store_idx %arg12[%iota3A, %gather3A_577], %broadcast_in_dim3A_128 {add = true} : memref<16x16xf32, #tpu.memory_space<vmem>>[vector<16xi32>, vector<16xi32>], vector<16xf32>,
        %mul3A_578 = arith.constant 8 : i32
        %mul3A_579 = arith.muli %scan3A_548, %mul3A_578 : i32
        %add3A_580 = arith.constant 4 : i32
        %add3A_581 = arith.addi %mul3A_579, %add3A_580 : i32
        %broadcast_in_dim3A_582 = vector.broadcast %add3A_581 : i32 to vector<16xi32>
        %gather3A_583 = tpu.vector_load_idx %arg7[%add3A_175, %broadcast_in_dim3A_582] : memref<128x200xi32, #tpu.memory_space<vmem>>[vector<16xi32>, vector<16xi32>], vector<16xi32>,
        %gather3A_584 = tpu.vector_load_idx %arg8[%add3A_175, %broadcast_in_dim3A_582] : memref<128x200xi32, #tpu.memory_space<vmem>>[vector<16xi32>, vector<16xi32>], vector<16xi32>,
        tpu.vector_store_idx %arg11[%iota3A, %gather3A_583], %broadcast_in_dim3A_128 {add = true} : memref<16x16xf32, #tpu.memory_space<vmem>>[vector<16xi32>, vector<16xi32>], vector<16xf32>,
        tpu.vector_store_idx %arg12[%iota3A, %gather3A_584], %broadcast_in_dim3A_128 {add = true} : memref<16x16xf32, #tpu.memory_space<vmem>>[vector<16xi32>, vector<16xi32>], vector<16xf32>,
        %mul3A_585 = arith.constant 8 : i32
        %mul3A_586 = arith.muli %scan3A_548, %mul3A_585 : i32
        %add3A_587 = arith.constant 5 : i32
        %add3A_588 = arith.addi %mul3A_586, %add3A_587 : i32
        %broadcast_in_dim3A_589 = vector.broadcast %add3A_588 : i32 to vector<16xi32>
        %gather3A_590 = tpu.vector_load_idx %arg7[%add3A_175, %broadcast_in_dim3A_589] : memref<128x200xi32, #tpu.memory_space<vmem>>[vector<16xi32>, vector<16xi32>], vector<16xi32>,
        %gather3A_591 = tpu.vector_load_idx %arg8[%add3A_175, %broadcast_in_dim3A_589] : memref<128x200xi32, #tpu.memory_space<vmem>>[vector<16xi32>, vector<16xi32>], vector<16xi32>,
        tpu.vector_store_idx %arg11[%iota3A, %gather3A_590], %broadcast_in_dim3A_128 {add = true} : memref<16x16xf32, #tpu.memory_space<vmem>>[vector<16xi32>, vector<16xi32>], vector<16xf32>,
        tpu.vector_store_idx %arg12[%iota3A, %gather3A_591], %broadcast_in_dim3A_128 {add = true} : memref<16x16xf32, #tpu.memory_space<vmem>>[vector<16xi32>, vector<16xi32>], vector<16xf32>,
        %mul3A_592 = arith.constant 8 : i32
        %mul3A_593 = arith.muli %scan3A_548, %mul3A_592 : i32
        %add3A_594 = arith.constant 6 : i32
        %add3A_595 = arith.addi %mul3A_593, %add3A_594 : i32
        %broadcast_in_dim3A_596 = vector.broadcast %add3A_595 : i32 to vector<16xi32>
        %gather3A_597 = tpu.vector_load_idx %arg7[%add3A_175, %broadcast_in_dim3A_596] : memref<128x200xi32, #tpu.memory_space<vmem>>[vector<16xi32>, vector<16xi32>], vector<16xi32>,
        %gather3A_598 = tpu.vector_load_idx %arg8[%add3A_175, %broadcast_in_dim3A_596] : memref<128x200xi32, #tpu.memory_space<vmem>>[vector<16xi32>, vector<16xi32>], vector<16xi32>,
        tpu.vector_store_idx %arg11[%iota3A, %gather3A_597], %broadcast_in_dim3A_128 {add = true} : memref<16x16xf32, #tpu.memory_space<vmem>>[vector<16xi32>, vector<16xi32>], vector<16xf32>,
        tpu.vector_store_idx %arg12[%iota3A, %gather3A_598], %broadcast_in_dim3A_128 {add = true} : memref<16x16xf32, #tpu.memory_space<vmem>>[vector<16xi32>, vector<16xi32>], vector<16xf32>,
        %mul3A_599 = arith.constant 8 : i32
        %mul3A_600 = arith.muli %scan3A_548, %mul3A_599 : i32
        %add3A_601 = arith.constant 7 : i32
        %add3A_602 = arith.addi %mul3A_600, %add3A_601 : i32
        %broadcast_in_dim3A_603 = vector.broadcast %add3A_602 : i32 to vector<16xi32>
        %gather3A_604 = tpu.vector_load_idx %arg7[%add3A_175, %broadcast_in_dim3A_603] : memref<128x200xi32, #tpu.memory_space<vmem>>[vector<16xi32>, vector<16xi32>], vector<16xi32>,
        %gather3A_605 = tpu.vector_load_idx %arg8[%add3A_175, %broadcast_in_dim3A_603] : memref<128x200xi32, #tpu.memory_space<vmem>>[vector<16xi32>, vector<16xi32>], vector<16xi32>,
        tpu.vector_store_idx %arg11[%iota3A, %gather3A_604], %broadcast_in_dim3A_128 {add = true} : memref<16x16xf32, #tpu.memory_space<vmem>>[vector<16xi32>, vector<16xi32>], vector<16xf32>,
        tpu.vector_store_idx %arg12[%iota3A, %gather3A_605], %broadcast_in_dim3A_128 {add = true} : memref<16x16xf32, #tpu.memory_space<vmem>>[vector<16xi32>, vector<16xi32>], vector<16xf32>,
        %scan3A_606 = arith.constant 0 : i32
        scf.yield %scan3A_606 : i32
      }
      %scan3A_309 = arith.constant 25 : i32
      %broadcast_in_dim3A_310 = arith.constant 0 : i32
      %broadcast_in_dim3A_311 = vector.broadcast %broadcast_in_dim3A_310 : i32 to vector<16xi32>
      %gather3A = tpu.vector_load_idx %arg11[%iota3A, %broadcast_in_dim3A_311] : memref<16x16xf32, #tpu.memory_space<vmem>>[vector<16xi32>, vector<16xi32>], vector<16xf32>,
      %gather3A_312 = tpu.vector_load_idx %arg12[%iota3A, %broadcast_in_dim3A_311] : memref<16x16xf32, #tpu.memory_space<vmem>>[vector<16xi32>, vector<16xi32>], vector<16xf32>,
      %mul3A_313 = vector.broadcast %squeeze3A : f32 to vector<16xf32>
      %mul3A_314 = arith.mulf %gather3A, %mul3A_313 : vector<16xf32>
      %add3A_315 = arith.addf %broadcast_in_dim3A_130, %mul3A_314 : vector<16xf32>
      %mul3A_316 = vector.broadcast %squeeze3A_69 : f32 to vector<16xf32>
      %mul3A_317 = arith.mulf %gather3A_312, %mul3A_316 : vector<16xf32>
      %add3A_318 = arith.addf %add3A_315, %mul3A_317 : vector<16xf32>
      %mul3A_319 = vector.broadcast %squeeze3A_11 : f32 to vector<16xf32>
      %mul3A_320 = arith.mulf %gather3A, %mul3A_319 : vector<16xf32>
      %add3A_321 = arith.addf %broadcast_in_dim3A_130, %mul3A_320 : vector<16xf32>
      %mul3A_322 = vector.broadcast %squeeze3A_71 : f32 to vector<16xf32>
      %mul3A_323 = arith.mulf %gather3A_312, %mul3A_322 : vector<16xf32>
      %add3A_324 = arith.addf %add3A_321, %mul3A_323 : vector<16xf32>
      %mul3A_325 = vector.broadcast %squeeze3A_13 : f32 to vector<16xf32>
      %mul3A_326 = arith.mulf %gather3A, %mul3A_325 : vector<16xf32>
      %add3A_327 = arith.addf %broadcast_in_dim3A_130, %mul3A_326 : vector<16xf32>
      %mul3A_328 = vector.broadcast %squeeze3A_73 : f32 to vector<16xf32>
      %mul3A_329 = arith.mulf %gather3A_312, %mul3A_328 : vector<16xf32>
      %add3A_330 = arith.addf %add3A_327, %mul3A_329 : vector<16xf32>
      %broadcast_in_dim3A_331 = arith.constant 1 : i32
      %broadcast_in_dim3A_332 = vector.broadcast %broadcast_in_dim3A_331 : i32 to vector<16xi32>
      %gather3A_333 = tpu.vector_load_idx %arg11[%iota3A, %broadcast_in_dim3A_332] : memref<16x16xf32, #tpu.memory_space<vmem>>[vector<16xi32>, vector<16xi32>], vector<16xf32>,
      %gather3A_334 = tpu.vector_load_idx %arg12[%iota3A, %broadcast_in_dim3A_332] : memref<16x16xf32, #tpu.memory_space<vmem>>[vector<16xi32>, vector<16xi32>], vector<16xf32>,
      %mul3A_335 = vector.broadcast %squeeze3A_15 : f32 to vector<16xf32>
      %mul3A_336 = arith.mulf %gather3A_333, %mul3A_335 : vector<16xf32>
      %add3A_337 = arith.addf %add3A_318, %mul3A_336 : vector<16xf32>
      %mul3A_338 = vector.broadcast %squeeze3A_75 : f32 to vector<16xf32>
      %mul3A_339 = arith.mulf %gather3A_334, %mul3A_338 : vector<16xf32>
      %add3A_340 = arith.addf %add3A_337, %mul3A_339 : vector<16xf32>
      %mul3A_341 = vector.broadcast %squeeze3A_17 : f32 to vector<16xf32>
      %mul3A_342 = arith.mulf %gather3A_333, %mul3A_341 : vector<16xf32>
      %add3A_343 = arith.addf %add3A_324, %mul3A_342 : vector<16xf32>
      %mul3A_344 = vector.broadcast %squeeze3A_77 : f32 to vector<16xf32>
      %mul3A_345 = arith.mulf %gather3A_334, %mul3A_344 : vector<16xf32>
      %add3A_346 = arith.addf %add3A_343, %mul3A_345 : vector<16xf32>
      %mul3A_347 = vector.broadcast %squeeze3A_19 : f32 to vector<16xf32>
      %mul3A_348 = arith.mulf %gather3A_333, %mul3A_347 : vector<16xf32>
      %add3A_349 = arith.addf %add3A_330, %mul3A_348 : vector<16xf32>
      %mul3A_350 = vector.broadcast %squeeze3A_79 : f32 to vector<16xf32>
      %mul3A_351 = arith.mulf %gather3A_334, %mul3A_350 : vector<16xf32>
      %add3A_352 = arith.addf %add3A_349, %mul3A_351 : vector<16xf32>
      %broadcast_in_dim3A_353 = arith.constant 2 : i32
      %broadcast_in_dim3A_354 = vector.broadcast %broadcast_in_dim3A_353 : i32 to vector<16xi32>
      %gather3A_355 = tpu.vector_load_idx %arg11[%iota3A, %broadcast_in_dim3A_354] : memref<16x16xf32, #tpu.memory_space<vmem>>[vector<16xi32>, vector<16xi32>], vector<16xf32>,
      %gather3A_356 = tpu.vector_load_idx %arg12[%iota3A, %broadcast_in_dim3A_354] : memref<16x16xf32, #tpu.memory_space<vmem>>[vector<16xi32>, vector<16xi32>], vector<16xf32>,
      %mul3A_357 = vector.broadcast %squeeze3A_21 : f32 to vector<16xf32>
      %mul3A_358 = arith.mulf %gather3A_355, %mul3A_357 : vector<16xf32>
      %add3A_359 = arith.addf %add3A_340, %mul3A_358 : vector<16xf32>
      %mul3A_360 = vector.broadcast %squeeze3A_81 : f32 to vector<16xf32>
      %mul3A_361 = arith.mulf %gather3A_356, %mul3A_360 : vector<16xf32>
      %add3A_362 = arith.addf %add3A_359, %mul3A_361 : vector<16xf32>
      %mul3A_363 = vector.broadcast %squeeze3A_23 : f32 to vector<16xf32>
      %mul3A_364 = arith.mulf %gather3A_355, %mul3A_363 : vector<16xf32>
      %add3A_365 = arith.addf %add3A_346, %mul3A_364 : vector<16xf32>
      %mul3A_366 = vector.broadcast %squeeze3A_83 : f32 to vector<16xf32>
      %mul3A_367 = arith.mulf %gather3A_356, %mul3A_366 : vector<16xf32>
      %add3A_368 = arith.addf %add3A_365, %mul3A_367 : vector<16xf32>
      %mul3A_369 = vector.broadcast %squeeze3A_25 : f32 to vector<16xf32>
      %mul3A_370 = arith.mulf %gather3A_355, %mul3A_369 : vector<16xf32>
      %add3A_371 = arith.addf %add3A_352, %mul3A_370 : vector<16xf32>
      %mul3A_372 = vector.broadcast %squeeze3A_85 : f32 to vector<16xf32>
      %mul3A_373 = arith.mulf %gather3A_356, %mul3A_372 : vector<16xf32>
      %add3A_374 = arith.addf %add3A_371, %mul3A_373 : vector<16xf32>
      %broadcast_in_dim3A_375 = arith.constant 3 : i32
      %broadcast_in_dim3A_376 = vector.broadcast %broadcast_in_dim3A_375 : i32 to vector<16xi32>
      %gather3A_377 = tpu.vector_load_idx %arg11[%iota3A, %broadcast_in_dim3A_376] : memref<16x16xf32, #tpu.memory_space<vmem>>[vector<16xi32>, vector<16xi32>], vector<16xf32>,
      %gather3A_378 = tpu.vector_load_idx %arg12[%iota3A, %broadcast_in_dim3A_376] : memref<16x16xf32, #tpu.memory_space<vmem>>[vector<16xi32>, vector<16xi32>], vector<16xf32>,
      %mul3A_379 = vector.broadcast %squeeze3A_27 : f32 to vector<16xf32>
      %mul3A_380 = arith.mulf %gather3A_377, %mul3A_379 : vector<16xf32>
      %add3A_381 = arith.addf %add3A_362, %mul3A_380 : vector<16xf32>
      %mul3A_382 = vector.broadcast %squeeze3A_87 : f32 to vector<16xf32>
      %mul3A_383 = arith.mulf %gather3A_378, %mul3A_382 : vector<16xf32>
      %add3A_384 = arith.addf %add3A_381, %mul3A_383 : vector<16xf32>
      %mul3A_385 = vector.broadcast %squeeze3A_29 : f32 to vector<16xf32>
      %mul3A_386 = arith.mulf %gather3A_377, %mul3A_385 : vector<16xf32>
      %add3A_387 = arith.addf %add3A_368, %mul3A_386 : vector<16xf32>
      %mul3A_388 = vector.broadcast %squeeze3A_89 : f32 to vector<16xf32>
      %mul3A_389 = arith.mulf %gather3A_378, %mul3A_388 : vector<16xf32>
      %add3A_390 = arith.addf %add3A_387, %mul3A_389 : vector<16xf32>
      %mul3A_391 = vector.broadcast %squeeze3A_31 : f32 to vector<16xf32>
      %mul3A_392 = arith.mulf %gather3A_377, %mul3A_391 : vector<16xf32>
      %add3A_393 = arith.addf %add3A_374, %mul3A_392 : vector<16xf32>
      %mul3A_394 = vector.broadcast %squeeze3A_91 : f32 to vector<16xf32>
      %mul3A_395 = arith.mulf %gather3A_378, %mul3A_394 : vector<16xf32>
      %add3A_396 = arith.addf %add3A_393, %mul3A_395 : vector<16xf32>
      %broadcast_in_dim3A_397 = arith.constant 4 : i32
      %broadcast_in_dim3A_398 = vector.broadcast %broadcast_in_dim3A_397 : i32 to vector<16xi32>
      %gather3A_399 = tpu.vector_load_idx %arg11[%iota3A, %broadcast_in_dim3A_398] : memref<16x16xf32, #tpu.memory_space<vmem>>[vector<16xi32>, vector<16xi32>], vector<16xf32>,
      %gather3A_400 = tpu.vector_load_idx %arg12[%iota3A, %broadcast_in_dim3A_398] : memref<16x16xf32, #tpu.memory_space<vmem>>[vector<16xi32>, vector<16xi32>], vector<16xf32>,
      %mul3A_401 = vector.broadcast %squeeze3A_33 : f32 to vector<16xf32>
      %mul3A_402 = arith.mulf %gather3A_399, %mul3A_401 : vector<16xf32>
      %add3A_403 = arith.addf %add3A_384, %mul3A_402 : vector<16xf32>
      %mul3A_404 = vector.broadcast %squeeze3A_93 : f32 to vector<16xf32>
      %mul3A_405 = arith.mulf %gather3A_400, %mul3A_404 : vector<16xf32>
      %add3A_406 = arith.addf %add3A_403, %mul3A_405 : vector<16xf32>
      %mul3A_407 = vector.broadcast %squeeze3A_35 : f32 to vector<16xf32>
      %mul3A_408 = arith.mulf %gather3A_399, %mul3A_407 : vector<16xf32>
      %add3A_409 = arith.addf %add3A_390, %mul3A_408 : vector<16xf32>
      %mul3A_410 = vector.broadcast %squeeze3A_95 : f32 to vector<16xf32>
      %mul3A_411 = arith.mulf %gather3A_400, %mul3A_410 : vector<16xf32>
      %add3A_412 = arith.addf %add3A_409, %mul3A_411 : vector<16xf32>
      %mul3A_413 = vector.broadcast %squeeze3A_37 : f32 to vector<16xf32>
      %mul3A_414 = arith.mulf %gather3A_399, %mul3A_413 : vector<16xf32>
      %add3A_415 = arith.addf %add3A_396, %mul3A_414 : vector<16xf32>
      %mul3A_416 = vector.broadcast %squeeze3A_97 : f32 to vector<16xf32>
      %mul3A_417 = arith.mulf %gather3A_400, %mul3A_416 : vector<16xf32>
      %add3A_418 = arith.addf %add3A_415, %mul3A_417 : vector<16xf32>
      %broadcast_in_dim3A_419 = arith.constant 5 : i32
      %broadcast_in_dim3A_420 = vector.broadcast %broadcast_in_dim3A_419 : i32 to vector<16xi32>
      %gather3A_421 = tpu.vector_load_idx %arg11[%iota3A, %broadcast_in_dim3A_420] : memref<16x16xf32, #tpu.memory_space<vmem>>[vector<16xi32>, vector<16xi32>], vector<16xf32>,
      %gather3A_422 = tpu.vector_load_idx %arg12[%iota3A, %broadcast_in_dim3A_420] : memref<16x16xf32, #tpu.memory_space<vmem>>[vector<16xi32>, vector<16xi32>], vector<16xf32>,
      %mul3A_423 = vector.broadcast %squeeze3A_39 : f32 to vector<16xf32>
      %mul3A_424 = arith.mulf %gather3A_421, %mul3A_423 : vector<16xf32>
      %add3A_425 = arith.addf %add3A_406, %mul3A_424 : vector<16xf32>
      %mul3A_426 = vector.broadcast %squeeze3A_99 : f32 to vector<16xf32>
      %mul3A_427 = arith.mulf %gather3A_422, %mul3A_426 : vector<16xf32>
      %add3A_428 = arith.addf %add3A_425, %mul3A_427 : vector<16xf32>
      %mul3A_429 = vector.broadcast %squeeze3A_41 : f32 to vector<16xf32>
      %mul3A_430 = arith.mulf %gather3A_421, %mul3A_429 : vector<16xf32>
      %add3A_431 = arith.addf %add3A_412, %mul3A_430 : vector<16xf32>
      %mul3A_432 = vector.broadcast %squeeze3A_101 : f32 to vector<16xf32>
      %mul3A_433 = arith.mulf %gather3A_422, %mul3A_432 : vector<16xf32>
      %add3A_434 = arith.addf %add3A_431, %mul3A_433 : vector<16xf32>
      %mul3A_435 = vector.broadcast %squeeze3A_43 : f32 to vector<16xf32>
      %mul3A_436 = arith.mulf %gather3A_421, %mul3A_435 : vector<16xf32>
      %add3A_437 = arith.addf %add3A_418, %mul3A_436 : vector<16xf32>
      %mul3A_438 = vector.broadcast %squeeze3A_103 : f32 to vector<16xf32>
      %mul3A_439 = arith.mulf %gather3A_422, %mul3A_438 : vector<16xf32>
      %add3A_440 = arith.addf %add3A_437, %mul3A_439 : vector<16xf32>
      %broadcast_in_dim3A_441 = arith.constant 6 : i32
      %broadcast_in_dim3A_442 = vector.broadcast %broadcast_in_dim3A_441 : i32 to vector<16xi32>
      %gather3A_443 = tpu.vector_load_idx %arg11[%iota3A, %broadcast_in_dim3A_442] : memref<16x16xf32, #tpu.memory_space<vmem>>[vector<16xi32>, vector<16xi32>], vector<16xf32>,
      %gather3A_444 = tpu.vector_load_idx %arg12[%iota3A, %broadcast_in_dim3A_442] : memref<16x16xf32, #tpu.memory_space<vmem>>[vector<16xi32>, vector<16xi32>], vector<16xf32>,
      %mul3A_445 = vector.broadcast %squeeze3A_45 : f32 to vector<16xf32>
      %mul3A_446 = arith.mulf %gather3A_443, %mul3A_445 : vector<16xf32>
      %add3A_447 = arith.addf %add3A_428, %mul3A_446 : vector<16xf32>
      %mul3A_448 = vector.broadcast %squeeze3A_105 : f32 to vector<16xf32>
      %mul3A_449 = arith.mulf %gather3A_444, %mul3A_448 : vector<16xf32>
      %add3A_450 = arith.addf %add3A_447, %mul3A_449 : vector<16xf32>
      %mul3A_451 = vector.broadcast %squeeze3A_47 : f32 to vector<16xf32>
      %mul3A_452 = arith.mulf %gather3A_443, %mul3A_451 : vector<16xf32>
      %add3A_453 = arith.addf %add3A_434, %mul3A_452 : vector<16xf32>
      %mul3A_454 = vector.broadcast %squeeze3A_107 : f32 to vector<16xf32>
      %mul3A_455 = arith.mulf %gather3A_444, %mul3A_454 : vector<16xf32>
      %add3A_456 = arith.addf %add3A_453, %mul3A_455 : vector<16xf32>
      %mul3A_457 = vector.broadcast %squeeze3A_49 : f32 to vector<16xf32>
      %mul3A_458 = arith.mulf %gather3A_443, %mul3A_457 : vector<16xf32>
      %add3A_459 = arith.addf %add3A_440, %mul3A_458 : vector<16xf32>
      %mul3A_460 = vector.broadcast %squeeze3A_109 : f32 to vector<16xf32>
      %mul3A_461 = arith.mulf %gather3A_444, %mul3A_460 : vector<16xf32>
      %add3A_462 = arith.addf %add3A_459, %mul3A_461 : vector<16xf32>
      %broadcast_in_dim3A_463 = arith.constant 7 : i32
      %broadcast_in_dim3A_464 = vector.broadcast %broadcast_in_dim3A_463 : i32 to vector<16xi32>
      %gather3A_465 = tpu.vector_load_idx %arg11[%iota3A, %broadcast_in_dim3A_464] : memref<16x16xf32, #tpu.memory_space<vmem>>[vector<16xi32>, vector<16xi32>], vector<16xf32>,
      %gather3A_466 = tpu.vector_load_idx %arg12[%iota3A, %broadcast_in_dim3A_464] : memref<16x16xf32, #tpu.memory_space<vmem>>[vector<16xi32>, vector<16xi32>], vector<16xf32>,
      %mul3A_467 = vector.broadcast %squeeze3A_51 : f32 to vector<16xf32>
      %mul3A_468 = arith.mulf %gather3A_465, %mul3A_467 : vector<16xf32>
      %add3A_469 = arith.addf %add3A_450, %mul3A_468 : vector<16xf32>
      %mul3A_470 = vector.broadcast %squeeze3A_111 : f32 to vector<16xf32>
      %mul3A_471 = arith.mulf %gather3A_466, %mul3A_470 : vector<16xf32>
      %add3A_472 = arith.addf %add3A_469, %mul3A_471 : vector<16xf32>
      %mul3A_473 = vector.broadcast %squeeze3A_53 : f32 to vector<16xf32>
      %mul3A_474 = arith.mulf %gather3A_465, %mul3A_473 : vector<16xf32>
      %add3A_475 = arith.addf %add3A_456, %mul3A_474 : vector<16xf32>
      %mul3A_476 = vector.broadcast %squeeze3A_113 : f32 to vector<16xf32>
      %mul3A_477 = arith.mulf %gather3A_466, %mul3A_476 : vector<16xf32>
      %add3A_478 = arith.addf %add3A_475, %mul3A_477 : vector<16xf32>
      %mul3A_479 = vector.broadcast %squeeze3A_55 : f32 to vector<16xf32>
      %mul3A_480 = arith.mulf %gather3A_465, %mul3A_479 : vector<16xf32>
      %add3A_481 = arith.addf %add3A_462, %mul3A_480 : vector<16xf32>
      %mul3A_482 = vector.broadcast %squeeze3A_115 : f32 to vector<16xf32>
      %mul3A_483 = arith.mulf %gather3A_466, %mul3A_482 : vector<16xf32>
      %add3A_484 = arith.addf %add3A_481, %mul3A_483 : vector<16xf32>
      %broadcast_in_dim3A_485 = arith.constant 8 : i32
      %broadcast_in_dim3A_486 = vector.broadcast %broadcast_in_dim3A_485 : i32 to vector<16xi32>
      %gather3A_487 = tpu.vector_load_idx %arg11[%iota3A, %broadcast_in_dim3A_486] : memref<16x16xf32, #tpu.memory_space<vmem>>[vector<16xi32>, vector<16xi32>], vector<16xf32>,
      %gather3A_488 = tpu.vector_load_idx %arg12[%iota3A, %broadcast_in_dim3A_486] : memref<16x16xf32, #tpu.memory_space<vmem>>[vector<16xi32>, vector<16xi32>], vector<16xf32>,
      %mul3A_489 = vector.broadcast %squeeze3A_57 : f32 to vector<16xf32>
      %mul3A_490 = arith.mulf %gather3A_487, %mul3A_489 : vector<16xf32>
      %add3A_491 = arith.addf %add3A_472, %mul3A_490 : vector<16xf32>
      %mul3A_492 = vector.broadcast %squeeze3A_117 : f32 to vector<16xf32>
      %mul3A_493 = arith.mulf %gather3A_488, %mul3A_492 : vector<16xf32>
      %add3A_494 = arith.addf %add3A_491, %mul3A_493 : vector<16xf32>
      %mul3A_495 = vector.broadcast %squeeze3A_59 : f32 to vector<16xf32>
      %mul3A_496 = arith.mulf %gather3A_487, %mul3A_495 : vector<16xf32>
      %add3A_497 = arith.addf %add3A_478, %mul3A_496 : vector<16xf32>
      %mul3A_498 = vector.broadcast %squeeze3A_119 : f32 to vector<16xf32>
      %mul3A_499 = arith.mulf %gather3A_488, %mul3A_498 : vector<16xf32>
      %add3A_500 = arith.addf %add3A_497, %mul3A_499 : vector<16xf32>
      %mul3A_501 = vector.broadcast %squeeze3A_61 : f32 to vector<16xf32>
      %mul3A_502 = arith.mulf %gather3A_487, %mul3A_501 : vector<16xf32>
      %add3A_503 = arith.addf %add3A_484, %mul3A_502 : vector<16xf32>
      %mul3A_504 = vector.broadcast %squeeze3A_121 : f32 to vector<16xf32>
      %mul3A_505 = arith.mulf %gather3A_488, %mul3A_504 : vector<16xf32>
      %add3A_506 = arith.addf %add3A_503, %mul3A_505 : vector<16xf32>
      %broadcast_in_dim3A_507 = arith.constant 9 : i32
      %broadcast_in_dim3A_508 = vector.broadcast %broadcast_in_dim3A_507 : i32 to vector<16xi32>
      %gather3A_509 = tpu.vector_load_idx %arg11[%iota3A, %broadcast_in_dim3A_508] : memref<16x16xf32, #tpu.memory_space<vmem>>[vector<16xi32>, vector<16xi32>], vector<16xf32>,
      %gather3A_510 = tpu.vector_load_idx %arg12[%iota3A, %broadcast_in_dim3A_508] : memref<16x16xf32, #tpu.memory_space<vmem>>[vector<16xi32>, vector<16xi32>], vector<16xf32>,
      %mul3A_511 = vector.broadcast %squeeze3A_63 : f32 to vector<16xf32>
      %mul3A_512 = arith.mulf %gather3A_509, %mul3A_511 : vector<16xf32>
      %add3A_513 = arith.addf %add3A_494, %mul3A_512 : vector<16xf32>
      %mul3A_514 = vector.broadcast %squeeze3A_123 : f32 to vector<16xf32>
      %mul3A_515 = arith.mulf %gather3A_510, %mul3A_514 : vector<16xf32>
      %add3A_516 = arith.addf %add3A_513, %mul3A_515 : vector<16xf32>
      %mul3A_517 = vector.broadcast %squeeze3A_65 : f32 to vector<16xf32>
      %mul3A_518 = arith.mulf %gather3A_509, %mul3A_517 : vector<16xf32>
      %add3A_519 = arith.addf %add3A_500, %mul3A_518 : vector<16xf32>
      %mul3A_520 = vector.broadcast %squeeze3A_125 : f32 to vector<16xf32>
      %mul3A_521 = arith.mulf %gather3A_510, %mul3A_520 : vector<16xf32>
      %add3A_522 = arith.addf %add3A_519, %mul3A_521 : vector<16xf32>
      %mul3A_523 = vector.broadcast %squeeze3A_67 : f32 to vector<16xf32>
      %mul3A_524 = arith.mulf %gather3A_509, %mul3A_523 : vector<16xf32>
      %add3A_525 = arith.addf %add3A_506, %mul3A_524 : vector<16xf32>
      %mul3A_526 = vector.broadcast %squeeze3A_127 : f32 to vector<16xf32>
      %mul3A_527 = arith.mulf %gather3A_510, %mul3A_526 : vector<16xf32>
      %add3A_528 = arith.addf %add3A_525, %mul3A_527 : vector<16xf32>
      %mul3A_529 = arith.constant 16 : i32
      %mul3A_530 = arith.muli %scan3A_170, %mul3A_529 : i32
      %add3A_531 = arith.constant 384 : i32
      %add3A_532 = arith.addi %add3A_531, %mul3A_530 : i32
      %add3A_533 = vector.broadcast %add3A_532 : i32 to vector<16xi32>
      %add3A_534 = arith.addi %add3A_533, %iota3A : vector<16xi32>
      %broadcast_in_dim3A_535 = arith.constant 0 : i32
      %broadcast_in_dim3A_536 = vector.broadcast %broadcast_in_dim3A_535 : i32 to vector<16xi32>
      %mul3A_537 = vector.broadcast %scan3A_162 : f32 to vector<16xf32>
      %mul3A_538 = arith.mulf %add3A_516, %mul3A_537 : vector<16xf32>
      tpu.vector_store_idx %arg13[%add3A_534, %broadcast_in_dim3A_536], %mul3A_538 : memref<512x3xf32, #tpu.memory_space<vmem>>[vector<16xi32>, vector<16xi32>], vector<16xf32>,
      %broadcast_in_dim3A_539 = arith.constant 1 : i32
      %broadcast_in_dim3A_540 = vector.broadcast %broadcast_in_dim3A_539 : i32 to vector<16xi32>
      %mul3A_541 = vector.broadcast %scan3A_162 : f32 to vector<16xf32>
      %mul3A_542 = arith.mulf %add3A_522, %mul3A_541 : vector<16xf32>
      tpu.vector_store_idx %arg13[%add3A_534, %broadcast_in_dim3A_540], %mul3A_542 : memref<512x3xf32, #tpu.memory_space<vmem>>[vector<16xi32>, vector<16xi32>], vector<16xf32>,
      %broadcast_in_dim3A_543 = arith.constant 2 : i32
      %broadcast_in_dim3A_544 = vector.broadcast %broadcast_in_dim3A_543 : i32 to vector<16xi32>
      %mul3A_545 = vector.broadcast %scan3A_162 : f32 to vector<16xf32>
      %mul3A_546 = arith.mulf %add3A_528, %mul3A_545 : vector<16xf32>
      tpu.vector_store_idx %arg13[%add3A_534, %broadcast_in_dim3A_544], %mul3A_546 : memref<512x3xf32, #tpu.memory_space<vmem>>[vector<16xi32>, vector<16xi32>], vector<16xf32>,
      %scan3A_547 = arith.constant 0 : i32
      scf.yield %scan3A_547 : i32
    }
    %scan3A_169 = arith.constant 8 : i32
    "tpu.region"() ({
      %run_scoped3A = tpu.sem_alloc : memref<!tpu.dma_semaphore, #tpu.memory_space<semaphore_mem>>
      %dma_start3A = arith.constant 0 : i32
      %dma_start3A_170 = tpu.memref_slice %arg6[%mul3A_2, %dma_start3A] : memref<16384x3xf32, #tpu.memory_space<hbm>> -> memref<512x3xf32, #tpu.memory_space<hbm>>
      %dma_start3A_171 = arith.constant 0 : i32
      %dma_start3A_172 = tpu.memref_slice %arg6[%mul3A_2, %dma_start3A_171] : memref<16384x3xf32, #tpu.memory_space<hbm>> -> memref<512x3xf32, #tpu.memory_space<hbm>>
      tpu.enqueue_dma source(%arg13 : memref<512x3xf32, #tpu.memory_space<vmem>>) target(%dma_start3A_172 : memref<512x3xf32, #tpu.memory_space<hbm>>) target_semaphore(%run_scoped3A : memref<!tpu.dma_semaphore, #tpu.memory_space<semaphore_mem>>)
      %dma_wait3A = arith.constant 0 : i32
      %dma_wait3A_173 = tpu.memref_slice %arg6[%mul3A_2, %dma_wait3A] : memref<16384x3xf32, #tpu.memory_space<hbm>> -> memref<512x3xf32, #tpu.memory_space<hbm>>
      %dma_wait3A_174 = arith.constant 0 : i32
      %dma_wait3A_175 = tpu.memref_slice %arg6[%mul3A_2, %dma_wait3A_174] : memref<16384x3xf32, #tpu.memory_space<hbm>> -> memref<512x3xf32, #tpu.memory_space<hbm>>
      tpu.wait_dma2 semaphore(%run_scoped3A : memref<!tpu.dma_semaphore, #tpu.memory_space<semaphore_mem>>) src(%arg13 : memref<512x3xf32, #tpu.memory_space<vmem>>) dst(%dma_wait3A_175 : memref<512x3xf32, #tpu.memory_space<hbm>>)
      tpu.yield
    }) : () -> ()
    return
  }
}

</mosaic_0001>

<sc_bundles>
// kernel: kernel.3.cloned.1.call-start
scs
__scs_entry_jumppad:
0x0: {  	(pc) =	sbr.rel $0x88, $3  }
0x1: {  	(tag) =	ssettag $0x0;
	lr =	simm.s32 $0x1  }
0x2: {  	[smem:$0x3F9D] =	sst lr;
	_ =	strace $0xD0000000  }
0x3: {  	_ = 	snop  }
0x4: {  	_ = 	snop  }
0x5: {  	_ = 	snop  }
0x6: {  	_ = 	snop  }
0x7: {  	_ = 	snop  }
__scs_overlays_trampoline_lowered:
0x8: {  	[smem:$0x3FAC] =	sst s0  }
0x9: {  	[smem:$0x3FAD] =	sst s1  }
0xa: {  	[smem:$0x3FAE] =	sst s2  }
0xb: {  	[smem:$0x3FAF] =	sst s3  }
0xc: {  	[smem:$0x3FB0] =	sst s4  }
0xd: {  	[smem:$0x3FB1] =	sst s5  }
0xe: {  	[smem:$0x3FB2] =	sst s6  }
0xf: {  	[smem:$0x3FB3] =	sst s7  }
0x10: {  	[smem:$0x3FB4] =	sst s8  }
0x11: {  	[smem:$0x3FB5] =	sst s9;
	s0 =	simm.s32 @!p0 $0x0  }
0x12: {  	s1 =	sld [smem:$0x3F9B];
	s0 =	simm.s32 @p0 $0x1  }
0x13: {  	[smem:$0x3FB6] =	sst s0;
	s0 =	simm.s32 @!p1 $0x0  }
0x14: {  	s2 =	sld [smem:$0x3F9A];
	s0 =	simm.s32 @p1 $0x1  }
0x15: {  	[smem:$0x3FB7] =	sst s0;
	s0 =	simm.s32 @!p2 $0x0  }
0x16: {  	s3 =	sld [smem:$0x3FDB];
	s0 =	simm.s32 @p2 $0x1  }
0x17: {  	s4 =	simm.s32 $0x1BF5;
	[smem:$0x3FB9] =	sst s0  }
0x18: {  	s0 =	sld [smem:$0x3F9C];
	_ =	swait.ge [sflag:s4], $0x0  }
0x19: {  	s7 =	sld [smem:$0x3F9D]  }
0x1a: {  	s8 =	sadd.s32 $0xFFFFE003, lr  }
0x1b: {  	s9 =	sadd.s32 $0xFFFFFEF7, lr;
	s5 =	simm.s32 $0xFFFFFFFF;
	p2 =	slt.u32 s8, $0xFFFFF086  }
0x1c: {  	p1 =	slt.u32 s9, $0xF7A;
	s5 =	simm.s32 @!p2 $0x0  }
0x1d: {  	s5 =	simm.s32 @p1 $0x1;
	p0 =	seq.s32 s7, s2  }
0x1e: {  	s7 =	smul.u32 @!p0 $0xF7A, s2;
	p2 =	seq.s32 @!p0 s5, $0x0  }
0x1f: {  	s9 =	smul.u32 $0xF7A, s1;
	s8 =	simm.s32 @!p0 $0x1BF5;
	p2 =	por !p2, p0  }
0x20: {  	[sflag:s8] =	ssyncset.s32 @!p0 $0xFFFFF086;
	s6 =	sadd.s32 @!p0 s3, s7;
	s7 =	simm.s32 @!p0 $0x108  }
0x21: {  	s3 =	sadd.s32 s3, s9;
	s6 =	sadd.s32 @!p0 $0x88, s6;
	s7 =	simm.s32 @p2 $0x1082  }
0x22: {  	[simem:s7], [sflag:s8] =	dma.local @!p0 [hbm:s6], $0xF7A  }
0x23: {  	s9 =	sor.u32 $0xD0000000, s2;
	s6 =	simm.s32 $0x108;
	_ =	swait.ge @!p0 [sflag:s8], $0x0  }
0x24: {  	s3 =	sadd.s32 $0x88, s3;
	s6 =	simm.s32 @!p1 $0x1082;
	[sflag:s4] =	ssyncset.s32 $0xFFFFF086  }
0x25: {  	[simem:s6], [sflag:s4] =	dma.local [hbm:s3], $0xF7A  }
0x26: {  	[smem:$0x3F9D] =	sst s1;
	(tag) =	ssettag s2;
	_ =	strace s9  }
0x27: {  	s1 =	sld [smem:$0x3FAD]  }
0x28: {  	s2 =	sld [smem:$0x3FAE]  }
0x29: {  	s4 =	sld [smem:$0x3FB0]  }
0x2a: {  	p0 =	seq.s32 s5, $0x0;
	s5 =	sld [smem:$0x3FB1]  }
0x2b: {  	s6 =	sld [smem:$0x3FB2]  }
0x2c: {  	s7 =	sld [smem:$0x3FB3]  }
0x2d: {  	s3 =	simm.s32 $0x108;
	s8 =	sld [smem:$0x3FB4]  }
0x2e: {  	s3 =	simm.s32 @!p0 $0x1082;
	s9 =	sld [smem:$0x3FB5]  }
0x2f: {  	lr =	sadd.s32 s0, s3;
	s0 =	sld [smem:$0x3FAC]  }
0x30: {  	s3 =	sld [smem:$0x3FAF]  }
0x31: {  	[smem:$0x3FB8] =	sst s10  }
0x32: {  	s10 =	sld [smem:$0x3FB6];
	_ =	sdelay $0x3  }
0x33: {  	p0 =	seq.s32 s10, $0x1;
	s10 =	sld [smem:$0x3FB8];
	_ =	sdelay $0x3  }
0x34: {  	[smem:$0x3FB8] =	sst s10  }
0x35: {  	s10 =	sld [smem:$0x3FB7];
	_ =	sdelay $0x3  }
0x36: {  	p1 =	seq.s32 s10, $0x1;
	s10 =	sld [smem:$0x3FB8];
	_ =	sdelay $0x3  }
0x37: {  	[smem:$0x3FB8] =	sst s10  }
0x38: {  	s10 =	sld [smem:$0x3FB9]  }
0x39: {  	_ = 	snop;
	(pc) =	sbr.ind lr, $3  }
0x3a: {  	_ = 	snop  }
0x3b: {  	_ = 	snop  }
0x3c: {  	p2 =	seq.s32 s10, $0x1;
	s10 =	sld [smem:$0x3FB8]  }
0x3d: {  	_ =	shalt  }
0x3e: {  	_ =	shalt  }
0x3f: {  	_ =	shalt  }
0x40: {  	_ =	shalt  }
0x41: {  	_ =	shalt  }
0x42: {  	_ =	shalt  }
0x43: {  	_ =	shalt  }
0x44: {  	_ =	shalt  }
0x45: {  	_ =	shalt  }
0x46: {  	_ =	shalt  }
0x47: {  	_ =	shalt  }
0x48: {  	_ =	shalt  }
0x49: {  	_ =	shalt  }
0x4a: {  	_ =	shalt  }
0x4b: {  	_ =	shalt  }
0x4c: {  	_ =	shalt  }
0x4d: {  	_ =	shalt  }
0x4e: {  	_ =	shalt  }
0x4f: {  	_ =	shalt  }
0x50: {  	_ =	shalt  }
0x51: {  	_ =	shalt  }
0x52: {  	_ =	shalt  }
0x53: {  	_ =	shalt  }
0x54: {  	_ =	shalt  }
0x55: {  	_ =	shalt  }
0x56: {  	_ =	shalt  }
0x57: {  	_ =	shalt  }
0x58: {  	_ =	shalt  }
0x59: {  	_ =	shalt  }
0x5a: {  	_ =	shalt  }
0x5b: {  	_ =	shalt  }
0x5c: {  	_ =	shalt  }
0x5d: {  	_ =	shalt  }
0x5e: {  	_ =	shalt  }
0x5f: {  	_ =	shalt  }
0x60: {  	_ =	shalt  }
0x61: {  	_ =	shalt  }
0x62: {  	_ =	shalt  }
0x63: {  	_ =	shalt  }
0x64: {  	_ =	shalt  }
0x65: {  	_ =	shalt  }
0x66: {  	_ =	shalt  }
0x67: {  	_ =	shalt  }
0x68: {  	_ =	shalt  }
0x69: {  	_ =	shalt  }
0x6a: {  	_ =	shalt  }
0x6b: {  	_ =	shalt  }
0x6c: {  	_ =	shalt  }
0x6d: {  	_ =	shalt  }
0x6e: {  	_ =	shalt  }
0x6f: {  	_ =	shalt  }
0x70: {  	_ =	shalt  }
0x71: {  	_ =	shalt  }
0x72: {  	_ =	shalt  }
0x73: {  	_ =	shalt  }
0x74: {  	_ =	shalt  }
0x75: {  	_ =	shalt  }
0x76: {  	_ =	shalt  }
0x77: {  	_ =	shalt  }
0x78: {  	_ =	shalt  }
0x79: {  	_ =	shalt  }
0x7a: {  	_ =	shalt  }
0x7b: {  	_ =	shalt  }
0x7c: {  	_ =	shalt  }
0x7d: {  	_ =	shalt  }
0x7e: {  	_ =	shalt  }
0x7f: {  	_ =	shalt  }
0x80: {  	_ =	shalt  }
0x81: {  	_ =	shalt  }
0x82: {  	_ =	shalt  }
0x83: {  	_ =	shalt  }
0x84: {  	_ =	shalt  }
0x85: {  	_ =	shalt  }
0x86: {  	_ =	shalt  }
0x87: {  	_ =	shalt  }
.Lfunc_end0:
.L_simem_size_0:
called_computation_lowered:
.L_overlay_start_0:
0x88: {  	s2 =	sld [smem:$0x3FD9]  }
0x89: {  	s3 =	sld [smem:$0x3FFE];
	_ =	sdelay $0x1  }
0x8a: {  	s1 =	srdreg.scid  }
0x8b: {  	s0 =	sand.u32 $0x1, s1  }
0x8c: {  	s17 =	sshll.u32 s0, $0xA;
	s2 =	sadd.s32 s3, s2  }
0x8d: {  	s2 =	sadd.s32 s2, s17  }
0x8e: {  	[smem:$0x3FC4] =	sst s2  }
0x8f: {  	_ = 	snop  }
0x90: {  	s2 =	sld [smem:$0x3FD0];
	(tm) =	ssettm $0x1  }
0x91: {  	s18 =	sld [smem:$0x3FFB];
	_ =	sdelay $0x3  }
0x92: {  	_ =	strace s18  }
0x93: {  	s3 =	sld [smem:$0x3FFC];
	_ =	sdelay $0x3  }
0x94: {  	_ =	strace s3  }
0x95: {  	s3 =	sld [smem:$0x3FFD];
	_ =	sdelay $0x3  }
0x96: {  	_ =	strace s3  }
0x97: {  	_ =	strace $0x8FFFFFFF  }
0x98: {  	s19 =	sld [smem:$0x3FDB];
	_ =	sdelay $0x1  }
0x99: {  	s4 =	simm.s32 $_scs_section_size  }
0x9a: {  	s5 =	simm.s32 $_size__tile_overlayer_lowered;
	s6 =	simm.s32 $_tile_overlayer_lowered  }
0x9b: {  	s22 =	simm.s32 $0x1BFF;
	s21 =	sshll.u32 s6, $0x1;
	s3 =	sadd.s32 s4, s19  }
0x9c: {  	s7 =	simm.s32 $0x0;
	s20 =	sshll.u32 s5, $0x1;
	s5 =	sadd.s32 s21, s3  }
0x9d: {  	[timem:s7], [sflag:s22] =	dma.local [hbm:s5], s20  }
0x9e: {  	_ =	swait.ge [sflag:s22], s20  }
0x9f: {  	s4 =	ssub.s32 $0x0, s20;
	[sflag:s22] =	ssyncset.done $0x0  }
0xa0: {  	[sflag:s22] =	ssyncadd.s32 s4;
	_ =	sdelay $0x1  }
0xa1: {  	s23 =	simm.s32 $0x1B8B  }
0xa2: {  	_ =	swait.ge [sflag:s23], $0x1  }
0xa3: {  	[sflag:s23] =	ssyncset.done $0x0  }
0xa4: {  	s25 =	simm.s32 $0x1B8E;
	s24 =	sld [smem:$0x3FFE];
	[sflag:s23] =	ssyncadd.s32 $0xFFFFFFFF  }
0xa5: {  	s26 =	simm.s32 $execute0_lowered;
	[smem:$0x3FD2] =	sst s25  }
0xa6: {  	s5 =	sshll.u32 s26, $0x1;
	_ =	strace $0x80000046;
	[dreg:$0x1] =	wrdreg $0xFFFFFFFF  }
0xa7: {  	s28 =	simm.s32 $_size_execute0_lowered;
	s3 =	sadd.s32 s3, s5;
	[dreg:$0x0] =	wrdreg $0x0  }
0xa8: {  	s5 =	sshll.u32 s28, $0x1;
	[dreg:$0x2] =	wrdreg s3  }
0xa9: {  	[dreg:$0x3] =	wrdreg s5  }
0xaa: {  	[dreg:$0x4] =	wrdreg $0xC0  }
0xab: {  	_ =	task [dreg:s7], $0x5FFFF  }
0xac: {  	[dreg:$0x1] =	wrdreg $0xFFFFFFFF  }
0xad: {  	[dreg:$0x0] =	wrdreg $0x60  }
0xae: {  	[dreg:$0x2] =	wrdreg s24  }
0xaf: {  	[dreg:$0x3] =	wrdreg s2  }
0xb0: {  	[dreg:$0x4] =	wrdreg $0x9  }
0xb1: {  	_ =	task.clear_ibuf [dreg:s7], $0x5FFFF;
	_ =	strace $0x90000046  }
0xb2: {  	s29 =	simm.s32 $0x9;
	_ =	strace $0x80000048  }
0xb3: {  	_ =	swait.ge [sflag:s29], $0x1  }
0xb4: {  	[sflag:s29] =	ssyncadd.s32 $0xFFFFFFFF  }
0xb5: {  	_ =	strace $0x90000048  }
0xb6: {  	_ =	sfence  }
0xb7: {  	s30 =	sld [smem:$0x0];
	_ =	sdelay $0x2  }
0xb8: {  	s31 =	sshll.u32 s1, $0xD;
	s1 =	sshrl.u32 s1, $0x2  }
0xb9: {  	s3 =	sand.u32 $0x4000, s31;
	s1 =	sadd.s32 s1, s30  }
0xba: {  	s0 =	sor.u32 s3, s0;
	s1 =	sshll.u32 s1, $0x11  }
0xbb: {  	s0 =	sor.u32 s1, s0  }
0xbc: {  	s0 =	sadd.s32 $0x8F2B, s0  }
0xbd: {  	[sflag:s0] =	ssyncadd.remote.s32 $0x1  }
0xbe: {  	_ =	sfence.sel $0xFFFF  }
0xbf: {  	[dreg:$0x0] =	wrdreg $0xFFFFFFFF;
	(pc) =	sbr.abs _section_cstart, $3  }
0xc0: {  	[dreg:$0x1] =	wrdreg $0xFFFFFFFF  }
0xc1: {  	_ =	task.clear_ibuf [dreg:s7], $0x2FFFF;
	_ =	strace $0x9FFFFFFF  }
0xc2: {  	(tm) =	ssettm $0x7FFFFFFF  }
0xc3: {  	_ =	shalt  }
tec
execute0_lowered:
.L_overlay_start_1:
0x0: {  	(tag) =	ssettag $0x1  }
0x1: {  	s5 =	rddreg [dreg:$0x0]  }
0x2: {  	s2 =	rddreg [dreg:$0x1]  }
0x3: {  	s0 =	rddreg [dreg:$0x2];
	s4 =	srdreg.scid  }
0x4: {  	s3 =	simm.s32 $0x0;
	s1 =	stileid.u32;
	s16 =	simm.s32 $0x1  }
0x5: {  	s17 =	simm.s32 $0xC820;
	s18 =	simm.s32 $0x6400;
	s19 =	simm.s32 $0xC840  }
0x6: {  	s20 =	simm.s32 $0xC940;
	s21 =	simm.s32 $0xCA40;
	s22 =	simm.s32 $0x0  }
0x7: {  	s4 =	sand.u32 $0x1, s4;
	[smem:$0x7FF] =	sst s3;
	s6 =	sshll.u32 s1, $0xA  }
0x8: {  	s11 =	sadd.s32 $0x65800, s5;
	s12 =	sadd.s32 $0x1800, s5;
	s7 =	sshll.u32 s4, $0x9  }
0x9: {  	_ =	strace $0x80000047;
	s30 =	ssub.s32 $0x2, s4;
	s6 =	sor.u32 s7, s6  }
0xa: {  	s4 =	sadd.s32 $0xC9800, s5;
	s9 =	sshrl.u32 s30, $0x1;
	s8 =	smul.u32 $0xC8, s6  }
0xb: {  	s10 =	smul.u32 $0x19, s6;
	s13 =	sadd.s32 s6, s5;
	s14 =	ssub.s32 s30, s9  }
0xc: {  	s13 =	sadd.s32 $0xC9A00, s13;
	s14 =	smax.u32 s14, $0x1;
	s15 =	sshrl.u32 s8, $0x3  }
0xd: {  	s5 =	sadd.s32 s11, s10;
	s6 =	sadd.s32 s12, s10;
	s8 =	sadd.s32 $0xC80, s15  }
0xe: {  	s31 =	sadd.s32 $0x1900, s15;
	s15 =	sadd.s32 $0x2580, s15;
	s7 =	sadd.s32 s11, s8  }
0xf: {  	s8 =	sadd.s32 s12, s8;
	s9 =	sadd.s32 s11, s31;
	s10 =	sadd.s32 s12, s31  }
0x10: {  	v0 =	vlaneseq.u32;
	v1 =	vimm.f32 $0.0e+00;
	v2 =	vimm.f32 $1.000000000e+00;
	s11 =	sadd.s32 s11, s15;
	s12 =	sadd.s32 s12, s15;
	s15 =	simm.s32 $0xC800  }
.LBB2_1:
0x11: {  	[tilespmem:s15], [sflag:$0x1] =	stream.linear.gather [hbm4b:s2+s3], $0x20, $0x38;
	[tilespmem:$0xDA40] =	vst v63  }
0x12: {  	_ =	swait.ge [sflag:s16], $0x20  }
0x13: {  	[sflag:s16] =	ssyncset.done $0x0  }
0x14: {  	[sflag:s16] =	ssyncadd.s32 $0xFFFFFFE0  }
0x15: {  	[tilespmem:s17], [sflag:$0x1] =	stream.linear.gather [hbm4b:s4+s3], $0x20, $0x38;
	[tilespmem:$0xDA40] =	vst v63  }
0x16: {  	_ =	swait.ge [sflag:s16], $0x20  }
0x17: {  	[sflag:s16] =	ssyncset.done $0x0  }
0x18: {  	[sflag:s16] =	ssyncadd.s32 $0xFFFFFFE0  }
0x19: {  	v4 =	vld [tilespmem:$0xC820]  }
0x1a: {  	v3 =	vld [tilespmem:$0xC800];
	_ =	sdelay $0x3  }
0x1b: {  	v25 =	vld [tilespmem:$0xC810];
	v5 =	vbroadcast v4, $0x0  }
0x1c: {  	v27 =	vld [tilespmem:$0xC830];
	[tilespmem:s3], [sflag:$0x1] =	stream.linear.gather [hbm4b:s5+s3], $0x6400, $0x38;
	v63 =	vbroadcast v3, $0x1  }
0x1d: {  	v8 =	vbroadcast v4, $0x1;
	[tilespmem:$0x1FE40] =	vst v5  }
0x1e: {  	v9 =	vbroadcast v3, $0x2;
	[tilespmem:$0x1FE50] =	vst v63  }
0x1f: {  	v10 =	vbroadcast v4, $0x2;
	[tilespmem:$0x1FE60] =	vst v8  }
0x20: {  	v11 =	vbroadcast v3, $0x3;
	[tilespmem:$0x1FE70] =	vst v9  }
0x21: {  	v12 =	vbroadcast v4, $0x3;
	[tilespmem:$0x1FE80] =	vst v10  }
0x22: {  	v13 =	vbroadcast v3, $0x4;
	[tilespmem:$0x1FE90] =	vst v11  }
0x23: {  	v14 =	vbroadcast v4, $0x4;
	[tilespmem:$0x1FEA0] =	vst v12  }
0x24: {  	v15 =	vbroadcast v3, $0x5;
	[tilespmem:$0x1FEB0] =	vst v13  }
0x25: {  	v16 =	vbroadcast v4, $0x5;
	[tilespmem:$0x1FEC0] =	vst v14  }
0x26: {  	v17 =	vbroadcast v3, $0x6;
	[tilespmem:$0x1FED0] =	vst v15  }
0x27: {  	v18 =	vbroadcast v4, $0x6;
	[tilespmem:$0x1FEE0] =	vst v16  }
0x28: {  	v19 =	vbroadcast v3, $0x7;
	[tilespmem:$0x1FEF0] =	vst v17  }
0x29: {  	v30 =	vbroadcast v3, $0x0;
	v20 =	vbroadcast v4, $0x7;
	[tilespmem:$0x1FF00] =	vst v18  }
0x2a: {  	v21 =	vbroadcast v3, $0x8;
	v22 =	vbroadcast v4, $0x8;
	[tilespmem:$0x1FF10] =	vst v19  }
0x2b: {  	v23 =	vbroadcast v3, $0x9;
	v24 =	vbroadcast v4, $0x9;
	[tilespmem:$0x1FF20] =	vst v20  }
0x2c: {  	v6 =	vbroadcast v3, $0xA;
	v26 =	vbroadcast v4, $0xA;
	[tilespmem:$0x1FF30] =	vst v21  }
0x2d: {  	v7 =	vbroadcast v3, $0xB;
	v58 =	vbroadcast v4, $0xB;
	[tilespmem:$0x1FF40] =	vst v22  }
0x2e: {  	v59 =	vbroadcast v3, $0xC;
	v60 =	vbroadcast v4, $0xC;
	[tilespmem:$0x1FF50] =	vst v23  }
0x2f: {  	v61 =	vbroadcast v3, $0xD;
	v62 =	vbroadcast v4, $0xD;
	[tilespmem:$0x1FF60] =	vst v24  }
0x30: {  	v32 =	vbroadcast v4, $0xE;
	v33 =	vbroadcast v3, $0xF;
	[tilespmem:$0x1FF70] =	vst v6  }
0x31: {  	v34 =	vbroadcast v4, $0xF;
	v35 =	vbroadcast v25, $0x0;
	[tilespmem:$0x1FF80] =	vst v26  }
0x32: {  	v36 =	vbroadcast v27, $0x0;
	v37 =	vbroadcast v25, $0x1;
	[tilespmem:$0x1FF90] =	vst v7  }
0x33: {  	v38 =	vbroadcast v27, $0x1;
	v39 =	vbroadcast v25, $0x2;
	[tilespmem:$0x1FFA0] =	vst v58  }
0x34: {  	v40 =	vbroadcast v27, $0x2;
	v41 =	vbroadcast v25, $0x3;
	[tilespmem:$0x1FFB0] =	vst v59  }
0x35: {  	v42 =	vbroadcast v27, $0x3;
	v43 =	vbroadcast v25, $0x4;
	[tilespmem:$0x1FFC0] =	vst v60  }
0x36: {  	v44 =	vbroadcast v27, $0x4;
	[tilespmem:$0x1FFD0] =	vst v61;
	v63 =	vbroadcast v3, $0xE  }
0x37: {  	v45 =	vbroadcast v25, $0x5;
	v46 =	vbroadcast v27, $0x5;
	[tilespmem:$0x1FFE0] =	vst v62  }
0x38: {  	v47 =	vbroadcast v25, $0x6;
	v48 =	vbroadcast v27, $0x6;
	[tilespmem:$0x1FFF0] =	vst v63  }
0x39: {  	v49 =	vbroadcast v25, $0x7;
	v50 =	vbroadcast v27, $0x7;
	_ =	swait.ge [sflag:s16], $0x6400  }
0x3a: {  	v51 =	vbroadcast v25, $0x8;
	v52 =	vbroadcast v27, $0x8;
	[sflag:s16] =	ssyncset.done $0x0  }
0x3b: {  	v53 =	vbroadcast v25, $0x9;
	v54 =	vbroadcast v27, $0x9;
	[sflag:s16] =	ssyncadd.s32 $0xFFFF9C00  }
0x3c: {  	v55 =	vbroadcast v25, $0xA;
	v56 =	vbroadcast v27, $0xA;
	[tilespmem:s18], [sflag:$0x1] =	stream.linear.gather [hbm4b:s6+s3], $0x6400, $0x38;
	[tilespmem:$0xDA40] =	vst v63  }
0x3d: {  	v57 =	vbroadcast v25, $0xB;
	v58 =	vbroadcast v27, $0xB;
	_ =	swait.ge [sflag:s16], $0x6400  }
0x3e: {  	v59 =	vbroadcast v25, $0xC;
	v60 =	vbroadcast v27, $0xC;
	[sflag:s16] =	ssyncset.done $0x0  }
0x3f: {  	s23 =	simm.s32 $0x0;
	v61 =	vbroadcast v25, $0xD;
	v62 =	vbroadcast v27, $0xD;
	[sflag:s16] =	ssyncadd.s32 $0xFFFF9C00  }
.LBB2_2:
0x40: {  	[tilespmem:$0xC840] =	vst v1  }
0x41: {  	[tilespmem:$0xC940] =	vst v1  }
0x42: {  	[tilespmem:$0xC850] =	vst v1  }
0x43: {  	[tilespmem:$0xC950] =	vst v1  }
0x44: {  	[tilespmem:$0xC860] =	vst v1  }
0x45: {  	[tilespmem:$0xC960] =	vst v1  }
0x46: {  	[tilespmem:$0xC870] =	vst v1  }
0x47: {  	[tilespmem:$0xC970] =	vst v1  }
0x48: {  	[tilespmem:$0xC880] =	vst v1  }
0x49: {  	[tilespmem:$0xC980] =	vst v1  }
0x4a: {  	[tilespmem:$0xC890] =	vst v1  }
0x4b: {  	[tilespmem:$0xC990] =	vst v1  }
0x4c: {  	[tilespmem:$0xC8A0] =	vst v1  }
0x4d: {  	[tilespmem:$0xC9A0] =	vst v1  }
0x4e: {  	[tilespmem:$0xC8B0] =	vst v1  }
0x4f: {  	[tilespmem:$0xC9B0] =	vst v1  }
0x50: {  	[tilespmem:$0xC8C0] =	vst v1  }
0x51: {  	[tilespmem:$0xC9C0] =	vst v1  }
0x52: {  	[tilespmem:$0xC8D0] =	vst v1  }
0x53: {  	[tilespmem:$0xC9D0] =	vst v1  }
0x54: {  	[tilespmem:$0xC8E0] =	vst v1  }
0x55: {  	[tilespmem:$0xC9E0] =	vst v1  }
0x56: {  	[tilespmem:$0xC8F0] =	vst v1  }
0x57: {  	[tilespmem:$0xC9F0] =	vst v1  }
0x58: {  	[tilespmem:$0xC900] =	vst v1  }
0x59: {  	s24 =	sshll.u32 s23, $0x4;
	[tilespmem:$0xCA00] =	vst v1  }
0x5a: {  	[tilespmem:$0xC910] =	vst v1;
	v12 =	vor.u32 s24, v0  }
0x5b: {  	[tilespmem:$0xCA10] =	vst v1;
	v3 =	vmul.u32 $0xC8, v12  }
0x5c: {  	[tilespmem:$0xC920] =	vst v1  }
0x5d: {  	[tilespmem:$0xCA20] =	vst v1;
	v4 =	vor.u32 $0x1, v3  }
0x5e: {  	[tilespmem:$0xC930] =	vst v1;
	v5 =	vor.u32 $0x2, v3;
	v6 =	vor.u32 $0x3, v3;
	v7 =	vor.u32 $0x4, v3  }
0x5f: {  	[tilespmem:$0xCA30] =	vst v1;
	s24 =	simm.s32 $0x0;
	v8 =	vor.u32 $0x5, v3;
	v9 =	vor.u32 $0x6, v3;
	v10 =	vor.u32 $0x7, v3  }
.LBB2_3:
0x60: {  	v11 =	vmov s24  }
0x61: {  	v11 =	vshrl.u32 v11, $0x3  }
0x62: {  	v11 =	vshll.u32 v11, $0x3  }
0x63: {  	v11 =	vbroadcast v11, $0x0;
	_ =	sdelay $0x1  }
0x64: {  	v13 =	vadd.s32 v3, v11;
	_ =	sdelay $0x4  }
0x65: {  	v14 =	vld.idx.msk [tilespmem:v13+s3+$0x0], $0xffff  }
0x66: {  	v13 =	vld.idx.msk [tilespmem:v13+s18+$0x0], $0xffff;
	_ =	sdelay $0x1  }
0x67: {  	v63 =	vmul.u32 $0x10, v0;
	_ =	sdelay $0x1  }
0x68: {  	v14 =	vadd.s32 v63, v14  }
0x69: {  	v13 =	vadd.s32 v63, v13  }
0x6a: {  	v15 =	vadd.s32 v4, v11;
	_ =	sdelay $0x2  }
0x6b: {  	[tilespmem:v14+s19+$0x0] =	vst.idx.add.f32.msk $0xffff, v2  }
0x6c: {  	[tilespmem:v13+s20+$0x0] =	vst.idx.add.f32.msk $0xffff, v2  }
0x6d: {  	v13 =	vld.idx.msk [tilespmem:v15+s3+$0x0], $0xffff  }
0x6e: {  	v14 =	vld.idx.msk [tilespmem:v15+s18+$0x0], $0xffff;
	_ =	sdelay $0x3  }
0x6f: {  	v13 =	vadd.s32 v63, v13  }
0x70: {  	v14 =	vadd.s32 v63, v14  }
0x71: {  	v15 =	vadd.s32 v5, v11;
	_ =	sdelay $0x2  }
0x72: {  	[tilespmem:v13+s19+$0x0] =	vst.idx.add.f32.msk $0xffff, v2  }
0x73: {  	[tilespmem:v14+s20+$0x0] =	vst.idx.add.f32.msk $0xffff, v2  }
0x74: {  	v13 =	vld.idx.msk [tilespmem:v15+s3+$0x0], $0xffff  }
0x75: {  	v14 =	vld.idx.msk [tilespmem:v15+s18+$0x0], $0xffff;
	_ =	sdelay $0x3  }
0x76: {  	v13 =	vadd.s32 v63, v13  }
0x77: {  	v14 =	vadd.s32 v63, v14  }
0x78: {  	v15 =	vadd.s32 v6, v11;
	_ =	sdelay $0x2  }
0x79: {  	[tilespmem:v13+s19+$0x0] =	vst.idx.add.f32.msk $0xffff, v2  }
0x7a: {  	[tilespmem:v14+s20+$0x0] =	vst.idx.add.f32.msk $0xffff, v2  }
0x7b: {  	v13 =	vld.idx.msk [tilespmem:v15+s3+$0x0], $0xffff  }
0x7c: {  	v14 =	vld.idx.msk [tilespmem:v15+s18+$0x0], $0xffff;
	_ =	sdelay $0x3  }
0x7d: {  	v13 =	vadd.s32 v63, v13  }
0x7e: {  	v14 =	vadd.s32 v63, v14  }
0x7f: {  	v15 =	vadd.s32 v7, v11;
	_ =	sdelay $0x2  }
0x80: {  	[tilespmem:v13+s19+$0x0] =	vst.idx.add.f32.msk $0xffff, v2  }
0x81: {  	[tilespmem:v14+s20+$0x0] =	vst.idx.add.f32.msk $0xffff, v2  }
0x82: {  	v13 =	vld.idx.msk [tilespmem:v15+s3+$0x0], $0xffff  }
0x83: {  	v14 =	vld.idx.msk [tilespmem:v15+s18+$0x0], $0xffff;
	_ =	sdelay $0x3  }
0x84: {  	v13 =	vadd.s32 v63, v13  }
0x85: {  	v14 =	vadd.s32 v63, v14  }
0x86: {  	v15 =	vadd.s32 v8, v11;
	_ =	sdelay $0x2  }
0x87: {  	[tilespmem:v13+s19+$0x0] =	vst.idx.add.f32.msk $0xffff, v2  }
0x88: {  	[tilespmem:v14+s20+$0x0] =	vst.idx.add.f32.msk $0xffff, v2  }
0x89: {  	v13 =	vld.idx.msk [tilespmem:v15+s3+$0x0], $0xffff  }
0x8a: {  	v14 =	vld.idx.msk [tilespmem:v15+s18+$0x0], $0xffff;
	_ =	sdelay $0x3  }
0x8b: {  	v13 =	vadd.s32 v63, v13  }
0x8c: {  	v14 =	vadd.s32 v63, v14  }
0x8d: {  	v15 =	vadd.s32 v9, v11;
	_ =	sdelay $0x2  }
0x8e: {  	[tilespmem:v13+s19+$0x0] =	vst.idx.add.f32.msk $0xffff, v2  }
0x8f: {  	[tilespmem:v14+s20+$0x0] =	vst.idx.add.f32.msk $0xffff, v2  }
0x90: {  	v13 =	vld.idx.msk [tilespmem:v15+s3+$0x0], $0xffff  }
0x91: {  	v14 =	vld.idx.msk [tilespmem:v15+s18+$0x0], $0xffff;
	_ =	sdelay $0x3  }
0x92: {  	v13 =	vadd.s32 v63, v13  }
0x93: {  	v14 =	vadd.s32 v63, v14  }
0x94: {  	v11 =	vadd.s32 v10, v11;
	_ =	sdelay $0x2  }
0x95: {  	[tilespmem:v13+s19+$0x0] =	vst.idx.add.f32.msk $0xffff, v2  }
0x96: {  	[tilespmem:v14+s20+$0x0] =	vst.idx.add.f32.msk $0xffff, v2  }
0x97: {  	v13 =	vld.idx.msk [tilespmem:v11+s3+$0x0], $0xffff  }
0x98: {  	v11 =	vld.idx.msk [tilespmem:v11+s18+$0x0], $0xffff;
	_ =	sdelay $0x3  }
0x99: {  	v13 =	vadd.s32 v63, v13  }
0x9a: {  	p0 =	sne.s32 s24, $0xC0;
	v11 =	vadd.s32 v63, v11  }
.Ltmp0:
0x9b: {  	_ = 	snop;
	(pc) =	sbr.rel @p0 .LBB2_3-.Ltmp0, $3  }
0x9c: {  	_ =	sdelay $0x1  }
0x9d: {  	[tilespmem:v13+s19+$0x0] =	vst.idx.add.f32.msk $0xffff, v2  }
0x9e: {  	s24 =	sadd.s32 $0x8, s24;
	[tilespmem:v11+s20+$0x0] =	vst.idx.add.f32.msk $0xffff, v2  }
0x9f: {  	_ =	sdelay $0x3  }
0xa0: {  	v5 =	vld.idx.msk [tilespmem:v63+s19+$0x0], $0xffff  }
0xa1: {  	v3 =	vor.u32 $0x1, v63;
	v9 =	vld [tilespmem:$0x1FE50]  }
0xa2: {  	v14 =	vld [tilespmem:$0x1FE70];
	_ =	sdelay $0x1  }
0xa3: {  	v6 =	vld.idx.msk [tilespmem:v63+s20+$0x0], $0xffff  }
0xa4: {  	v11 =	vld [tilespmem:$0x1FE40]  }
0xa5: {  	v7 =	vld.idx.msk [tilespmem:v3+s19+$0x0], $0xffff;
	v8 =	vmul.f32 v5, v30  }
0xa6: {  	v9 =	vmul.f32 v5, v9;
	v14 =	vmul.f32 v5, v14;
	v5 =	vld [tilespmem:$0x1FE90];
	_ =	sdelay $0x2  }
0xa7: {  	v11 =	vmul.f32 v6, v11;
	v8 =	vadd.f32 $0.0e+00, v8  }
0xa8: {  	v13 =	vld [tilespmem:$0x1FE60]  }
0xa9: {  	v26 =	vld [tilespmem:$0x1FE80];
	v8 =	vadd.f32 v11, v8;
	v11 =	vmul.f32 v7, v5  }
0xaa: {  	v10 =	vld.idx.msk [tilespmem:v3+s20+$0x0], $0xffff  }
0xab: {  	v8 =	vadd.f32 v11, v8;
	v11 =	vld [tilespmem:$0x1FEA0]  }
0xac: {  	v15 =	vld [tilespmem:$0x1FEB0]  }
0xad: {  	v20 =	vld [tilespmem:$0x1FED0];
	_ =	sdelay $0x1  }
0xae: {  	v13 =	vmul.f32 v6, v13;
	v6 =	vmul.f32 v6, v26;
	v25 =	vadd.f32 $0.0e+00, v14  }
0xaf: {  	v11 =	vmul.f32 v10, v11  }
0xb0: {  	v6 =	vadd.f32 v6, v25  }
0xb1: {  	v15 =	vmul.f32 v7, v15;
	v7 =	vmul.f32 v7, v20;
	v8 =	vadd.f32 v11, v8;
	v11 =	vld [tilespmem:$0x1FEC0]  }
0xb2: {  	v4 =	vor.u32 $0x2, v63;
	v9 =	vadd.f32 $0.0e+00, v9  }
0xb3: {  	v7 =	vadd.f32 v7, v6;
	v6 =	vld [tilespmem:$0x1FEE0]  }
0xb4: {  	v9 =	vadd.f32 v13, v9;
	_ =	sdelay $0x1  }
0xb5: {  	v9 =	vadd.f32 v15, v9;
	v11 =	vmul.f32 v10, v11  }
0xb6: {  	v27 =	vld.idx.msk [tilespmem:v4+s19+$0x0], $0xffff  }
0xb7: {  	v10 =	vmul.f32 v10, v6;
	v9 =	vadd.f32 v11, v9;
	v11 =	vld [tilespmem:$0x1FEF0]  }
0xb8: {  	v21 =	vld.idx.msk [tilespmem:v4+s20+$0x0], $0xffff  }
0xb9: {  	v10 =	vadd.f32 v10, v7;
	v7 =	vld [tilespmem:$0x1FF00]  }
0xba: {  	v5 =	vor.u32 $0x3, v63;
	_ =	sdelay $0x1  }
0xbb: {  	v11 =	vmul.f32 v27, v11;
	_ =	sdelay $0x1  }
0xbc: {  	v8 =	vadd.f32 v11, v8;
	v11 =	vmul.f32 v21, v7  }
0xbd: {  	v22 =	vld.idx.msk [tilespmem:v5+s19+$0x0], $0xffff  }
0xbe: {  	v8 =	vadd.f32 v11, v8;
	v11 =	vld [tilespmem:$0x1FF50];
	_ =	sdelay $0x4  }
0xbf: {  	v11 =	vmul.f32 v22, v11  }
0xc0: {  	v17 =	vld.idx.msk [tilespmem:v5+s20+$0x0], $0xffff  }
0xc1: {  	v8 =	vadd.f32 v11, v8;
	v11 =	vld [tilespmem:$0x1FF60];
	_ =	sdelay $0x4  }
0xc2: {  	v11 =	vmul.f32 v17, v11  }
0xc3: {  	v7 =	vld [tilespmem:$0x1FF20]  }
0xc4: {  	v11 =	vadd.f32 v11, v8;
	v8 =	vld [tilespmem:$0x1FF90];
	_ =	sdelay $0x2  }
0xc5: {  	v16 =	vld [tilespmem:$0x1FF10]  }
0xc6: {  	v6 =	vor.u32 $0x4, v63;
	v23 =	vmul.f32 v21, v7;
	v7 =	vld [tilespmem:$0x1FF30]  }
0xc7: {  	v26 =	vmul.f32 v22, v8;
	v8 =	vld [tilespmem:$0x1FF80];
	_ =	sdelay $0x1  }
0xc8: {  	v24 =	vld [tilespmem:$0x1FF40]  }
0xc9: {  	v25 =	vld [tilespmem:$0x1FF70]  }
0xca: {  	v16 =	vmul.f32 v27, v16;
	v18 =	vld.idx.msk [tilespmem:v6+s19+$0x0], $0xffff  }
0xcb: {  	v14 =	vmul.f32 v27, v7;
	v27 =	vmul.f32 v17, v8;
	v8 =	vld [tilespmem:$0x1FFB0]  }
0xcc: {  	v9 =	vadd.f32 v16, v9;
	_ =	sdelay $0x1  }
0xcd: {  	v16 =	vld.idx.msk [tilespmem:v6+s20+$0x0], $0xffff;
	v9 =	vadd.f32 v23, v9;
	v10 =	vadd.f32 v14, v10;
	v14 =	vmul.f32 v22, v25  }
0xce: {  	v13 =	vmul.f32 v21, v24;
	v21 =	vld [tilespmem:$0x1FFA0]  }
0xcf: {  	v23 =	vld [tilespmem:$0x1FFF0];
	v7 =	vor.u32 $0x5, v63;
	v9 =	vadd.f32 v14, v9;
	v19 =	vmul.f32 v18, v8  }
0xd0: {  	v10 =	vadd.f32 v13, v10;
	v22 =	vld [tilespmem:$0x1FFD0]  }
0xd1: {  	v15 =	vadd.f32 v27, v9;
	v9 =	vadd.f32 v19, v11;
	v11 =	vld [tilespmem:$0x1FFC0]  }
0xd2: {  	v25 =	vld [tilespmem:$0x1FFE0]  }
0xd3: {  	v13 =	vmul.f32 v17, v21;
	v10 =	vadd.f32 v26, v10  }
0xd4: {  	v14 =	vld.idx.msk [tilespmem:v7+s19+$0x0], $0xffff;
	v8 =	vor.u32 $0x6, v63  }
0xd5: {  	v10 =	vadd.f32 v13, v10;
	v13 =	vmul.f32 v18, v22  }
0xd6: {  	v17 =	vld.idx.msk [tilespmem:v7+s20+$0x0], $0xffff;
	v11 =	vmul.f32 v16, v11  }
0xd7: {  	v13 =	vadd.f32 v13, v15;
	v15 =	vmul.f32 v16, v25;
	v18 =	vmul.f32 v18, v23  }
0xd8: {  	v11 =	vadd.f32 v11, v9;
	v9 =	vor.u32 $0x7, v63  }
0xd9: {  	v27 =	vmul.f32 v14, v35;
	v13 =	vadd.f32 v15, v13;
	v10 =	vadd.f32 v18, v10;
	v18 =	vld.idx.msk [tilespmem:v8+s19+$0x0], $0xffff  }
0xda: {  	v24 =	vmul.f32 v14, v33;
	v16 =	vmul.f32 v16, v32  }
0xdb: {  	v26 =	vmul.f32 v17, v34;
	v22 =	vmul.f32 v17, v36;
	v13 =	vadd.f32 v27, v13;
	v20 =	vld.idx.msk [tilespmem:v8+s20+$0x0], $0xffff  }
0xdc: {  	v16 =	vadd.f32 v16, v10;
	v10 =	vor.u32 $0x8, v63;
	v11 =	vadd.f32 v24, v11  }
0xdd: {  	v14 =	vmul.f32 v14, v37;
	v13 =	vadd.f32 v22, v13;
	v19 =	vld.idx.msk [tilespmem:v9+s19+$0x0], $0xffff  }
0xde: {  	v21 =	vmul.f32 v18, v41;
	v24 =	vmul.f32 v18, v39;
	v11 =	vadd.f32 v26, v11  }
0xdf: {  	v23 =	vmul.f32 v17, v38;
	v14 =	vadd.f32 v14, v16;
	v18 =	vmul.f32 v18, v43;
	v15 =	vld.idx.msk [tilespmem:v9+s20+$0x0], $0xffff  }
0xe0: {  	v13 =	vadd.f32 v21, v13;
	v26 =	vmul.f32 v20, v40;
	v25 =	vadd.f32 v24, v11  }
0xe1: {  	v14 =	vadd.f32 v23, v14;
	v22 =	vld.idx.msk [tilespmem:v10+s19+$0x0], $0xffff;
	v11 =	vor.u32 $0x9, v63;
	v24 =	vmul.f32 v20, v42  }
0xe2: {  	v16 =	vadd.f32 v26, v25;
	v27 =	vmul.f32 v19, v45  }
0xe3: {  	v14 =	vadd.f32 v18, v14;
	v25 =	vmul.f32 v20, v44;
	v20 =	vld.idx.msk [tilespmem:v10+s20+$0x0], $0xffff;
	v13 =	vadd.f32 v24, v13  }
0xe4: {  	v26 =	vmul.f32 v15, v46;
	v16 =	vadd.f32 v27, v16;
	v27 =	vmul.f32 v19, v47  }
0xe5: {  	v14 =	vadd.f32 v25, v14;
	v24 =	vmul.f32 v19, v49;
	v25 =	vmul.f32 v15, v48  }
0xe6: {  	v18 =	vld.idx.msk [tilespmem:v11+s19+$0x0], $0xffff;
	v16 =	vadd.f32 v26, v16;
	v13 =	vadd.f32 v27, v13;
	v26 =	vmul.f32 v22, v51  }
0xe7: {  	v15 =	vmul.f32 v15, v50;
	v17 =	vld.idx.msk [tilespmem:v11+s20+$0x0], $0xffff;
	v14 =	vadd.f32 v24, v14;
	v24 =	vmul.f32 v22, v53  }
0xe8: {  	v27 =	vmul.f32 v20, v52;
	v13 =	vadd.f32 v25, v13;
	v16 =	vadd.f32 v26, v16  }
0xe9: {  	v12 =	vshll.u32 v12, $0x3;
	v14 =	vadd.f32 v15, v14;
	v25 =	vmul.f32 v22, v55  }
0xea: {  	v16 =	vadd.f32 v27, v16;
	v13 =	vadd.f32 v24, v13;
	v27 =	vmul.f32 v20, v54  }
0xeb: {  	v26 =	vmul.f32 v18, v57;
	v14 =	vadd.f32 v25, v14;
	v20 =	vmul.f32 v20, v56  }
0xec: {  	v22 =	vmul.f32 v17, v58;
	v23 =	vmul.f32 v18, v59;
	v13 =	vadd.f32 v27, v13  }
0xed: {  	v18 =	vmul.f32 v18, v61;
	v16 =	vadd.f32 v26, v16;
	v14 =	vadd.f32 v20, v14  }
0xee: {  	v24 =	vmul.f32 v17, v60;
	v17 =	vmul.f32 v17, v62;
	v13 =	vadd.f32 v23, v13  }
0xef: {  	s23 =	sadd.s32 $0x1, s23;
	v25 =	vor.u32 $0x1, v12;
	v16 =	vadd.f32 v22, v16;
	v14 =	vadd.f32 v18, v14  }
0xf0: {  	p0 =	sne.s32 s23, $0x8;
	v26 =	vor.u32 $0x2, v12;
	v13 =	vadd.f32 v24, v13  }
.Ltmp1:
0xf1: {  	v14 =	vadd.f32 v17, v14;
	v16 =	vmul.f32 $4.999999890e-03, v16;
	(pc) =	sbr.rel @p0 .LBB2_2-.Ltmp1, $4  }
0xf2: {  	v13 =	vmul.f32 $4.999999890e-03, v13  }
0xf3: {  	[tilespmem:v12+s21+$0x0] =	vst.idx.msk $0xffff, v16;
	v27 =	vmul.f32 $4.999999890e-03, v14  }
0xf4: {  	[tilespmem:v25+s21+$0x0] =	vst.idx.msk $0xffff, v13  }
0xf5: {  	[tilespmem:v26+s21+$0x0] =	vst.idx.msk $0xffff, v27  }
0xf6: {  	s23 =	simm.s32 $0x0  }
0xf7: {  	[tilespmem:s23], [sflag:$0x1] =	stream.linear.gather [hbm4b:s7+s23], $0x6400, $0x38;
	[tilespmem:$0xDA40] =	vst v63  }
0xf8: {  	_ =	swait.ge [sflag:s16], $0x6400  }
0xf9: {  	[sflag:s16] =	ssyncset.done $0x0  }
0xfa: {  	[sflag:s16] =	ssyncadd.s32 $0xFFFF9C00  }
0xfb: {  	[tilespmem:s18], [sflag:$0x1] =	stream.linear.gather [hbm4b:s8+s23], $0x6400, $0x38;
	[tilespmem:$0xDA40] =	vst v63  }
0xfc: {  	_ =	swait.ge [sflag:s16], $0x6400  }
0xfd: {  	[sflag:s16] =	ssyncset.done $0x0  }
0xfe: {  	[sflag:s16] =	ssyncadd.s32 $0xFFFF9C00  }
.LBB2_6:
0xff: {  	[tilespmem:$0xC840] =	vst v1  }
0x100: {  	[tilespmem:$0xC940] =	vst v1  }
0x101: {  	[tilespmem:$0xC850] =	vst v1  }
0x102: {  	[tilespmem:$0xC950] =	vst v1  }
0x103: {  	[tilespmem:$0xC860] =	vst v1  }
0x104: {  	[tilespmem:$0xC960] =	vst v1  }
0x105: {  	[tilespmem:$0xC870] =	vst v1  }
0x106: {  	[tilespmem:$0xC970] =	vst v1  }
0x107: {  	[tilespmem:$0xC880] =	vst v1  }
0x108: {  	[tilespmem:$0xC980] =	vst v1  }
0x109: {  	[tilespmem:$0xC890] =	vst v1  }
0x10a: {  	[tilespmem:$0xC990] =	vst v1  }
0x10b: {  	[tilespmem:$0xC8A0] =	vst v1  }
0x10c: {  	[tilespmem:$0xC9A0] =	vst v1  }
0x10d: {  	[tilespmem:$0xC8B0] =	vst v1  }
0x10e: {  	[tilespmem:$0xC9B0] =	vst v1  }
0x10f: {  	[tilespmem:$0xC8C0] =	vst v1  }
0x110: {  	[tilespmem:$0xC9C0] =	vst v1  }
0x111: {  	[tilespmem:$0xC8D0] =	vst v1  }
0x112: {  	[tilespmem:$0xC9D0] =	vst v1  }
0x113: {  	[tilespmem:$0xC8E0] =	vst v1  }
0x114: {  	[tilespmem:$0xC9E0] =	vst v1  }
0x115: {  	[tilespmem:$0xC8F0] =	vst v1  }
0x116: {  	[tilespmem:$0xC9F0] =	vst v1  }
0x117: {  	[tilespmem:$0xC900] =	vst v1  }
0x118: {  	[tilespmem:$0xCA00] =	vst v1  }
0x119: {  	[tilespmem:$0xC910] =	vst v1  }
0x11a: {  	[tilespmem:$0xCA10] =	vst v1  }
0x11b: {  	[tilespmem:$0xC920] =	vst v1  }
0x11c: {  	s24 =	sshll.u32 s23, $0x4;
	[tilespmem:$0xCA20] =	vst v1  }
0x11d: {  	[tilespmem:$0xC930] =	vst v1;
	v12 =	vmov s24  }
0x11e: {  	[tilespmem:$0xCA30] =	vst v1;
	s25 =	simm.s32 $0x0;
	v20 =	vmul.u32 $0xC8, v12  }
.LBB2_7:
0x11f: {  	v12 =	vmov s25  }
0x120: {  	v12 =	vshrl.u32 v12, $0x3  }
0x121: {  	v12 =	vshll.u32 v12, $0x3  }
0x122: {  	v12 =	vadd.s32 v20, v12  }
0x123: {  	v21 =	vbroadcast v12, $0x0;
	v12 =	vmul.u32 $0xC8, v0;
	_ =	sdelay $0x1  }
0x124: {  	v13 =	vadd.s32 v12, v21;
	_ =	sdelay $0x4  }
0x125: {  	v14 =	vld.idx.msk [tilespmem:v13+s3+$0x0], $0xffff  }
0x126: {  	v13 =	vld.idx.msk [tilespmem:v13+s18+$0x0], $0xffff;
	_ =	sdelay $0x3  }
0x127: {  	v14 =	vadd.s32 v63, v14  }
0x128: {  	v15 =	vadd.s32 v63, v13;
	v13 =	vor.u32 $0x1, v12  }
0x129: {  	v16 =	vadd.s32 v13, v21;
	_ =	sdelay $0x2  }
0x12a: {  	[tilespmem:v14+s19+$0x0] =	vst.idx.add.f32.msk $0xffff, v2  }
0x12b: {  	[tilespmem:v15+s20+$0x0] =	vst.idx.add.f32.msk $0xffff, v2  }
0x12c: {  	v14 =	vld.idx.msk [tilespmem:v16+s3+$0x0], $0xffff  }
0x12d: {  	v15 =	vld.idx.msk [tilespmem:v16+s18+$0x0], $0xffff;
	_ =	sdelay $0x3  }
0x12e: {  	v16 =	vadd.s32 v63, v14  }
0x12f: {  	v15 =	vadd.s32 v63, v15;
	v14 =	vor.u32 $0x2, v12  }
0x130: {  	v17 =	vadd.s32 v14, v21;
	_ =	sdelay $0x2  }
0x131: {  	[tilespmem:v16+s19+$0x0] =	vst.idx.add.f32.msk $0xffff, v2  }
0x132: {  	[tilespmem:v15+s20+$0x0] =	vst.idx.add.f32.msk $0xffff, v2  }
0x133: {  	v15 =	vld.idx.msk [tilespmem:v17+s3+$0x0], $0xffff  }
0x134: {  	v16 =	vld.idx.msk [tilespmem:v17+s18+$0x0], $0xffff;
	_ =	sdelay $0x3  }
0x135: {  	v17 =	vadd.s32 v63, v15  }
0x136: {  	v16 =	vadd.s32 v63, v16;
	v15 =	vor.u32 $0x3, v12  }
0x137: {  	v18 =	vadd.s32 v15, v21;
	_ =	sdelay $0x2  }
0x138: {  	[tilespmem:v17+s19+$0x0] =	vst.idx.add.f32.msk $0xffff, v2  }
0x139: {  	[tilespmem:v16+s20+$0x0] =	vst.idx.add.f32.msk $0xffff, v2  }
0x13a: {  	v16 =	vld.idx.msk [tilespmem:v18+s3+$0x0], $0xffff  }
0x13b: {  	v17 =	vld.idx.msk [tilespmem:v18+s18+$0x0], $0xffff;
	_ =	sdelay $0x3  }
0x13c: {  	v18 =	vadd.s32 v63, v16  }
0x13d: {  	v17 =	vadd.s32 v63, v17;
	v16 =	vor.u32 $0x4, v12  }
0x13e: {  	v19 =	vadd.s32 v16, v21;
	_ =	sdelay $0x2  }
0x13f: {  	[tilespmem:v18+s19+$0x0] =	vst.idx.add.f32.msk $0xffff, v2  }
0x140: {  	[tilespmem:v17+s20+$0x0] =	vst.idx.add.f32.msk $0xffff, v2  }
0x141: {  	v17 =	vld.idx.msk [tilespmem:v19+s3+$0x0], $0xffff  }
0x142: {  	v18 =	vld.idx.msk [tilespmem:v19+s18+$0x0], $0xffff;
	_ =	sdelay $0x3  }
0x143: {  	v19 =	vadd.s32 v63, v17  }
0x144: {  	v18 =	vadd.s32 v63, v18;
	v17 =	vor.u32 $0x5, v12  }
0x145: {  	v22 =	vadd.s32 v17, v21;
	_ =	sdelay $0x2  }
0x146: {  	[tilespmem:v19+s19+$0x0] =	vst.idx.add.f32.msk $0xffff, v2  }
0x147: {  	[tilespmem:v18+s20+$0x0] =	vst.idx.add.f32.msk $0xffff, v2  }
0x148: {  	v18 =	vld.idx.msk [tilespmem:v22+s3+$0x0], $0xffff  }
0x149: {  	v19 =	vld.idx.msk [tilespmem:v22+s18+$0x0], $0xffff;
	_ =	sdelay $0x3  }
0x14a: {  	v22 =	vadd.s32 v63, v18  }
0x14b: {  	v19 =	vadd.s32 v63, v19;
	v18 =	vor.u32 $0x6, v12  }
0x14c: {  	v23 =	vadd.s32 v18, v21;
	_ =	sdelay $0x2  }
0x14d: {  	[tilespmem:v22+s19+$0x0] =	vst.idx.add.f32.msk $0xffff, v2  }
0x14e: {  	[tilespmem:v19+s20+$0x0] =	vst.idx.add.f32.msk $0xffff, v2  }
0x14f: {  	v19 =	vld.idx.msk [tilespmem:v23+s3+$0x0], $0xffff  }
0x150: {  	v22 =	vld.idx.msk [tilespmem:v23+s18+$0x0], $0xffff;
	_ =	sdelay $0x3  }
0x151: {  	v23 =	vadd.s32 v63, v19  }
0x152: {  	v22 =	vadd.s32 v63, v22;
	v19 =	vor.u32 $0x7, v12  }
0x153: {  	v21 =	vadd.s32 v19, v21;
	_ =	sdelay $0x2  }
0x154: {  	[tilespmem:v23+s19+$0x0] =	vst.idx.add.f32.msk $0xffff, v2  }
0x155: {  	[tilespmem:v22+s20+$0x0] =	vst.idx.add.f32.msk $0xffff, v2  }
0x156: {  	v22 =	vld.idx.msk [tilespmem:v21+s3+$0x0], $0xffff  }
0x157: {  	v21 =	vld.idx.msk [tilespmem:v21+s18+$0x0], $0xffff;
	_ =	sdelay $0x3  }
0x158: {  	v22 =	vadd.s32 v63, v22  }
0x159: {  	p0 =	sne.s32 s25, $0xC0;
	v21 =	vadd.s32 v63, v21  }
.Ltmp2:
0x15a: {  	_ = 	snop;
	(pc) =	sbr.rel @p0 .LBB2_7-.Ltmp2, $3  }
0x15b: {  	_ =	sdelay $0x1  }
0x15c: {  	[tilespmem:v22+s19+$0x0] =	vst.idx.add.f32.msk $0xffff, v2  }
0x15d: {  	s25 =	sadd.s32 $0x8, s25;
	[tilespmem:v21+s20+$0x0] =	vst.idx.add.f32.msk $0xffff, v2  }
0x15e: {  	_ =	sdelay $0x3  }
0x15f: {  	v20 =	vld.idx.msk [tilespmem:v63+s19+$0x0], $0xffff  }
0x160: {  	v21 =	vld.idx.msk [tilespmem:v63+s20+$0x0], $0xffff  }
0x161: {  	v24 =	vld [tilespmem:$0x1FE40]  }
0x162: {  	v25 =	vld [tilespmem:$0x1FE50];
	_ =	sdelay $0x2  }
0x163: {  	v22 =	vmul.f32 v20, v30;
	_ =	sdelay $0x1  }
0x164: {  	v24 =	vmul.f32 v21, v24;
	v25 =	vmul.f32 v20, v25;
	v22 =	vadd.f32 $0.0e+00, v22  }
0x165: {  	v28 =	vld [tilespmem:$0x1FE80]  }
0x166: {  	v22 =	vadd.f32 v24, v22;
	v24 =	vadd.f32 $0.0e+00, v25;
	v25 =	vld [tilespmem:$0x1FE60];
	_ =	sdelay $0x2  }
0x167: {  	v27 =	vld [tilespmem:$0x1FE70]  }
0x168: {  	v23 =	vld.idx.msk [tilespmem:v3+s19+$0x0], $0xffff  }
0x169: {  	v25 =	vmul.f32 v21, v25;
	v21 =	vmul.f32 v21, v28;
	v28 =	vld [tilespmem:$0x1FE90];
	_ =	sdelay $0x2  }
0x16a: {  	v20 =	vmul.f32 v20, v27;
	_ =	sdelay $0x1  }
0x16b: {  	v26 =	vld.idx.msk [tilespmem:v3+s20+$0x0], $0xffff;
	v20 =	vadd.f32 $0.0e+00, v20;
	v28 =	vmul.f32 v23, v28  }
0x16c: {  	v24 =	vadd.f32 v25, v24;
	v25 =	vld [tilespmem:$0x1FEB0]  }
0x16d: {  	v20 =	vadd.f32 v21, v20;
	v21 =	vadd.f32 v28, v22;
	v22 =	vld [tilespmem:$0x1FEA0]  }
0x16e: {  	v28 =	vld [tilespmem:$0x1FED0];
	_ =	sdelay $0x2  }
0x16f: {  	v25 =	vmul.f32 v23, v25  }
0x170: {  	v27 =	vld.idx.msk [tilespmem:v4+s19+$0x0], $0xffff;
	v22 =	vmul.f32 v26, v22  }
0x171: {  	v24 =	vadd.f32 v25, v24;
	v25 =	vld [tilespmem:$0x1FEC0];
	v23 =	vmul.f32 v23, v28  }
0x172: {  	v21 =	vadd.f32 v22, v21;
	v22 =	vld [tilespmem:$0x1FEF0]  }
0x173: {  	v20 =	vadd.f32 v23, v20;
	v23 =	vld [tilespmem:$0x1FEE0];
	_ =	sdelay $0x2  }
0x174: {  	v25 =	vmul.f32 v26, v25  }
0x175: {  	v29 =	vld.idx.msk [tilespmem:v4+s20+$0x0], $0xffff;
	v22 =	vmul.f32 v27, v22  }
0x176: {  	v24 =	vadd.f32 v25, v24;
	v25 =	vld [tilespmem:$0x1FF10];
	v23 =	vmul.f32 v26, v23  }
0x177: {  	v21 =	vadd.f32 v22, v21;
	v22 =	vld [tilespmem:$0x1FF00]  }
0x178: {  	v20 =	vadd.f32 v23, v20;
	v23 =	vld [tilespmem:$0x1FF30];
	_ =	sdelay $0x3  }
0x179: {  	v25 =	vmul.f32 v27, v25;
	v22 =	vmul.f32 v29, v22  }
0x17a: {  	v23 =	vmul.f32 v27, v23  }
0x17b: {  	v21 =	vadd.f32 v22, v21;
	v22 =	vadd.f32 v25, v24;
	v24 =	vld [tilespmem:$0x1FF20]  }
0x17c: {  	v20 =	vadd.f32 v23, v20;
	v23 =	vld [tilespmem:$0x1FF40];
	_ =	sdelay $0x2  }
0x17d: {  	v28 =	vld.idx.msk [tilespmem:v5+s19+$0x0], $0xffff  }
0x17e: {  	v26 =	vld.idx.msk [tilespmem:v5+s20+$0x0], $0xffff;
	v24 =	vmul.f32 v29, v24  }
0x17f: {  	v27 =	vld [tilespmem:$0x1FF50];
	v23 =	vmul.f32 v29, v23  }
0x180: {  	v22 =	vadd.f32 v24, v22;
	v24 =	vld [tilespmem:$0x1FF70]  }
0x181: {  	v20 =	vadd.f32 v23, v20;
	v23 =	vld [tilespmem:$0x1FF60];
	_ =	sdelay $0x2  }
0x182: {  	v27 =	vmul.f32 v28, v27  }
0x183: {  	v24 =	vmul.f32 v28, v24  }
0x184: {  	v25 =	vld.idx.msk [tilespmem:v6+s19+$0x0], $0xffff;
	v21 =	vadd.f32 v27, v21;
	v23 =	vmul.f32 v26, v23  }
0x185: {  	v22 =	vadd.f32 v24, v22;
	v24 =	vld [tilespmem:$0x1FF80]  }
0x186: {  	v21 =	vadd.f32 v23, v21;
	v23 =	vld [tilespmem:$0x1FFB0];
	_ =	sdelay $0x3  }
0x187: {  	v27 =	vld [tilespmem:$0x1FF90];
	v24 =	vmul.f32 v26, v24  }
0x188: {  	v29 =	vld.idx.msk [tilespmem:v6+s20+$0x0], $0xffff;
	v23 =	vmul.f32 v25, v23  }
0x189: {  	v22 =	vadd.f32 v24, v22;
	v24 =	vld [tilespmem:$0x1FFA0]  }
0x18a: {  	v21 =	vadd.f32 v23, v21;
	v23 =	vld [tilespmem:$0x1FFC0];
	_ =	sdelay $0x1  }
0x18b: {  	v27 =	vmul.f32 v28, v27;
	_ =	sdelay $0x1  }
0x18c: {  	v20 =	vadd.f32 v27, v20;
	v24 =	vmul.f32 v26, v24  }
0x18d: {  	v23 =	vmul.f32 v29, v23;
	v26 =	vld [tilespmem:$0x1FFD0]  }
0x18e: {  	v20 =	vadd.f32 v24, v20;
	v24 =	vld [tilespmem:$0x1FFF0]  }
0x18f: {  	v21 =	vadd.f32 v23, v21;
	v23 =	vld [tilespmem:$0x1FFE0]  }
0x190: {  	v28 =	vld.idx.msk [tilespmem:v7+s19+$0x0], $0xffff;
	_ =	sdelay $0x1  }
0x191: {  	v27 =	vld.idx.msk [tilespmem:v7+s20+$0x0], $0xffff;
	v26 =	vmul.f32 v25, v26  }
0x192: {  	v24 =	vmul.f32 v25, v24  }
0x193: {  	v22 =	vadd.f32 v26, v22;
	v23 =	vmul.f32 v29, v23;
	v25 =	vld.idx.msk [tilespmem:v8+s19+$0x0], $0xffff  }
0x194: {  	v26 =	vmul.f32 v28, v33;
	v20 =	vadd.f32 v24, v20;
	v24 =	vmul.f32 v29, v32  }
0x195: {  	v22 =	vadd.f32 v23, v22;
	v23 =	vmul.f32 v28, v35;
	v29 =	vld.idx.msk [tilespmem:v8+s20+$0x0], $0xffff  }
0x196: {  	v21 =	vadd.f32 v26, v21;
	v20 =	vadd.f32 v24, v20;
	v24 =	vmul.f32 v27, v34  }
0x197: {  	v26 =	vmul.f32 v28, v37;
	v22 =	vadd.f32 v23, v22;
	v23 =	vmul.f32 v27, v36  }
0x198: {  	v28 =	vld.idx.msk [tilespmem:v9+s19+$0x0], $0xffff;
	v21 =	vadd.f32 v24, v21;
	v24 =	vmul.f32 v25, v39  }
0x199: {  	v22 =	vadd.f32 v23, v22;
	v20 =	vadd.f32 v26, v20;
	v23 =	vmul.f32 v27, v38  }
0x19a: {  	v26 =	vmul.f32 v25, v41;
	v27 =	vld.idx.msk [tilespmem:v9+s20+$0x0], $0xffff;
	v21 =	vadd.f32 v24, v21;
	v24 =	vmul.f32 v29, v40  }
0x19b: {  	v20 =	vadd.f32 v23, v20;
	v23 =	vmul.f32 v25, v43  }
0x19c: {  	v22 =	vadd.f32 v26, v22;
	v25 =	vld.idx.msk [tilespmem:v10+s19+$0x0], $0xffff;
	v21 =	vadd.f32 v24, v21;
	v24 =	vmul.f32 v29, v42  }
0x19d: {  	v26 =	vmul.f32 v28, v45;
	v20 =	vadd.f32 v23, v20;
	v23 =	vmul.f32 v29, v44  }
0x19e: {  	v29 =	vld.idx.msk [tilespmem:v10+s20+$0x0], $0xffff;
	v22 =	vadd.f32 v24, v22;
	v24 =	vmul.f32 v28, v47  }
0x19f: {  	v20 =	vadd.f32 v23, v20;
	v21 =	vadd.f32 v26, v21;
	v23 =	vmul.f32 v27, v46  }
0x1a0: {  	v26 =	vmul.f32 v28, v49;
	v22 =	vadd.f32 v24, v22;
	v24 =	vmul.f32 v27, v48  }
0x1a1: {  	v28 =	vld.idx.msk [tilespmem:v11+s19+$0x0], $0xffff;
	v21 =	vadd.f32 v23, v21;
	v23 =	vmul.f32 v25, v51  }
0x1a2: {  	v20 =	vadd.f32 v26, v20;
	v22 =	vadd.f32 v24, v22;
	v24 =	vmul.f32 v27, v50  }
0x1a3: {  	v26 =	vmul.f32 v25, v53;
	v21 =	vadd.f32 v23, v21;
	v23 =	vmul.f32 v29, v52;
	v27 =	vld.idx.msk [tilespmem:v11+s20+$0x0], $0xffff  }
0x1a4: {  	v20 =	vadd.f32 v24, v20;
	v24 =	vmul.f32 v25, v55  }
0x1a5: {  	v21 =	vadd.f32 v23, v21;
	v22 =	vadd.f32 v26, v22;
	v23 =	vmul.f32 v29, v54  }
0x1a6: {  	v25 =	vmul.f32 v28, v57;
	v20 =	vadd.f32 v24, v20;
	v24 =	vmul.f32 v29, v56  }
0x1a7: {  	v22 =	vadd.f32 v23, v22  }
0x1a8: {  	s24 =	sor.u32 $0x80, s24;
	v21 =	vadd.f32 v25, v21;
	v23 =	vadd.f32 v24, v20;
	v24 =	vmul.f32 v27, v58  }
0x1a9: {  	v26 =	vmov s24;
	v25 =	vmul.f32 v28, v59;
	v20 =	vmul.u32 $0x8, v0  }
0x1aa: {  	v26 =	vshll.u32 v26, $0x3;
	v21 =	vadd.f32 v24, v21;
	v24 =	vmul.f32 v28, v61  }
0x1ab: {  	v22 =	vadd.f32 v25, v22;
	v25 =	vmul.f32 v27, v60;
	v26 =	vor.u32 v20, v26  }
0x1ac: {  	s23 =	sadd.s32 $0x1, s23;
	v23 =	vadd.f32 v24, v23;
	v24 =	vmul.f32 v27, v62;
	v27 =	vor.u32 $0x1, v26  }
0x1ad: {  	p0 =	sne.s32 s23, $0x8;
	v22 =	vadd.f32 v25, v22;
	v25 =	vor.u32 $0x2, v26  }
.Ltmp3:
0x1ae: {  	v21 =	vmul.f32 $4.999999890e-03, v21;
	v23 =	vadd.f32 v24, v23;
	(pc) =	sbr.rel @p0 .LBB2_6-.Ltmp3, $4  }
0x1af: {  	v22 =	vmul.f32 $4.999999890e-03, v22  }
0x1b0: {  	[tilespmem:v26+s21+$0x0] =	vst.idx.msk $0xffff, v21;
	v21 =	vmul.f32 $4.999999890e-03, v23  }
0x1b1: {  	[tilespmem:v27+s21+$0x0] =	vst.idx.msk $0xffff, v22  }
0x1b2: {  	[tilespmem:v25+s21+$0x0] =	vst.idx.msk $0xffff, v21  }
0x1b3: {  	s23 =	simm.s32 $0x0  }
0x1b4: {  	[tilespmem:s23], [sflag:$0x1] =	stream.linear.gather [hbm4b:s9+s23], $0x6400, $0x38;
	[tilespmem:$0xDA40] =	vst v63  }
0x1b5: {  	_ =	swait.ge [sflag:s16], $0x6400  }
0x1b6: {  	[sflag:s16] =	ssyncset.done $0x0  }
0x1b7: {  	[sflag:s16] =	ssyncadd.s32 $0xFFFF9C00  }
0x1b8: {  	[tilespmem:s18], [sflag:$0x1] =	stream.linear.gather [hbm4b:s10+s23], $0x6400, $0x38;
	[tilespmem:$0xDA40] =	vst v63  }
0x1b9: {  	_ =	swait.ge [sflag:s16], $0x6400  }
0x1ba: {  	[sflag:s16] =	ssyncset.done $0x0  }
0x1bb: {  	[sflag:s16] =	ssyncadd.s32 $0xFFFF9C00  }
.LBB2_10:
0x1bc: {  	[tilespmem:$0xC840] =	vst v1  }
0x1bd: {  	[tilespmem:$0xC940] =	vst v1  }
0x1be: {  	[tilespmem:$0xC850] =	vst v1  }
0x1bf: {  	[tilespmem:$0xC950] =	vst v1  }
0x1c0: {  	[tilespmem:$0xC860] =	vst v1  }
0x1c1: {  	[tilespmem:$0xC960] =	vst v1  }
0x1c2: {  	[tilespmem:$0xC870] =	vst v1  }
0x1c3: {  	[tilespmem:$0xC970] =	vst v1  }
0x1c4: {  	[tilespmem:$0xC880] =	vst v1  }
0x1c5: {  	[tilespmem:$0xC980] =	vst v1  }
0x1c6: {  	[tilespmem:$0xC890] =	vst v1  }
0x1c7: {  	[tilespmem:$0xC990] =	vst v1  }
0x1c8: {  	[tilespmem:$0xC8A0] =	vst v1  }
0x1c9: {  	[tilespmem:$0xC9A0] =	vst v1  }
0x1ca: {  	[tilespmem:$0xC8B0] =	vst v1  }
0x1cb: {  	[tilespmem:$0xC9B0] =	vst v1  }
0x1cc: {  	[tilespmem:$0xC8C0] =	vst v1  }
0x1cd: {  	[tilespmem:$0xC9C0] =	vst v1  }
0x1ce: {  	[tilespmem:$0xC8D0] =	vst v1  }
0x1cf: {  	[tilespmem:$0xC9D0] =	vst v1  }
0x1d0: {  	[tilespmem:$0xC8E0] =	vst v1  }
0x1d1: {  	[tilespmem:$0xC9E0] =	vst v1  }
0x1d2: {  	[tilespmem:$0xC8F0] =	vst v1  }
0x1d3: {  	[tilespmem:$0xC9F0] =	vst v1  }
0x1d4: {  	[tilespmem:$0xC900] =	vst v1  }
0x1d5: {  	[tilespmem:$0xCA00] =	vst v1  }
0x1d6: {  	[tilespmem:$0xC910] =	vst v1  }
0x1d7: {  	[tilespmem:$0xCA10] =	vst v1  }
0x1d8: {  	[tilespmem:$0xC920] =	vst v1  }
0x1d9: {  	s24 =	sshll.u32 s23, $0x4;
	[tilespmem:$0xCA20] =	vst v1  }
0x1da: {  	[tilespmem:$0xC930] =	vst v1;
	v21 =	vmov s24  }
0x1db: {  	[tilespmem:$0xCA30] =	vst v1;
	s25 =	simm.s32 $0x0;
	v21 =	vmul.u32 $0xC8, v21  }
.LBB2_11:
0x1dc: {  	v22 =	vmov s25  }
0x1dd: {  	v22 =	vshrl.u32 v22, $0x3  }
0x1de: {  	v22 =	vshll.u32 v22, $0x3  }
0x1df: {  	v22 =	vadd.s32 v21, v22  }
0x1e0: {  	v22 =	vbroadcast v22, $0x0;
	_ =	sdelay $0x1  }
0x1e1: {  	v23 =	vadd.s32 v12, v22;
	_ =	sdelay $0x4  }
0x1e2: {  	v24 =	vld.idx.msk [tilespmem:v23+s3+$0x0], $0xffff  }
0x1e3: {  	v23 =	vld.idx.msk [tilespmem:v23+s18+$0x0], $0xffff;
	_ =	sdelay $0x3  }
0x1e4: {  	v24 =	vadd.s32 v63, v24  }
0x1e5: {  	v23 =	vadd.s32 v63, v23  }
0x1e6: {  	v25 =	vadd.s32 v13, v22;
	_ =	sdelay $0x2  }
0x1e7: {  	[tilespmem:v24+s19+$0x0] =	vst.idx.add.f32.msk $0xffff, v2  }
0x1e8: {  	[tilespmem:v23+s20+$0x0] =	vst.idx.add.f32.msk $0xffff, v2  }
0x1e9: {  	v23 =	vld.idx.msk [tilespmem:v25+s3+$0x0], $0xffff  }
0x1ea: {  	v24 =	vld.idx.msk [tilespmem:v25+s18+$0x0], $0xffff;
	_ =	sdelay $0x3  }
0x1eb: {  	v23 =	vadd.s32 v63, v23  }
0x1ec: {  	v24 =	vadd.s32 v63, v24  }
0x1ed: {  	v25 =	vadd.s32 v14, v22;
	_ =	sdelay $0x2  }
0x1ee: {  	[tilespmem:v23+s19+$0x0] =	vst.idx.add.f32.msk $0xffff, v2  }
0x1ef: {  	[tilespmem:v24+s20+$0x0] =	vst.idx.add.f32.msk $0xffff, v2  }
0x1f0: {  	v23 =	vld.idx.msk [tilespmem:v25+s3+$0x0], $0xffff  }
0x1f1: {  	v24 =	vld.idx.msk [tilespmem:v25+s18+$0x0], $0xffff;
	_ =	sdelay $0x3  }
0x1f2: {  	v23 =	vadd.s32 v63, v23  }
0x1f3: {  	v24 =	vadd.s32 v63, v24  }
0x1f4: {  	v25 =	vadd.s32 v15, v22;
	_ =	sdelay $0x2  }
0x1f5: {  	[tilespmem:v23+s19+$0x0] =	vst.idx.add.f32.msk $0xffff, v2  }
0x1f6: {  	[tilespmem:v24+s20+$0x0] =	vst.idx.add.f32.msk $0xffff, v2  }
0x1f7: {  	v23 =	vld.idx.msk [tilespmem:v25+s3+$0x0], $0xffff  }
0x1f8: {  	v24 =	vld.idx.msk [tilespmem:v25+s18+$0x0], $0xffff;
	_ =	sdelay $0x3  }
0x1f9: {  	v23 =	vadd.s32 v63, v23  }
0x1fa: {  	v24 =	vadd.s32 v63, v24  }
0x1fb: {  	v25 =	vadd.s32 v16, v22;
	_ =	sdelay $0x2  }
0x1fc: {  	[tilespmem:v23+s19+$0x0] =	vst.idx.add.f32.msk $0xffff, v2  }
0x1fd: {  	[tilespmem:v24+s20+$0x0] =	vst.idx.add.f32.msk $0xffff, v2  }
0x1fe: {  	v23 =	vld.idx.msk [tilespmem:v25+s3+$0x0], $0xffff  }
0x1ff: {  	v24 =	vld.idx.msk [tilespmem:v25+s18+$0x0], $0xffff;
	_ =	sdelay $0x3  }
0x200: {  	v23 =	vadd.s32 v63, v23  }
0x201: {  	v24 =	vadd.s32 v63, v24  }
0x202: {  	v25 =	vadd.s32 v17, v22;
	_ =	sdelay $0x2  }
0x203: {  	[tilespmem:v23+s19+$0x0] =	vst.idx.add.f32.msk $0xffff, v2  }
0x204: {  	[tilespmem:v24+s20+$0x0] =	vst.idx.add.f32.msk $0xffff, v2  }
0x205: {  	v23 =	vld.idx.msk [tilespmem:v25+s3+$0x0], $0xffff  }
0x206: {  	v24 =	vld.idx.msk [tilespmem:v25+s18+$0x0], $0xffff;
	_ =	sdelay $0x3  }
0x207: {  	v23 =	vadd.s32 v63, v23  }
0x208: {  	v24 =	vadd.s32 v63, v24  }
0x209: {  	v25 =	vadd.s32 v18, v22;
	_ =	sdelay $0x2  }
0x20a: {  	[tilespmem:v23+s19+$0x0] =	vst.idx.add.f32.msk $0xffff, v2  }
0x20b: {  	[tilespmem:v24+s20+$0x0] =	vst.idx.add.f32.msk $0xffff, v2  }
0x20c: {  	v23 =	vld.idx.msk [tilespmem:v25+s3+$0x0], $0xffff  }
0x20d: {  	v24 =	vld.idx.msk [tilespmem:v25+s18+$0x0], $0xffff;
	_ =	sdelay $0x3  }
0x20e: {  	v23 =	vadd.s32 v63, v23  }
0x20f: {  	v24 =	vadd.s32 v63, v24  }
0x210: {  	v22 =	vadd.s32 v19, v22;
	_ =	sdelay $0x2  }
0x211: {  	[tilespmem:v23+s19+$0x0] =	vst.idx.add.f32.msk $0xffff, v2  }
0x212: {  	[tilespmem:v24+s20+$0x0] =	vst.idx.add.f32.msk $0xffff, v2  }
0x213: {  	v23 =	vld.idx.msk [tilespmem:v22+s3+$0x0], $0xffff  }
0x214: {  	v22 =	vld.idx.msk [tilespmem:v22+s18+$0x0], $0xffff;
	_ =	sdelay $0x3  }
0x215: {  	v23 =	vadd.s32 v63, v23  }
0x216: {  	p0 =	sne.s32 s25, $0xC0;
	v22 =	vadd.s32 v63, v22  }
.Ltmp4:
0x217: {  	_ = 	snop;
	(pc) =	sbr.rel @p0 .LBB2_11-.Ltmp4, $3  }
0x218: {  	_ =	sdelay $0x1  }
0x219: {  	[tilespmem:v23+s19+$0x0] =	vst.idx.add.f32.msk $0xffff, v2  }
0x21a: {  	s25 =	sadd.s32 $0x8, s25;
	[tilespmem:v22+s20+$0x0] =	vst.idx.add.f32.msk $0xffff, v2  }
0x21b: {  	_ =	sdelay $0x3  }
0x21c: {  	v21 =	vld.idx.msk [tilespmem:v63+s19+$0x0], $0xffff  }
0x21d: {  	v22 =	vld.idx.msk [tilespmem:v63+s20+$0x0], $0xffff  }
0x21e: {  	v25 =	vld [tilespmem:$0x1FE40];
	_ =	sdelay $0x2  }
0x21f: {  	v23 =	vmul.f32 v21, v30  }
0x220: {  	v24 =	vld.idx.msk [tilespmem:v3+s19+$0x0], $0xffff  }
0x221: {  	v27 =	vld [tilespmem:$0x1FE50];
	v25 =	vmul.f32 v22, v25;
	v23 =	vadd.f32 $0.0e+00, v23  }
0x222: {  	v28 =	vld [tilespmem:$0x1FE60]  }
0x223: {  	v23 =	vadd.f32 v25, v23;
	v25 =	vld [tilespmem:$0x1FE70]  }
0x224: {  	v29 =	vld [tilespmem:$0x1FE90]  }
0x225: {  	v31 =	vld [tilespmem:$0x1FE80];
	_ =	sdelay $0x2  }
0x226: {  	v27 =	vmul.f32 v21, v27;
	v21 =	vmul.f32 v21, v25  }
0x227: {  	v29 =	vmul.f32 v24, v29  }
0x228: {  	v28 =	vmul.f32 v22, v28;
	v22 =	vmul.f32 v22, v31;
	v21 =	vadd.f32 $0.0e+00, v21  }
0x229: {  	v23 =	vadd.f32 v29, v23;
	v29 =	vld [tilespmem:$0x1FED0]  }
0x22a: {  	v21 =	vadd.f32 v22, v21;
	v22 =	vld [tilespmem:$0x1FEB0];
	_ =	sdelay $0x1  }
0x22b: {  	v27 =	vadd.f32 $0.0e+00, v27  }
0x22c: {  	v26 =	vld.idx.msk [tilespmem:v3+s20+$0x0], $0xffff  }
0x22d: {  	v27 =	vadd.f32 v28, v27;
	v28 =	vld [tilespmem:$0x1FEA0]  }
0x22e: {  	v22 =	vmul.f32 v24, v22;
	v24 =	vmul.f32 v24, v29;
	_ =	sdelay $0x1  }
0x22f: {  	v21 =	vadd.f32 v24, v21;
	v24 =	vld [tilespmem:$0x1FEE0]  }
0x230: {  	v22 =	vadd.f32 v22, v27;
	v27 =	vld [tilespmem:$0x1FEC0]  }
0x231: {  	v28 =	vmul.f32 v26, v28  }
0x232: {  	v25 =	vld.idx.msk [tilespmem:v4+s19+$0x0], $0xffff  }
0x233: {  	v23 =	vadd.f32 v28, v23;
	v28 =	vld [tilespmem:$0x1FEF0]  }
0x234: {  	v31 =	vmov v30;
	v30 =	vld.idx.msk [tilespmem:v4+s20+$0x0], $0xffff;
	v24 =	vmul.f32 v26, v24  }
0x235: {  	v27 =	vmul.f32 v26, v27;
	v26 =	vld [tilespmem:$0x1FF00]  }
0x236: {  	v21 =	vadd.f32 v24, v21;
	v24 =	vld [tilespmem:$0x1FF30];
	_ =	sdelay $0x1  }
0x237: {  	v28 =	vmul.f32 v25, v28;
	_ =	sdelay $0x1  }
0x238: {  	v23 =	vadd.f32 v28, v23;
	v22 =	vadd.f32 v27, v22;
	v27 =	vld [tilespmem:$0x1FF10];
	v26 =	vmul.f32 v30, v26  }
0x239: {  	v24 =	vmul.f32 v25, v24  }
0x23a: {  	v23 =	vadd.f32 v26, v23;
	v26 =	vld [tilespmem:$0x1FF20]  }
0x23b: {  	v21 =	vadd.f32 v24, v21;
	v24 =	vld [tilespmem:$0x1FF40];
	_ =	sdelay $0x1  }
0x23c: {  	v27 =	vmul.f32 v25, v27  }
0x23d: {  	v29 =	vld.idx.msk [tilespmem:v5+s19+$0x0], $0xffff  }
0x23e: {  	v22 =	vadd.f32 v27, v22;
	v27 =	vld [tilespmem:$0x1FF50];
	v26 =	vmul.f32 v30, v26  }
0x23f: {  	v28 =	vld.idx.msk [tilespmem:v5+s20+$0x0], $0xffff;
	v24 =	vmul.f32 v30, v24  }
0x240: {  	v22 =	vadd.f32 v26, v22;
	v26 =	vld [tilespmem:$0x1FF60]  }
0x241: {  	v21 =	vadd.f32 v24, v21;
	v24 =	vld [tilespmem:$0x1FF70];
	_ =	sdelay $0x1  }
0x242: {  	v27 =	vmul.f32 v29, v27;
	_ =	sdelay $0x1  }
0x243: {  	v23 =	vadd.f32 v27, v23;
	v26 =	vmul.f32 v28, v26  }
0x244: {  	v25 =	vld.idx.msk [tilespmem:v6+s19+$0x0], $0xffff;
	v24 =	vmul.f32 v29, v24  }
0x245: {  	v23 =	vadd.f32 v26, v23;
	v26 =	vld [tilespmem:$0x1FFB0]  }
0x246: {  	v22 =	vadd.f32 v24, v22;
	v24 =	vld [tilespmem:$0x1FF80];
	_ =	sdelay $0x3  }
0x247: {  	v27 =	vld [tilespmem:$0x1FF90];
	v26 =	vmul.f32 v25, v26  }
0x248: {  	v30 =	vld.idx.msk [tilespmem:v6+s20+$0x0], $0xffff;
	v24 =	vmul.f32 v28, v24  }
0x249: {  	v23 =	vadd.f32 v26, v23;
	v26 =	vld [tilespmem:$0x1FFC0]  }
0x24a: {  	v22 =	vadd.f32 v24, v22;
	v24 =	vld [tilespmem:$0x1FFD0];
	_ =	sdelay $0x1  }
0x24b: {  	v27 =	vmul.f32 v29, v27;
	_ =	sdelay $0x1  }
0x24c: {  	v21 =	vadd.f32 v27, v21;
	v27 =	vld [tilespmem:$0x1FFA0];
	v26 =	vmul.f32 v30, v26  }
0x24d: {  	v29 =	vld.idx.msk [tilespmem:v7+s19+$0x0], $0xffff;
	v24 =	vmul.f32 v25, v24  }
0x24e: {  	v23 =	vadd.f32 v26, v23;
	v26 =	vld [tilespmem:$0x1FFF0]  }
0x24f: {  	v22 =	vadd.f32 v24, v22;
	v24 =	vld [tilespmem:$0x1FFE0];
	_ =	sdelay $0x1  }
0x250: {  	v27 =	vmul.f32 v28, v27;
	v28 =	vld.idx.msk [tilespmem:v7+s20+$0x0], $0xffff;
	_ =	sdelay $0x1  }
0x251: {  	v21 =	vadd.f32 v27, v21;
	v25 =	vmul.f32 v25, v26;
	v26 =	vld.idx.msk [tilespmem:v8+s19+$0x0], $0xffff  }
0x252: {  	v27 =	vmul.f32 v29, v33;
	v24 =	vmul.f32 v30, v24  }
0x253: {  	v21 =	vadd.f32 v25, v21;
	v25 =	vmul.f32 v30, v32;
	v30 =	vld.idx.msk [tilespmem:v8+s20+$0x0], $0xffff  }
0x254: {  	v23 =	vadd.f32 v27, v23;
	v22 =	vadd.f32 v24, v22;
	v24 =	vmul.f32 v28, v34  }
0x255: {  	v27 =	vmul.f32 v29, v37;
	v21 =	vadd.f32 v25, v21;
	v25 =	vmul.f32 v29, v35  }
0x256: {  	v29 =	vld.idx.msk [tilespmem:v9+s19+$0x0], $0xffff;
	v23 =	vadd.f32 v24, v23;
	v24 =	vmul.f32 v26, v39  }
0x257: {  	v22 =	vadd.f32 v25, v22;
	v25 =	vmul.f32 v28, v36;
	v21 =	vadd.f32 v27, v21  }
0x258: {  	v27 =	vmul.f32 v28, v38;
	v28 =	vld.idx.msk [tilespmem:v9+s20+$0x0], $0xffff;
	v23 =	vadd.f32 v24, v23;
	v24 =	vmul.f32 v30, v40  }
0x259: {  	v22 =	vadd.f32 v25, v22;
	v25 =	vmul.f32 v26, v41  }
0x25a: {  	v21 =	vadd.f32 v27, v21;
	v23 =	vadd.f32 v24, v23;
	v24 =	vmul.f32 v26, v43;
	v26 =	vld.idx.msk [tilespmem:v10+s19+$0x0], $0xffff  }
0x25b: {  	v27 =	vmul.f32 v29, v45;
	v22 =	vadd.f32 v25, v22;
	v25 =	vmul.f32 v30, v42  }
0x25c: {  	v21 =	vadd.f32 v24, v21;
	v24 =	vmul.f32 v30, v44;
	v30 =	vld.idx.msk [tilespmem:v10+s20+$0x0], $0xffff  }
0x25d: {  	v22 =	vadd.f32 v25, v22;
	v23 =	vadd.f32 v27, v23;
	v25 =	vmul.f32 v28, v46  }
0x25e: {  	v27 =	vmul.f32 v29, v49;
	v21 =	vadd.f32 v24, v21;
	v24 =	vmul.f32 v29, v47  }
0x25f: {  	v23 =	vadd.f32 v25, v23;
	v29 =	vld.idx.msk [tilespmem:v11+s19+$0x0], $0xffff;
	v25 =	vmul.f32 v26, v51  }
0x260: {  	v22 =	vadd.f32 v24, v22;
	v24 =	vmul.f32 v28, v48;
	v21 =	vadd.f32 v27, v21  }
0x261: {  	v27 =	vmul.f32 v28, v50;
	v28 =	vld.idx.msk [tilespmem:v11+s20+$0x0], $0xffff;
	v23 =	vadd.f32 v25, v23;
	v25 =	vmul.f32 v30, v52  }
0x262: {  	v22 =	vadd.f32 v24, v22;
	v24 =	vmul.f32 v26, v53  }
0x263: {  	v21 =	vadd.f32 v27, v21;
	v23 =	vadd.f32 v25, v23;
	v25 =	vmul.f32 v26, v55  }
0x264: {  	v26 =	vmul.f32 v29, v57;
	v22 =	vadd.f32 v24, v22;
	v24 =	vmul.f32 v30, v54  }
0x265: {  	v21 =	vadd.f32 v25, v21;
	v25 =	vmul.f32 v30, v56  }
0x266: {  	s24 =	sor.u32 $0x100, s24;
	v23 =	vadd.f32 v26, v23;
	v22 =	vadd.f32 v24, v22;
	v24 =	vmul.f32 v28, v58  }
0x267: {  	v26 =	vmov s24;
	v21 =	vadd.f32 v25, v21;
	v25 =	vmul.f32 v29, v59  }
0x268: {  	v26 =	vshll.u32 v26, $0x3;
	v23 =	vadd.f32 v24, v23;
	v24 =	vmul.f32 v29, v61  }
0x269: {  	v26 =	vor.u32 v20, v26;
	v22 =	vadd.f32 v25, v22;
	v25 =	vmul.f32 v28, v60  }
0x26a: {  	s23 =	sadd.s32 $0x1, s23;
	v27 =	vor.u32 $0x1, v26;
	v21 =	vadd.f32 v24, v21;
	v24 =	vmul.f32 v28, v62  }
0x26b: {  	p0 =	sne.s32 s23, $0x8;
	v22 =	vadd.f32 v25, v22;
	v25 =	vor.u32 $0x2, v26  }
.Ltmp5:
0x26c: {  	v23 =	vmul.f32 $4.999999890e-03, v23;
	v21 =	vadd.f32 v24, v21;
	(pc) =	sbr.rel @p0 .LBB2_10-.Ltmp5, $4  }
0x26d: {  	v22 =	vmul.f32 $4.999999890e-03, v22  }
0x26e: {  	[tilespmem:v26+s21+$0x0] =	vst.idx.msk $0xffff, v23;
	v21 =	vmul.f32 $4.999999890e-03, v21  }
0x26f: {  	[tilespmem:v27+s21+$0x0] =	vst.idx.msk $0xffff, v22  }
0x270: {  	v30 =	vmov v31;
	[tilespmem:v25+s21+$0x0] =	vst.idx.msk $0xffff, v21  }
0x271: {  	s23 =	simm.s32 $0x0  }
0x272: {  	[tilespmem:s23], [sflag:$0x1] =	stream.linear.gather [hbm4b:s11+s23], $0x6400, $0x38;
	[tilespmem:$0xDA40] =	vst v63  }
0x273: {  	_ =	swait.ge [sflag:s16], $0x6400  }
0x274: {  	[sflag:s16] =	ssyncset.done $0x0  }
0x275: {  	[sflag:s16] =	ssyncadd.s32 $0xFFFF9C00  }
0x276: {  	[tilespmem:s18], [sflag:$0x1] =	stream.linear.gather [hbm4b:s12+s23], $0x6400, $0x38;
	[tilespmem:$0xDA40] =	vst v63  }
0x277: {  	_ =	swait.ge [sflag:s16], $0x6400  }
0x278: {  	[sflag:s16] =	ssyncset.done $0x0  }
0x279: {  	[sflag:s16] =	ssyncadd.s32 $0xFFFF9C00  }
.LBB2_14:
0x27a: {  	[tilespmem:$0xC840] =	vst v1  }
0x27b: {  	[tilespmem:$0xC940] =	vst v1  }
0x27c: {  	[tilespmem:$0xC850] =	vst v1  }
0x27d: {  	[tilespmem:$0xC950] =	vst v1  }
0x27e: {  	[tilespmem:$0xC860] =	vst v1  }
0x27f: {  	[tilespmem:$0xC960] =	vst v1  }
0x280: {  	[tilespmem:$0xC870] =	vst v1  }
0x281: {  	[tilespmem:$0xC970] =	vst v1  }
0x282: {  	[tilespmem:$0xC880] =	vst v1  }
0x283: {  	[tilespmem:$0xC980] =	vst v1  }
0x284: {  	[tilespmem:$0xC890] =	vst v1  }
0x285: {  	[tilespmem:$0xC990] =	vst v1  }
0x286: {  	[tilespmem:$0xC8A0] =	vst v1  }
0x287: {  	[tilespmem:$0xC9A0] =	vst v1  }
0x288: {  	[tilespmem:$0xC8B0] =	vst v1  }
0x289: {  	[tilespmem:$0xC9B0] =	vst v1  }
0x28a: {  	[tilespmem:$0xC8C0] =	vst v1  }
0x28b: {  	[tilespmem:$0xC9C0] =	vst v1  }
0x28c: {  	[tilespmem:$0xC8D0] =	vst v1  }
0x28d: {  	[tilespmem:$0xC9D0] =	vst v1  }
0x28e: {  	[tilespmem:$0xC8E0] =	vst v1  }
0x28f: {  	[tilespmem:$0xC9E0] =	vst v1  }
0x290: {  	[tilespmem:$0xC8F0] =	vst v1  }
0x291: {  	[tilespmem:$0xC9F0] =	vst v1  }
0x292: {  	[tilespmem:$0xC900] =	vst v1  }
0x293: {  	[tilespmem:$0xCA00] =	vst v1  }
0x294: {  	[tilespmem:$0xC910] =	vst v1  }
0x295: {  	[tilespmem:$0xCA10] =	vst v1  }
0x296: {  	[tilespmem:$0xC920] =	vst v1  }
0x297: {  	s24 =	sshll.u32 s23, $0x4;
	[tilespmem:$0xCA20] =	vst v1  }
0x298: {  	[tilespmem:$0xC930] =	vst v1;
	v21 =	vmov s24  }
0x299: {  	[tilespmem:$0xCA30] =	vst v1;
	s25 =	simm.s32 $0x0;
	v21 =	vmul.u32 $0xC8, v21  }
.LBB2_15:
0x29a: {  	v22 =	vmov s25  }
0x29b: {  	v22 =	vshrl.u32 v22, $0x3  }
0x29c: {  	v22 =	vshll.u32 v22, $0x3  }
0x29d: {  	v22 =	vadd.s32 v21, v22  }
0x29e: {  	v22 =	vbroadcast v22, $0x0;
	_ =	sdelay $0x1  }
0x29f: {  	v23 =	vadd.s32 v12, v22;
	_ =	sdelay $0x4  }
0x2a0: {  	v24 =	vld.idx.msk [tilespmem:v23+s3+$0x0], $0xffff  }
0x2a1: {  	v23 =	vld.idx.msk [tilespmem:v23+s18+$0x0], $0xffff;
	_ =	sdelay $0x3  }
0x2a2: {  	v24 =	vadd.s32 v63, v24  }
0x2a3: {  	v23 =	vadd.s32 v63, v23  }
0x2a4: {  	v25 =	vadd.s32 v13, v22;
	_ =	sdelay $0x2  }
0x2a5: {  	[tilespmem:v24+s19+$0x0] =	vst.idx.add.f32.msk $0xffff, v2  }
0x2a6: {  	[tilespmem:v23+s20+$0x0] =	vst.idx.add.f32.msk $0xffff, v2  }
0x2a7: {  	v23 =	vld.idx.msk [tilespmem:v25+s3+$0x0], $0xffff  }
0x2a8: {  	v24 =	vld.idx.msk [tilespmem:v25+s18+$0x0], $0xffff;
	_ =	sdelay $0x3  }
0x2a9: {  	v23 =	vadd.s32 v63, v23  }
0x2aa: {  	v24 =	vadd.s32 v63, v24  }
0x2ab: {  	v25 =	vadd.s32 v14, v22;
	_ =	sdelay $0x2  }
0x2ac: {  	[tilespmem:v23+s19+$0x0] =	vst.idx.add.f32.msk $0xffff, v2  }
0x2ad: {  	[tilespmem:v24+s20+$0x0] =	vst.idx.add.f32.msk $0xffff, v2  }
0x2ae: {  	v23 =	vld.idx.msk [tilespmem:v25+s3+$0x0], $0xffff  }
0x2af: {  	v24 =	vld.idx.msk [tilespmem:v25+s18+$0x0], $0xffff;
	_ =	sdelay $0x3  }
0x2b0: {  	v23 =	vadd.s32 v63, v23  }
0x2b1: {  	v24 =	vadd.s32 v63, v24  }
0x2b2: {  	v25 =	vadd.s32 v15, v22;
	_ =	sdelay $0x2  }
0x2b3: {  	[tilespmem:v23+s19+$0x0] =	vst.idx.add.f32.msk $0xffff, v2  }
0x2b4: {  	[tilespmem:v24+s20+$0x0] =	vst.idx.add.f32.msk $0xffff, v2  }
0x2b5: {  	v23 =	vld.idx.msk [tilespmem:v25+s3+$0x0], $0xffff  }
0x2b6: {  	v24 =	vld.idx.msk [tilespmem:v25+s18+$0x0], $0xffff;
	_ =	sdelay $0x3  }
0x2b7: {  	v23 =	vadd.s32 v63, v23  }
0x2b8: {  	v24 =	vadd.s32 v63, v24  }
0x2b9: {  	v25 =	vadd.s32 v16, v22;
	_ =	sdelay $0x2  }
0x2ba: {  	[tilespmem:v23+s19+$0x0] =	vst.idx.add.f32.msk $0xffff, v2  }
0x2bb: {  	[tilespmem:v24+s20+$0x0] =	vst.idx.add.f32.msk $0xffff, v2  }
0x2bc: {  	v23 =	vld.idx.msk [tilespmem:v25+s3+$0x0], $0xffff  }
0x2bd: {  	v24 =	vld.idx.msk [tilespmem:v25+s18+$0x0], $0xffff;
	_ =	sdelay $0x3  }
0x2be: {  	v23 =	vadd.s32 v63, v23  }
0x2bf: {  	v24 =	vadd.s32 v63, v24  }
0x2c0: {  	v25 =	vadd.s32 v17, v22;
	_ =	sdelay $0x2  }
0x2c1: {  	[tilespmem:v23+s19+$0x0] =	vst.idx.add.f32.msk $0xffff, v2  }
0x2c2: {  	[tilespmem:v24+s20+$0x0] =	vst.idx.add.f32.msk $0xffff, v2  }
0x2c3: {  	v23 =	vld.idx.msk [tilespmem:v25+s3+$0x0], $0xffff  }
0x2c4: {  	v24 =	vld.idx.msk [tilespmem:v25+s18+$0x0], $0xffff;
	_ =	sdelay $0x3  }
0x2c5: {  	v23 =	vadd.s32 v63, v23  }
0x2c6: {  	v24 =	vadd.s32 v63, v24  }
0x2c7: {  	v25 =	vadd.s32 v18, v22;
	_ =	sdelay $0x2  }
0x2c8: {  	[tilespmem:v23+s19+$0x0] =	vst.idx.add.f32.msk $0xffff, v2  }
0x2c9: {  	[tilespmem:v24+s20+$0x0] =	vst.idx.add.f32.msk $0xffff, v2  }
0x2ca: {  	v23 =	vld.idx.msk [tilespmem:v25+s3+$0x0], $0xffff  }
0x2cb: {  	v24 =	vld.idx.msk [tilespmem:v25+s18+$0x0], $0xffff;
	_ =	sdelay $0x3  }
0x2cc: {  	v23 =	vadd.s32 v63, v23  }
0x2cd: {  	v24 =	vadd.s32 v63, v24  }
0x2ce: {  	v22 =	vadd.s32 v19, v22;
	_ =	sdelay $0x2  }
0x2cf: {  	[tilespmem:v23+s19+$0x0] =	vst.idx.add.f32.msk $0xffff, v2  }
0x2d0: {  	[tilespmem:v24+s20+$0x0] =	vst.idx.add.f32.msk $0xffff, v2  }
0x2d1: {  	v23 =	vld.idx.msk [tilespmem:v22+s3+$0x0], $0xffff  }
0x2d2: {  	v22 =	vld.idx.msk [tilespmem:v22+s18+$0x0], $0xffff;
	_ =	sdelay $0x3  }
0x2d3: {  	v23 =	vadd.s32 v63, v23  }
0x2d4: {  	p0 =	sne.s32 s25, $0xC0;
	v22 =	vadd.s32 v63, v22  }
.Ltmp6:
0x2d5: {  	_ = 	snop;
	(pc) =	sbr.rel @p0 .LBB2_15-.Ltmp6, $3  }
0x2d6: {  	_ =	sdelay $0x1  }
0x2d7: {  	[tilespmem:v23+s19+$0x0] =	vst.idx.add.f32.msk $0xffff, v2  }
0x2d8: {  	s25 =	sadd.s32 $0x8, s25;
	[tilespmem:v22+s20+$0x0] =	vst.idx.add.f32.msk $0xffff, v2  }
0x2d9: {  	_ =	sdelay $0x3  }
0x2da: {  	v21 =	vld.idx.msk [tilespmem:v63+s19+$0x0], $0xffff  }
0x2db: {  	v22 =	vld.idx.msk [tilespmem:v63+s20+$0x0], $0xffff  }
0x2dc: {  	v25 =	vld [tilespmem:$0x1FE40];
	_ =	sdelay $0x2  }
0x2dd: {  	v23 =	vmul.f32 v21, v30  }
0x2de: {  	v24 =	vld.idx.msk [tilespmem:v3+s19+$0x0], $0xffff  }
0x2df: {  	v27 =	vld [tilespmem:$0x1FE50];
	v25 =	vmul.f32 v22, v25;
	v23 =	vadd.f32 $0.0e+00, v23  }
0x2e0: {  	v28 =	vld [tilespmem:$0x1FE60]  }
0x2e1: {  	v23 =	vadd.f32 v25, v23;
	v25 =	vld [tilespmem:$0x1FE70]  }
0x2e2: {  	v29 =	vld [tilespmem:$0x1FE90]  }
0x2e3: {  	v30 =	vld [tilespmem:$0x1FE80];
	_ =	sdelay $0x2  }
0x2e4: {  	v27 =	vmul.f32 v21, v27;
	v21 =	vmul.f32 v21, v25  }
0x2e5: {  	v29 =	vmul.f32 v24, v29  }
0x2e6: {  	v28 =	vmul.f32 v22, v28;
	v22 =	vmul.f32 v22, v30;
	v21 =	vadd.f32 $0.0e+00, v21  }
0x2e7: {  	v23 =	vadd.f32 v29, v23;
	v29 =	vld [tilespmem:$0x1FED0]  }
0x2e8: {  	v21 =	vadd.f32 v22, v21;
	v22 =	vld [tilespmem:$0x1FEB0];
	_ =	sdelay $0x1  }
0x2e9: {  	v27 =	vadd.f32 $0.0e+00, v27  }
0x2ea: {  	v26 =	vld.idx.msk [tilespmem:v3+s20+$0x0], $0xffff  }
0x2eb: {  	v27 =	vadd.f32 v28, v27;
	v28 =	vld [tilespmem:$0x1FEA0]  }
0x2ec: {  	v22 =	vmul.f32 v24, v22;
	v24 =	vmul.f32 v24, v29;
	_ =	sdelay $0x1  }
0x2ed: {  	v21 =	vadd.f32 v24, v21;
	v24 =	vld [tilespmem:$0x1FEE0]  }
0x2ee: {  	v22 =	vadd.f32 v22, v27;
	v27 =	vld [tilespmem:$0x1FEC0]  }
0x2ef: {  	v28 =	vmul.f32 v26, v28  }
0x2f0: {  	v25 =	vld.idx.msk [tilespmem:v4+s19+$0x0], $0xffff  }
0x2f1: {  	v23 =	vadd.f32 v28, v23;
	v28 =	vld [tilespmem:$0x1FEF0]  }
0x2f2: {  	v30 =	vld.idx.msk [tilespmem:v4+s20+$0x0], $0xffff;
	v24 =	vmul.f32 v26, v24  }
0x2f3: {  	v27 =	vmul.f32 v26, v27;
	v26 =	vld [tilespmem:$0x1FF00]  }
0x2f4: {  	v21 =	vadd.f32 v24, v21;
	v24 =	vld [tilespmem:$0x1FF30];
	_ =	sdelay $0x1  }
0x2f5: {  	v28 =	vmul.f32 v25, v28;
	_ =	sdelay $0x1  }
0x2f6: {  	v23 =	vadd.f32 v28, v23;
	v22 =	vadd.f32 v27, v22;
	v27 =	vld [tilespmem:$0x1FF10];
	v26 =	vmul.f32 v30, v26  }
0x2f7: {  	v24 =	vmul.f32 v25, v24  }
0x2f8: {  	v23 =	vadd.f32 v26, v23;
	v26 =	vld [tilespmem:$0x1FF20]  }
0x2f9: {  	v21 =	vadd.f32 v24, v21;
	v24 =	vld [tilespmem:$0x1FF40];
	_ =	sdelay $0x1  }
0x2fa: {  	v27 =	vmul.f32 v25, v27  }
0x2fb: {  	v29 =	vld.idx.msk [tilespmem:v5+s19+$0x0], $0xffff  }
0x2fc: {  	v22 =	vadd.f32 v27, v22;
	v27 =	vld [tilespmem:$0x1FF50];
	v26 =	vmul.f32 v30, v26  }
0x2fd: {  	v28 =	vld.idx.msk [tilespmem:v5+s20+$0x0], $0xffff;
	v24 =	vmul.f32 v30, v24  }
0x2fe: {  	v22 =	vadd.f32 v26, v22;
	v26 =	vld [tilespmem:$0x1FF60]  }
0x2ff: {  	v21 =	vadd.f32 v24, v21;
	v24 =	vld [tilespmem:$0x1FF70];
	_ =	sdelay $0x1  }
0x300: {  	v27 =	vmul.f32 v29, v27;
	_ =	sdelay $0x1  }
0x301: {  	v23 =	vadd.f32 v27, v23;
	v26 =	vmul.f32 v28, v26  }
0x302: {  	v25 =	vld.idx.msk [tilespmem:v6+s19+$0x0], $0xffff;
	v24 =	vmul.f32 v29, v24  }
0x303: {  	v23 =	vadd.f32 v26, v23;
	v26 =	vld [tilespmem:$0x1FFB0]  }
0x304: {  	v22 =	vadd.f32 v24, v22;
	v24 =	vld [tilespmem:$0x1FF80];
	_ =	sdelay $0x3  }
0x305: {  	v27 =	vld [tilespmem:$0x1FF90];
	v26 =	vmul.f32 v25, v26  }
0x306: {  	v30 =	vld.idx.msk [tilespmem:v6+s20+$0x0], $0xffff;
	v24 =	vmul.f32 v28, v24  }
0x307: {  	v23 =	vadd.f32 v26, v23;
	v26 =	vld [tilespmem:$0x1FFC0]  }
0x308: {  	v22 =	vadd.f32 v24, v22;
	v24 =	vld [tilespmem:$0x1FFD0];
	_ =	sdelay $0x1  }
0x309: {  	v27 =	vmul.f32 v29, v27;
	_ =	sdelay $0x1  }
0x30a: {  	v21 =	vadd.f32 v27, v21;
	v27 =	vld [tilespmem:$0x1FFA0];
	v26 =	vmul.f32 v30, v26  }
0x30b: {  	v29 =	vld.idx.msk [tilespmem:v7+s19+$0x0], $0xffff;
	v24 =	vmul.f32 v25, v24  }
0x30c: {  	v23 =	vadd.f32 v26, v23;
	v26 =	vld [tilespmem:$0x1FFF0]  }
0x30d: {  	v22 =	vadd.f32 v24, v22;
	v24 =	vld [tilespmem:$0x1FFE0];
	_ =	sdelay $0x1  }
0x30e: {  	v27 =	vmul.f32 v28, v27;
	v28 =	vld.idx.msk [tilespmem:v7+s20+$0x0], $0xffff;
	_ =	sdelay $0x1  }
0x30f: {  	v21 =	vadd.f32 v27, v21;
	v25 =	vmul.f32 v25, v26;
	v26 =	vld.idx.msk [tilespmem:v8+s19+$0x0], $0xffff  }
0x310: {  	v27 =	vmul.f32 v29, v33;
	v24 =	vmul.f32 v30, v24  }
0x311: {  	v21 =	vadd.f32 v25, v21;
	v25 =	vmul.f32 v30, v32;
	v30 =	vld.idx.msk [tilespmem:v8+s20+$0x0], $0xffff  }
0x312: {  	v23 =	vadd.f32 v27, v23;
	v22 =	vadd.f32 v24, v22;
	v24 =	vmul.f32 v28, v34  }
0x313: {  	v27 =	vmul.f32 v29, v37;
	v21 =	vadd.f32 v25, v21;
	v25 =	vmul.f32 v29, v35  }
0x314: {  	v29 =	vld.idx.msk [tilespmem:v9+s19+$0x0], $0xffff;
	v23 =	vadd.f32 v24, v23;
	v24 =	vmul.f32 v26, v39  }
0x315: {  	v22 =	vadd.f32 v25, v22;
	v25 =	vmul.f32 v28, v36;
	v21 =	vadd.f32 v27, v21  }
0x316: {  	v27 =	vmul.f32 v28, v38;
	v28 =	vld.idx.msk [tilespmem:v9+s20+$0x0], $0xffff;
	v23 =	vadd.f32 v24, v23;
	v24 =	vmul.f32 v30, v40  }
0x317: {  	v22 =	vadd.f32 v25, v22;
	v25 =	vmul.f32 v26, v41  }
0x318: {  	v21 =	vadd.f32 v27, v21;
	v23 =	vadd.f32 v24, v23;
	v24 =	vmul.f32 v26, v43;
	v26 =	vld.idx.msk [tilespmem:v10+s19+$0x0], $0xffff  }
0x319: {  	v27 =	vmul.f32 v29, v45;
	v22 =	vadd.f32 v25, v22;
	v25 =	vmul.f32 v30, v42  }
0x31a: {  	v21 =	vadd.f32 v24, v21;
	v24 =	vmul.f32 v30, v44;
	v30 =	vld.idx.msk [tilespmem:v10+s20+$0x0], $0xffff  }
0x31b: {  	v22 =	vadd.f32 v25, v22;
	v23 =	vadd.f32 v27, v23;
	v25 =	vmul.f32 v28, v46  }
0x31c: {  	v27 =	vmul.f32 v29, v49;
	v21 =	vadd.f32 v24, v21;
	v24 =	vmul.f32 v29, v47  }
0x31d: {  	v23 =	vadd.f32 v25, v23;
	v29 =	vld.idx.msk [tilespmem:v11+s19+$0x0], $0xffff;
	v25 =	vmul.f32 v26, v51  }
0x31e: {  	v22 =	vadd.f32 v24, v22;
	v24 =	vmul.f32 v28, v48;
	v21 =	vadd.f32 v27, v21  }
0x31f: {  	v27 =	vmul.f32 v28, v50;
	v28 =	vld.idx.msk [tilespmem:v11+s20+$0x0], $0xffff;
	v23 =	vadd.f32 v25, v23;
	v25 =	vmul.f32 v30, v52  }
0x320: {  	v22 =	vadd.f32 v24, v22;
	v24 =	vmul.f32 v26, v53  }
0x321: {  	v21 =	vadd.f32 v27, v21;
	v23 =	vadd.f32 v25, v23;
	v25 =	vmul.f32 v26, v55  }
0x322: {  	v26 =	vmul.f32 v29, v57;
	v22 =	vadd.f32 v24, v22;
	v24 =	vmul.f32 v30, v54  }
0x323: {  	v21 =	vadd.f32 v25, v21;
	v25 =	vmul.f32 v30, v56  }
0x324: {  	s24 =	sor.u32 $0x180, s24;
	v23 =	vadd.f32 v26, v23;
	v22 =	vadd.f32 v24, v22;
	v24 =	vmul.f32 v28, v58  }
0x325: {  	v26 =	vmov s24;
	v21 =	vadd.f32 v25, v21;
	v25 =	vmul.f32 v29, v59  }
0x326: {  	v26 =	vshll.u32 v26, $0x3;
	v23 =	vadd.f32 v24, v23;
	v24 =	vmul.f32 v29, v61  }
0x327: {  	v26 =	vor.u32 v20, v26;
	v22 =	vadd.f32 v25, v22;
	v25 =	vmul.f32 v28, v60  }
0x328: {  	s23 =	sadd.s32 $0x1, s23;
	v27 =	vor.u32 $0x1, v26;
	v21 =	vadd.f32 v24, v21;
	v24 =	vmul.f32 v28, v62  }
0x329: {  	p0 =	sne.s32 s23, $0x8;
	v22 =	vadd.f32 v25, v22;
	v25 =	vor.u32 $0x2, v26  }
.Ltmp7:
0x32a: {  	v23 =	vmul.f32 $4.999999890e-03, v23;
	v21 =	vadd.f32 v24, v21;
	(pc) =	sbr.rel @p0 .LBB2_14-.Ltmp7, $4  }
0x32b: {  	v22 =	vmul.f32 $4.999999890e-03, v22  }
0x32c: {  	[tilespmem:v26+s21+$0x0] =	vst.idx.msk $0xffff, v23;
	v21 =	vmul.f32 $4.999999890e-03, v21  }
0x32d: {  	[tilespmem:v27+s21+$0x0] =	vst.idx.msk $0xffff, v22  }
0x32e: {  	v30 =	vmov v31;
	[tilespmem:v25+s21+$0x0] =	vst.idx.msk $0xffff, v21  }
0x32f: {  	s22 =	sadd.s32 $0x1, s22  }
0x330: {  	p0 =	sne.s32 s22, s14  }
.Ltmp8:
0x331: {  	_ = 	snop;
	(pc) =	sbr.rel @p0 .LBB2_1-.Ltmp8, $4  }
0x332: {  	[hbm4b:s13+s3] =	stream.linear.scatter [tilespmem:s21], [sflag:$0x1], $0x1000, $0x38;
	[tilespmem:$0xDA40] =	vst v63  }
0x333: {  	_ =	swait.ge [sflag:s16], $0x1000  }
0x334: {  	[sflag:s16] =	ssyncset.done $0x0  }
0x335: {  	[sflag:s16] =	ssyncadd.s32 $0xFFFFF000  }
0x336: {  	_ =	sfence.sel $0x180000  }
0x337: {  	[bflag:$0x0] =	sbarrier.arrive $0xFFFF  }
0x338: {  	p0 =	sne.s32 s1, $0x0;
	_ =	strace $0x90000047  }
0x339: {  	s0 =	sadd.s32 @!p0 $0x100000, s0;
	[bflag:$0x2] =	sbarrier.arrive $0xFFFF  }
0x33a: {  	[sflag:s0] =	ssyncadd.tile.s32 @!p0 $0x1;
	_ =	shalt  }
.Lfunc_end2:
_tile_overlayer_lowered:
.L_overlay_start_2:
0x33b: {  	(tag) =	ssettag $0x2  }
0x33c: {  	s0 =	rddreg [dreg:$0x0];
	s2 =	stileid.u32  }
0x33d: {  	s1 =	rddreg [dreg:$0x1];
	p0 =	sne.s32 s2, $0x0  }
0x33e: {  	s3 =	rddreg [dreg:$0x2];
	[bflag:$0x3] =	sbarrier.arrive $0xFFFF;
	s2 =	simm.s32 @!p0 $0x1C01  }
0x33f: {  	[timem:s3], [sflag:s2] =	dma.local @!p0 [hbm:s0], s1  }
0x340: {  	s0 =	simm.s32 @!p0 $0x1  }
0x341: {  	_ =	swait.ge @!p0 [sflag:s0], s1  }
0x342: {  	s1 =	ssub.s32 @!p0 $0x0, s1;
	[sflag:s0] =	ssyncset.done @!p0 $0x0  }
0x343: {  	[sflag:s0] =	ssyncadd.s32 @!p0 s1  }
0x344: {  	[bflag:$0x3] =	sbarrier.arrive $0xFFFF  }
0x345: {  	_ =	shalt  }

</sc_bundles>
